<compile_context>
chip_gen: v7x
topology: tpu7x:2x2x1
jax: 0.10.2.dev20260603
libtpu: 0.0.44.dev20260713+nightly
codegen_flags: <defaults>
</compile_context>

<pallas_src>
import functools

import jax
import jax.numpy as jnp
import numpy as np
from jax import lax
from jax.experimental import pallas as pl
from jax.experimental.pallas import tpu as pltpu
from jax.experimental.pallas import tpu_sc as plsc

B = 2
N = 10000
E = 160000
C = 16
NC = 2
NS = 16
NW = NC * NS

_G_PER_W = 2 * E // NW
_G_CHUNK = 2000
_G_NCH = _G_PER_W // _G_CHUNK


def _k1_body(x2_hbm, idx2_hbm, out_hbm,
             idxb0, idxb1, rows0, rows1, si0, si1, sg0, sg1, ss0, ss1):
    c = lax.axis_index("c")
    s = lax.axis_index("s")
    wid = c * NS + s
    base0 = wid * _G_PER_W
    idxb = (idxb0, idxb1)
    rows = (rows0, rows1)
    si = (si0, si1)
    sg = (sg0, sg1)
    ss = (ss0, ss1)

    idx_d = [None] * _G_NCH
    st_d = [None] * _G_NCH
    idx_d[0] = pltpu.async_copy(idx2_hbm.at[pl.ds(base0, _G_CHUNK)], idxb[0], si[0])
    for k in range(_G_NCH):
        b = k % 2
        idx_d[k].wait()
        if k >= 2:
            st_d[k - 2].wait()
        g_d = pltpu.async_copy(x2_hbm.at[idxb[b]], rows[b], sg[b])
        if k + 1 < _G_NCH:
            idx_d[k + 1] = pltpu.async_copy(
                idx2_hbm.at[pl.ds(base0 + (k + 1) * _G_CHUNK, _G_CHUNK)],
                idxb[1 - b], si[1 - b])
        g_d.wait()
        st_d[k] = pltpu.async_copy(
            rows[b], out_hbm.at[pl.ds(base0 + k * _G_CHUNK, _G_CHUNK)], ss[b])
    st_d[_G_NCH - 2].wait()
    st_d[_G_NCH - 1].wait()


@functools.cache
def _k1():
    return pl.kernel(
        _k1_body,
        out_type=jax.ShapeDtypeStruct((2 * E, C), jnp.float32),
        mesh=plsc.VectorSubcoreMesh(core_axis_name="c", subcore_axis_name="s",
                                    num_cores=NC, num_subcores=NS),
        scratch_types=[
            pltpu.VMEM((_G_CHUNK,), jnp.int32),
            pltpu.VMEM((_G_CHUNK,), jnp.int32),
            pltpu.VMEM((_G_CHUNK, C), jnp.float32),
            pltpu.VMEM((_G_CHUNK, C), jnp.float32),
            pltpu.SemaphoreType.DMA,
            pltpu.SemaphoreType.DMA,
            pltpu.SemaphoreType.DMA,
            pltpu.SemaphoreType.DMA,
            pltpu.SemaphoreType.DMA,
            pltpu.SemaphoreType.DMA,
        ],
        compiler_params=pltpu.CompilerParams(use_tc_tiling_on_sc=False, skip_device_barrier=True),
    )


_BE = 6400


def _k2_body(src_ref, ea_ref, sh_ref, wr_ref, a_ref, w1_ref, b1_ref,
             w2_ref, b2_ref, rm_ref, out_ref):
    f32 = jnp.float32
    wsum = wr_ref[0:16, :] + wr_ref[16:32, :]
    ea = jnp.transpose(ea_ref[...])
    h = jnp.maximum(
        jnp.dot(ea, w1_ref[...], preferred_element_type=f32)
        + b1_ref[...], 0.0)
    g = jnp.dot(h, w2_ref[...], preferred_element_type=f32) + b2_ref[...]
    shn = jnp.transpose(sh_ref[...]) * 0.25
    wa = jnp.dot(wsum, a_ref[...], preferred_element_type=f32)
    parts = []
    for b in range(B):
        sa = jnp.dot(src_ref[b], wa, preferred_element_type=f32)
        m = jnp.dot(sa * g, rm_ref[...], preferred_element_type=f32) * shn
        parts.append(m)
    parts.append(jnp.ones((_BE, C), f32))
    out_ref[...] = jnp.concatenate(parts, axis=1)


def _k2_call(srcg3, edge_attr_t, edge_sh_t, wr2, a_mat, w1, b1, w2, b2, rm):
    grid = (E // _BE,)
    full = lambda shape: pl.BlockSpec(shape, lambda i: tuple(0 for _ in shape))
    return pl.pallas_call(
        _k2_body,
        grid=grid,
        in_specs=[
            pl.BlockSpec((B, _BE, C), lambda i: (0, i, 0)),
            pl.BlockSpec((C, _BE), lambda i: (0, i)),
            pl.BlockSpec((1, _BE), lambda i: (0, i)),
            full((32, 16)),
            full((16, 256)),
            full((16, 16)),
            full((1, 16)),
            full((16, 256)),
            full((1, 256)),
            full((256, 16)),
        ],
        out_specs=pl.BlockSpec((_BE, 3 * C), lambda i: (i, 0)),
        out_shape=jax.ShapeDtypeStruct((E, 3 * C), jnp.float32),
    )(srcg3, edge_attr_t, edge_sh_t, wr2, a_mat, w1, b1, w2, b2, rm)


_S_PER_W = E // NW
_S_CHUNK = 200
_S_NCH = _S_PER_W // _S_CHUNK
_ROWS_MAIN = 624
_ROWS_LAST_EXTRA = N - NS * _ROWS_MAIN
_ZROWS = 312


def _k3_body(msg_hbm, dst_hbm, out_hbm,
             idxb0, idxb1, mb0, mb1, zbuf, acc,
             si0, si1, sm0, sm1, sa0, sa1):
    c = lax.axis_index("c")
    s = lax.axis_index("s")
    wid = c * NS + s
    base0 = wid * _S_PER_W
    idxb = (idxb0, idxb1)
    mb = (mb0, mb1)
    si = (si0, si1)
    sm = (sm0, sm1)
    sa = (sa0, sa1)

    def zstore(i, carry):
        r = i // 3
        col = i % 3
        zbuf[r, pl.ds(col * 16, 16)] = jnp.zeros((16,), jnp.float32)
        return carry

    lax.fori_loop(0, _ZROWS * 3, zstore, 0)
    for j in range(_ROWS_MAIN // _ZROWS):
        pltpu.sync_copy(zbuf, acc.at[pl.ds(s * _ROWS_MAIN + j * _ZROWS, _ZROWS)])

    @pl.when(s == NS - 1)
    def _():
        pltpu.sync_copy(zbuf.at[pl.ds(0, _ROWS_LAST_EXTRA)],
                        acc.at[pl.ds(NS * _ROWS_MAIN, _ROWS_LAST_EXTRA)])

    plsc.subcore_barrier()

    ld_i = [None] * _S_NCH
    ld_m = [None] * _S_NCH
    sc_d = [None] * _S_NCH
    ld_i[0] = pltpu.async_copy(dst_hbm.at[pl.ds(base0, _S_CHUNK)], idxb[0], si[0])
    ld_m[0] = pltpu.async_copy(msg_hbm.at[pl.ds(base0, _S_CHUNK)], mb[0], sm[0])
    for k in range(_S_NCH):
        b = k % 2
        ld_i[k].wait()
        ld_m[k].wait()
        sc_d[k] = pltpu.async_copy(mb[b], acc.at[idxb[b]], sa[b], add=True)
        if k + 1 < _S_NCH:
            if k >= 1:
                sc_d[k - 1].wait()
            nb = wid * _S_PER_W + (k + 1) * _S_CHUNK
            ld_i[k + 1] = pltpu.async_copy(dst_hbm.at[pl.ds(nb, _S_CHUNK)],
                                           idxb[1 - b], si[1 - b])
            ld_m[k + 1] = pltpu.async_copy(msg_hbm.at[pl.ds(nb, _S_CHUNK)],
                                           mb[1 - b], sm[1 - b])
    if _S_NCH >= 2:
        sc_d[_S_NCH - 2].wait()
    sc_d[_S_NCH - 1].wait()
    plsc.subcore_barrier()
    pltpu.sync_copy(acc.at[pl.ds(s * _ROWS_MAIN, _ROWS_MAIN)],
                    out_hbm.at[c].at[pl.ds(s * _ROWS_MAIN, _ROWS_MAIN)])

    @pl.when(s == NS - 1)
    def _():
        pltpu.sync_copy(acc.at[pl.ds(NS * _ROWS_MAIN, _ROWS_LAST_EXTRA)],
                        out_hbm.at[c].at[pl.ds(NS * _ROWS_MAIN, _ROWS_LAST_EXTRA)])


@functools.cache
def _k3():
    return pl.kernel(
        _k3_body,
        out_type=jax.ShapeDtypeStruct((NC, N, 3 * C), jnp.float32),
        mesh=plsc.VectorSubcoreMesh(core_axis_name="c", subcore_axis_name="s",
                                    num_cores=NC, num_subcores=NS),
        scratch_types=[
            pltpu.VMEM((_S_CHUNK,), jnp.int32),
            pltpu.VMEM((_S_CHUNK,), jnp.int32),
            pltpu.VMEM((_S_CHUNK, 3 * C), jnp.float32),
            pltpu.VMEM((_S_CHUNK, 3 * C), jnp.float32),
            pltpu.VMEM((_ZROWS, 3 * C), jnp.float32),
            pltpu.VMEM_SHARED((N, 3 * C), jnp.float32),
            pltpu.SemaphoreType.DMA,
            pltpu.SemaphoreType.DMA,
            pltpu.SemaphoreType.DMA,
            pltpu.SemaphoreType.DMA,
            pltpu.SemaphoreType.DMA,
            pltpu.SemaphoreType.DMA,
        ],
        compiler_params=pltpu.CompilerParams(use_tc_tiling_on_sc=False, skip_device_barrier=True),
    )


def _k4_body(p_ref, g_ref, bt_ref, o_ref):
    p = p_ref[0] + p_ref[1]
    cnt = p[:, 32:33]
    r = 1.0 / jnp.maximum(cnt, 1.0)
    pre0 = p[:, 0:16] * r
    pre1 = p[:, 16:32] * r
    n2 = float(2 * N)
    mean = (jnp.sum(pre0, axis=0, keepdims=True)
            + jnp.sum(pre1, axis=0, keepdims=True)) / n2
    msq = (jnp.sum(pre0 * pre0, axis=0, keepdims=True)
           + jnp.sum(pre1 * pre1, axis=0, keepdims=True)) / n2
    var = msq - mean * mean
    inv = lax.rsqrt(var + 1e-5) * g_ref[...]
    o_ref[0] = (pre0 - mean) * inv + bt_ref[...]
    o_ref[1] = (pre1 - mean) * inv + bt_ref[...]


def _k4_call(partial, gamma, beta):
    return pl.pallas_call(
        _k4_body,
        out_shape=jax.ShapeDtypeStruct((B, N, C), jnp.float32),
    )(partial, gamma, beta)


_A_NP = np.zeros((16, 256), np.float32)
_R_NP = np.zeros((256, 16), np.float32)
for _i in range(16):
    for _o in range(16):
        _A_NP[_i, _i * 16 + _o] = 1.0
        _R_NP[_i * 16 + _o, _o] = 1.0


@jax.jit
def kernel(x, edge_index, edge_attr, edge_sh, tc_w_r, tc_w_i,
           mlp_w1, mlp_b1, mlp_w2, mlp_b2, bn_gamma, bn_beta):
    src_idx = edge_index[0].astype(jnp.int32)
    dst_idx = edge_index[1].astype(jnp.int32)
    x2 = x.reshape(B * N, C)
    idx2 = jnp.concatenate([src_idx, src_idx + N])

    srcg = _k1()(x2, idx2)

    wr2 = jnp.transpose(tc_w_r, (2, 0, 1)).reshape(32, 16)
    msg48 = _k2_call(
        srcg.reshape(B, E, C), edge_attr.T, edge_sh.T, wr2,
        jnp.asarray(_A_NP), mlp_w1, mlp_b1[None, :], mlp_w2,
        mlp_b2[None, :], jnp.asarray(_R_NP))

    partial = _k3()(msg48, dst_idx)

    return _k4_call(partial, bn_gamma[None, :], bn_beta[None, :])

# --- scband reference (transcript-rebuilt; emitter-appended) ---
"""Pipeline reference for scband-simplified-time-equiv-conv-layer-68487548502116 (READ-ONLY COPY).

The authoritative reference and input builder live on the scoring server;
editing this copy changes nothing except your own understanding.
"""

import jax, jax.numpy as jnp
import numpy as np

B = 2
N_NODES = 10000
E_EDGES = 160000
C_IN = 16
C_OUT = 16
D_EDGE = 16
MODES = 2


def setup_inputs(seed: int = 0) -> dict:
    key = jax.random.key(seed)
    ks = jax.random.split(key, 10)
    x = jax.random.normal(ks[0], (B, N_NODES, C_IN), dtype=jnp.float32)
    edge_index = jax.random.randint(ks[1], (2, E_EDGES), 0, N_NODES)
    edge_attr = jax.random.normal(ks[2], (E_EDGES, D_EDGE), dtype=jnp.float32)
    edge_sh = jax.random.normal(ks[3], (E_EDGES, 1), dtype=jnp.float32)
    scale = 1.0 / (C_IN * C_OUT)
    tc_w_r = scale * jax.random.uniform(ks[4], (C_IN, C_OUT, MODES), dtype=jnp.float32)
    tc_w_i = scale * jax.random.uniform(ks[5], (C_IN, C_OUT, MODES), dtype=jnp.float32)
    mlp_w1 = jax.random.normal(ks[6], (D_EDGE, D_EDGE), dtype=jnp.float32) / np.sqrt(D_EDGE)
    mlp_b1 = jnp.zeros((D_EDGE,), dtype=jnp.float32)
    mlp_w2 = jax.random.normal(ks[7], (D_EDGE, C_IN * C_OUT), dtype=jnp.float32) / np.sqrt(D_EDGE)
    mlp_b2 = jnp.zeros((C_IN * C_OUT,), dtype=jnp.float32)
    bn_gamma = jnp.ones((C_OUT,), dtype=jnp.float32)
    bn_beta = jnp.zeros((C_OUT,), dtype=jnp.float32)
    return {"x": x, "edge_index": edge_index, "edge_attr": edge_attr, "edge_sh": edge_sh,
            "tc_w_r": tc_w_r, "tc_w_i": tc_w_i, "mlp_w1": mlp_w1, "mlp_b1": mlp_b1,
            "mlp_w2": mlp_w2, "mlp_b2": mlp_b2, "bn_gamma": bn_gamma, "bn_beta": bn_beta}


def reference(x, edge_index, edge_attr, edge_sh, tc_w_r, tc_w_i,
              mlp_w1, mlp_b1, mlp_w2, mlp_b2, bn_gamma, bn_beta):
    Bv, Nv, Cv = x.shape
    # ---- SimplifiedSpectralConv1d on (all-scalar) channels, FFT along batch/time dim ----
    n_fft = min(8, Bv)
    x_ft = jnp.fft.rfft(x, n=n_fft, axis=0)  # complex64, (n_fft//2+1, N, C_in)
    w_c = (tc_w_r + 1j * tc_w_i).astype(jnp.complex64)
    out_ft = jnp.zeros((x_ft.shape[0], Nv, C_OUT), dtype=jnp.complex64)
    out_ft = out_ft.at[:MODES].set(jnp.einsum('bni,iom->bno', x_ft[:MODES], w_c))
    x_t = jnp.fft.irfft(out_ft, n=n_fft, axis=0).astype(jnp.float32)
    if x_t.shape[0] < Bv:
        x_t = jnp.pad(x_t, ((0, Bv - x_t.shape[0]), (0, 0), (0, 0)))
    x = x_t[:Bv]
    # ---- edge MLP -> per-edge TP weights (dropout p=0 -> identity) ----
    src_idx = edge_index[0]
    dst_idx = edge_index[1]
    Ev = edge_attr.shape[0]
    h = jax.nn.relu(edge_attr @ mlp_w1 + mlp_b1)
    edge_w = (h @ mlp_w2 + mlp_b2).reshape(Ev, C_IN, C_OUT)
    # FullyConnectedTensorProduct 16x0e x 1x0e -> 16x0e, path norm 1/sqrt(fan_in)
    norm = 1.0 / np.sqrt(C_IN * 1)
    outs = []
    for b in range(Bv):
        src = x[b][src_idx]                                   # gather (E, C_in)
        msg = jnp.einsum('ei,eio->eo', src, edge_w) * edge_sh * norm
        seg = jax.ops.segment_sum(msg, dst_idx, num_segments=Nv)
        cnt = jax.ops.segment_sum(jnp.ones((Ev,), jnp.float32), dst_idx, num_segments=Nv)
        outs.append(seg / jnp.maximum(cnt, 1.0)[:, None])     # scatter_mean
    x_out = jnp.stack(outs, axis=0)
    # ---- BatchNorm1d (training-mode batch statistics) ----
    flat = x_out.reshape(-1, C_OUT)
    mean = flat.mean(axis=0)
    var = flat.var(axis=0)
    flat = (flat - mean) / jnp.sqrt(var + 1e-5) * bn_gamma + bn_beta
    return flat.reshape(x_out.shape)

if __name__ == "__main__":
    import jax
    _d = setup_inputs()
    print(jax.jit(kernel)(*tuple(_d.values())))

</pallas_src>

<mosaic_0001>
#map = affine_map<(d0, d1) -> (0, 0)>
#map1 = affine_map<(d0, d1) -> (0)>
#map2 = affine_map<(d0, d1) -> (0, 0, 0)>
module attributes {stable_mosaic.version = 14 : i64} {
  func.func @_k3_body(%arg0: i32, %arg1: i32, %arg2: memref<160000x48xf32, #tpu.memory_space<hbm>>, %arg3: memref<160000xi32, #tpu.memory_space<hbm>>, %arg4: memref<2x10000x48xf32, #tpu.memory_space<hbm>>, %arg5: memref<200xi32, #tpu.memory_space<vmem>>, %arg6: memref<200xi32, #tpu.memory_space<vmem>>, %arg7: memref<200x48xf32, #tpu.memory_space<vmem>>, %arg8: memref<200x48xf32, #tpu.memory_space<vmem>>, %arg9: memref<312x48xf32, #tpu.memory_space<vmem>>, %arg10: memref<10000x48xf32, #tpu.memory_space<vmem_shared>>, %arg11: memref<!tpu.dma_semaphore, #tpu.memory_space<semaphore_mem>>, %arg12: memref<!tpu.dma_semaphore, #tpu.memory_space<semaphore_mem>>, %arg13: memref<!tpu.dma_semaphore, #tpu.memory_space<semaphore_mem>>, %arg14: memref<!tpu.dma_semaphore, #tpu.memory_space<semaphore_mem>>, %arg15: memref<!tpu.dma_semaphore, #tpu.memory_space<semaphore_mem>>, %arg16: memref<!tpu.dma_semaphore, #tpu.memory_space<semaphore_mem>>) attributes {dimension_semantics = [#tpu.dimension_semantics<core_parallel>, #tpu.dimension_semantics<subcore_parallel>], iteration_bounds = array<i64: 2, 16>, scalar_prefetch = 0 : i64, scratch_operands = 12 : i64, tpu.core_type = #tpu.core_type<sc_vector_subcore>, window_params = [{transform_indices = #map}, {transform_indices = #map1}, {transform_indices = #map2}]} {
    %mul3A = arith.constant 16 : i32
    %mul3A_0 = arith.muli %arg0, %mul3A : i32
    %add3A = arith.addi %mul3A_0, %arg1 : i32
    %mul3A_1 = arith.constant 5000 : i32
    %mul3A_2 = arith.muli %add3A, %mul3A_1 : i32
    %scan3A = arith.constant 0 : i32
    %scan3A_3 = arith.constant 0 : i32
    %scan3A_4 = arith.constant 936 : i32
    %scan3A_5 = arith.addi %scan3A_3, %scan3A_4 : i32
    %scan3A_6 = arith.constant 1 : i32
    scf.for %scan3A_572 = %scan3A_3 to %scan3A_5 step %scan3A_6  : i32 {
      %jit3A = arith.constant 3 : i32
      %div3A = arith.divsi %scan3A_572, %jit3A : i32
      %sign3A = arith.constant 0 : i32
      %sign3A_573 = arith.cmpi sgt, %scan3A_572, %sign3A : i32
      %sign3A_574 = arith.extui %sign3A_573 : i1 to i32
      %sign3A_575 = arith.constant 0 : i32
      %sign3A_576 = arith.cmpi slt, %scan3A_572, %sign3A_575 : i32
      %sign3A_577 = arith.extui %sign3A_576 : i1 to i32
      %sign3A_578 = arith.subi %sign3A_574, %sign3A_577 : i32
      %sign3A_579 = arith.constant 0 : i32
      %sign3A_580 = arith.cmpi sgt, %jit3A, %sign3A_579 : i32
      %sign3A_581 = arith.extui %sign3A_580 : i1 to i32
      %sign3A_582 = arith.constant 0 : i32
      %sign3A_583 = arith.cmpi slt, %jit3A, %sign3A_582 : i32
      %sign3A_584 = arith.extui %sign3A_583 : i1 to i32
      %sign3A_585 = arith.subi %sign3A_581, %sign3A_584 : i32
      %ne3A = arith.cmpi ne, %sign3A_578, %sign3A_585 : i32
      %rem3A = arith.remsi %scan3A_572, %jit3A : i32
      %ne3A_586 = arith.constant 0 : i32
      %ne3A_587 = arith.cmpi ne, %rem3A, %ne3A_586 : i32
      %and3A = arith.andi %ne3A, %ne3A_587 : i1
      %sub3A = arith.constant 1 : i32
      %sub3A_588 = arith.subi %div3A, %sub3A : i32
      %select_n3A = arith.select %and3A, %sub3A_588, %div3A : i32
      %jit3A_589 = arith.constant 3 : i32
      %eq3A_590 = arith.constant 0 : i32
      %eq3A_591 = arith.cmpi eq, %jit3A_589, %eq3A_590 : i32
      %jit3A_592 = arith.constant 1 : i32
      %select_n3A_593 = arith.select %eq3A_591, %jit3A_592, %jit3A_589 : i32
      %rem3A_594 = arith.remsi %scan3A_572, %select_n3A_593 : i32
      %ne3A_595 = arith.constant 0 : i32
      %ne3A_596 = arith.cmpi ne, %rem3A_594, %ne3A_595 : i32
      %lt3A = arith.constant 0 : i32
      %lt3A_597 = arith.cmpi slt, %rem3A_594, %lt3A : i32
      %lt3A_598 = arith.constant 0 : i32
      %lt3A_599 = arith.cmpi slt, %select_n3A_593, %lt3A_598 : i32
      %ne3A_600 = arith.xori %lt3A_597, %lt3A_599 : i1
      %and3A_601 = arith.andi %ne3A_600, %ne3A_596 : i1
      %add3A_602 = arith.addi %rem3A_594, %select_n3A_593 : i32
      %select_n3A_603 = arith.select %and3A_601, %add3A_602, %rem3A_594 : i32
      %broadcast_in_dim3A = arith.constant 0.000000e+00 : f32
      %broadcast_in_dim3A_604 = vector.broadcast %broadcast_in_dim3A : f32 to vector<16xf32>
      %mul3A_605 = arith.constant 16 : i32
      %mul3A_606 = arith.muli %select_n3A_603, %mul3A_605 : i32
      %swap3A = arith.index_cast %select_n3A : i32 to index
      %swap3A_607 = arith.index_cast %mul3A_606 : i32 to index
      %swap3A_608 = tpu.vector_load %arg9[%swap3A, %swap3A_607] {strides = array<i32>} : memref<312x48xf32, #tpu.memory_space<vmem>>, vector<1x16xf32>,
      %swap3A_609 = vector.shape_cast %swap3A_608 : vector<1x16xf32> to vector<16xf32>
      %swap3A_610 = vector.shape_cast %broadcast_in_dim3A_604 : vector<16xf32> to vector<1x16xf32>
      tpu.vector_store %arg9[%swap3A, %swap3A_607], %swap3A_610 {strides = array<i32>} : memref<312x48xf32, #tpu.memory_space<vmem>>, vector<1x16xf32>,
    }
    %scan3A_7 = arith.constant 936 : i32
    %mul3A_8 = arith.constant 624 : i32
    %mul3A_9 = arith.muli %arg1, %mul3A_8 : i32
    %add3A_10 = arith.constant 0 : i32
    %add3A_11 = arith.addi %mul3A_9, %add3A_10 : i32
    "tpu.region"() ({
      %run_scoped3A = tpu.sem_alloc : memref<!tpu.dma_semaphore, #tpu.memory_space<semaphore_mem>>
      %dma_start3A_572 = arith.constant 0 : i32
      %dma_start3A_573 = tpu.memref_slice %arg10[%add3A_11, %dma_start3A_572] : memref<10000x48xf32, #tpu.memory_space<vmem_shared>> -> memref<312x48xf32, #tpu.memory_space<vmem_shared>>
      %dma_start3A_574 = arith.constant 0 : i32
      %dma_start3A_575 = tpu.memref_slice %arg10[%add3A_11, %dma_start3A_574] : memref<10000x48xf32, #tpu.memory_space<vmem_shared>> -> memref<312x48xf32, #tpu.memory_space<vmem_shared>>
      tpu.enqueue_dma source(%arg9 : memref<312x48xf32, #tpu.memory_space<vmem>>) target(%dma_start3A_575 : memref<312x48xf32, #tpu.memory_space<vmem_shared>>) target_semaphore(%run_scoped3A : memref<!tpu.dma_semaphore, #tpu.memory_space<semaphore_mem>>)
      %dma_wait3A_576 = arith.constant 0 : i32
      %dma_wait3A_577 = tpu.memref_slice %arg10[%add3A_11, %dma_wait3A_576] : memref<10000x48xf32, #tpu.memory_space<vmem_shared>> -> memref<312x48xf32, #tpu.memory_space<vmem_shared>>
      %dma_wait3A_578 = arith.constant 0 : i32
      %dma_wait3A_579 = tpu.memref_slice %arg10[%add3A_11, %dma_wait3A_578] : memref<10000x48xf32, #tpu.memory_space<vmem_shared>> -> memref<312x48xf32, #tpu.memory_space<vmem_shared>>
      tpu.wait_dma2 semaphore(%run_scoped3A : memref<!tpu.dma_semaphore, #tpu.memory_space<semaphore_mem>>) src(%arg9 : memref<312x48xf32, #tpu.memory_space<vmem>>) dst(%dma_wait3A_579 : memref<312x48xf32, #tpu.memory_space<vmem_shared>>)
      tpu.yield
    }) : () -> ()
    %mul3A_12 = arith.constant 624 : i32
    %mul3A_13 = arith.muli %arg1, %mul3A_12 : i32
    %add3A_14 = arith.constant 312 : i32
    %add3A_15 = arith.addi %mul3A_13, %add3A_14 : i32
    "tpu.region"() ({
      %run_scoped3A = tpu.sem_alloc : memref<!tpu.dma_semaphore, #tpu.memory_space<semaphore_mem>>
      %dma_start3A_572 = arith.constant 0 : i32
      %dma_start3A_573 = tpu.memref_slice %arg10[%add3A_15, %dma_start3A_572] : memref<10000x48xf32, #tpu.memory_space<vmem_shared>> -> memref<312x48xf32, #tpu.memory_space<vmem_shared>>
      %dma_start3A_574 = arith.constant 0 : i32
      %dma_start3A_575 = tpu.memref_slice %arg10[%add3A_15, %dma_start3A_574] : memref<10000x48xf32, #tpu.memory_space<vmem_shared>> -> memref<312x48xf32, #tpu.memory_space<vmem_shared>>
      tpu.enqueue_dma source(%arg9 : memref<312x48xf32, #tpu.memory_space<vmem>>) target(%dma_start3A_575 : memref<312x48xf32, #tpu.memory_space<vmem_shared>>) target_semaphore(%run_scoped3A : memref<!tpu.dma_semaphore, #tpu.memory_space<semaphore_mem>>)
      %dma_wait3A_576 = arith.constant 0 : i32
      %dma_wait3A_577 = tpu.memref_slice %arg10[%add3A_15, %dma_wait3A_576] : memref<10000x48xf32, #tpu.memory_space<vmem_shared>> -> memref<312x48xf32, #tpu.memory_space<vmem_shared>>
      %dma_wait3A_578 = arith.constant 0 : i32
      %dma_wait3A_579 = tpu.memref_slice %arg10[%add3A_15, %dma_wait3A_578] : memref<10000x48xf32, #tpu.memory_space<vmem_shared>> -> memref<312x48xf32, #tpu.memory_space<vmem_shared>>
      tpu.wait_dma2 semaphore(%run_scoped3A : memref<!tpu.dma_semaphore, #tpu.memory_space<semaphore_mem>>) src(%arg9 : memref<312x48xf32, #tpu.memory_space<vmem>>) dst(%dma_wait3A_579 : memref<312x48xf32, #tpu.memory_space<vmem_shared>>)
      tpu.yield
    }) : () -> ()
    %eq3A = arith.constant 15 : i32
    %eq3A_16 = arith.cmpi eq, %arg1, %eq3A : i32
    %convert_element_type3A = arith.extui %eq3A_16 : i1 to i32
    %cond3A = arith.constant 0 : i32
    %cond3A_17 = arith.cmpi ne, %convert_element_type3A, %cond3A : i32
    scf.if %cond3A_17 {
      "tpu.region"() ({
        %run_scoped3A = tpu.sem_alloc : memref<!tpu.dma_semaphore, #tpu.memory_space<semaphore_mem>>
        %dma_start3A_572 = arith.constant 0 : i32
        %dma_start3A_573 = arith.constant 0 : i32
        %dma_start3A_574 = tpu.memref_slice %arg9[%dma_start3A_572, %dma_start3A_573] : memref<312x48xf32, #tpu.memory_space<vmem>> -> memref<16x48xf32, #tpu.memory_space<vmem>>
        %dma_start3A_575 = arith.constant 9984 : i32
        %dma_start3A_576 = arith.constant 0 : i32
        %dma_start3A_577 = tpu.memref_slice %arg10[%dma_start3A_575, %dma_start3A_576] : memref<10000x48xf32, #tpu.memory_space<vmem_shared>> -> memref<16x48xf32, #tpu.memory_space<vmem_shared>>
        %dma_start3A_578 = arith.constant 9984 : i32
        %dma_start3A_579 = arith.constant 0 : i32
        %dma_start3A_580 = tpu.memref_slice %arg10[%dma_start3A_578, %dma_start3A_579] : memref<10000x48xf32, #tpu.memory_space<vmem_shared>> -> memref<16x48xf32, #tpu.memory_space<vmem_shared>>
        %dma_start3A_581 = arith.constant 0 : i32
        %dma_start3A_582 = arith.constant 0 : i32
        %dma_start3A_583 = tpu.memref_slice %arg9[%dma_start3A_581, %dma_start3A_582] : memref<312x48xf32, #tpu.memory_space<vmem>> -> memref<16x48xf32, #tpu.memory_space<vmem>>
        tpu.enqueue_dma source(%dma_start3A_583 : memref<16x48xf32, #tpu.memory_space<vmem>>) target(%dma_start3A_580 : memref<16x48xf32, #tpu.memory_space<vmem_shared>>) target_semaphore(%run_scoped3A : memref<!tpu.dma_semaphore, #tpu.memory_space<semaphore_mem>>)
        %dma_wait3A_584 = arith.constant 0 : i32
        %dma_wait3A_585 = arith.constant 0 : i32
        %dma_wait3A_586 = tpu.memref_slice %arg9[%dma_wait3A_584, %dma_wait3A_585] : memref<312x48xf32, #tpu.memory_space<vmem>> -> memref<16x48xf32, #tpu.memory_space<vmem>>
        %dma_wait3A_587 = arith.constant 9984 : i32
        %dma_wait3A_588 = arith.constant 0 : i32
        %dma_wait3A_589 = tpu.memref_slice %arg10[%dma_wait3A_587, %dma_wait3A_588] : memref<10000x48xf32, #tpu.memory_space<vmem_shared>> -> memref<16x48xf32, #tpu.memory_space<vmem_shared>>
        %dma_wait3A_590 = arith.constant 9984 : i32
        %dma_wait3A_591 = arith.constant 0 : i32
        %dma_wait3A_592 = tpu.memref_slice %arg10[%dma_wait3A_590, %dma_wait3A_591] : memref<10000x48xf32, #tpu.memory_space<vmem_shared>> -> memref<16x48xf32, #tpu.memory_space<vmem_shared>>
        %dma_wait3A_593 = arith.constant 0 : i32
        %dma_wait3A_594 = arith.constant 0 : i32
        %dma_wait3A_595 = tpu.memref_slice %arg9[%dma_wait3A_593, %dma_wait3A_594] : memref<312x48xf32, #tpu.memory_space<vmem>> -> memref<16x48xf32, #tpu.memory_space<vmem>>
        tpu.wait_dma2 semaphore(%run_scoped3A : memref<!tpu.dma_semaphore, #tpu.memory_space<semaphore_mem>>) src(%dma_wait3A_595 : memref<16x48xf32, #tpu.memory_space<vmem>>) dst(%dma_wait3A_592 : memref<16x48xf32, #tpu.memory_space<vmem_shared>>)
        tpu.yield
      }) : () -> ()
    } else {
    }
    %barrier3A = arith.constant 0 : index
    tpu.barrier barrier_id(%barrier3A)
    %dma_start3A = tpu.memref_slice %arg3[%mul3A_2] : memref<160000xi32, #tpu.memory_space<hbm>> -> memref<200xi32, #tpu.memory_space<hbm>>
    %dma_start3A_18 = tpu.memref_slice %arg3[%mul3A_2] : memref<160000xi32, #tpu.memory_space<hbm>> -> memref<200xi32, #tpu.memory_space<hbm>>
    tpu.enqueue_dma source(%dma_start3A_18 : memref<200xi32, #tpu.memory_space<hbm>>) target(%arg5 : memref<200xi32, #tpu.memory_space<vmem>>) target_semaphore(%arg11 : memref<!tpu.dma_semaphore, #tpu.memory_space<semaphore_mem>>)
    %dma_start3A_19 = arith.constant 0 : i32
    %dma_start3A_20 = tpu.memref_slice %arg2[%mul3A_2, %dma_start3A_19] : memref<160000x48xf32, #tpu.memory_space<hbm>> -> memref<200x48xf32, #tpu.memory_space<hbm>>
    %dma_start3A_21 = arith.constant 0 : i32
    %dma_start3A_22 = tpu.memref_slice %arg2[%mul3A_2, %dma_start3A_21] : memref<160000x48xf32, #tpu.memory_space<hbm>> -> memref<200x48xf32, #tpu.memory_space<hbm>>
    tpu.enqueue_dma source(%dma_start3A_22 : memref<200x48xf32, #tpu.memory_space<hbm>>) target(%arg7 : memref<200x48xf32, #tpu.memory_space<vmem>>) target_semaphore(%arg13 : memref<!tpu.dma_semaphore, #tpu.memory_space<semaphore_mem>>)
    %dma_wait3A = tpu.memref_slice %arg3[%mul3A_2] : memref<160000xi32, #tpu.memory_space<hbm>> -> memref<200xi32, #tpu.memory_space<hbm>>
    %dma_wait3A_23 = tpu.memref_slice %arg3[%mul3A_2] : memref<160000xi32, #tpu.memory_space<hbm>> -> memref<200xi32, #tpu.memory_space<hbm>>
    tpu.wait_dma2 semaphore(%arg11 : memref<!tpu.dma_semaphore, #tpu.memory_space<semaphore_mem>>) src(%dma_wait3A_23 : memref<200xi32, #tpu.memory_space<hbm>>) dst(%arg5 : memref<200xi32, #tpu.memory_space<vmem>>)
    %dma_wait3A_24 = arith.constant 0 : i32
    %dma_wait3A_25 = tpu.memref_slice %arg2[%mul3A_2, %dma_wait3A_24] : memref<160000x48xf32, #tpu.memory_space<hbm>> -> memref<200x48xf32, #tpu.memory_space<hbm>>
    %dma_wait3A_26 = arith.constant 0 : i32
    %dma_wait3A_27 = tpu.memref_slice %arg2[%mul3A_2, %dma_wait3A_26] : memref<160000x48xf32, #tpu.memory_space<hbm>> -> memref<200x48xf32, #tpu.memory_space<hbm>>
    tpu.wait_dma2 semaphore(%arg13 : memref<!tpu.dma_semaphore, #tpu.memory_space<semaphore_mem>>) src(%dma_wait3A_27 : memref<200x48xf32, #tpu.memory_space<hbm>>) dst(%arg7 : memref<200x48xf32, #tpu.memory_space<vmem>>)
    %dma_start3A_28 = arith.constant 0 : i32
    %dma_start3A_29 = arith.constant 0 : i32
    %dma_start3A_30 = tpu.memref_slice %arg10[%dma_start3A_28, %dma_start3A_29] : memref<10000x48xf32, #tpu.memory_space<vmem_shared>> -> memref<10000x48xf32, #tpu.memory_space<vmem_shared>>
    tpu.enqueue_indirect_dma source(%arg7 : memref<200x48xf32, #tpu.memory_space<vmem>>) target(%dma_start3A_30 : memref<10000x48xf32, #tpu.memory_space<vmem_shared>>) offsets(%arg5 : memref<200xi32, #tpu.memory_space<vmem>>) semaphore(%arg15 : memref<!tpu.dma_semaphore, #tpu.memory_space<semaphore_mem>>) {add = true}
    %mul3A_31 = arith.constant 5000 : i32
    %mul3A_32 = arith.muli %add3A, %mul3A_31 : i32
    %add3A_33 = arith.constant 200 : i32
    %add3A_34 = arith.addi %mul3A_32, %add3A_33 : i32
    %dma_start3A_35 = tpu.memref_slice %arg3[%add3A_34] : memref<160000xi32, #tpu.memory_space<hbm>> -> memref<200xi32, #tpu.memory_space<hbm>>
    %dma_start3A_36 = tpu.memref_slice %arg3[%add3A_34] : memref<160000xi32, #tpu.memory_space<hbm>> -> memref<200xi32, #tpu.memory_space<hbm>>
    tpu.enqueue_dma source(%dma_start3A_36 : memref<200xi32, #tpu.memory_space<hbm>>) target(%arg6 : memref<200xi32, #tpu.memory_space<vmem>>) target_semaphore(%arg12 : memref<!tpu.dma_semaphore, #tpu.memory_space<semaphore_mem>>)
    %dma_start3A_37 = arith.constant 0 : i32
    %dma_start3A_38 = tpu.memref_slice %arg2[%add3A_34, %dma_start3A_37] : memref<160000x48xf32, #tpu.memory_space<hbm>> -> memref<200x48xf32, #tpu.memory_space<hbm>>
    %dma_start3A_39 = arith.constant 0 : i32
    %dma_start3A_40 = tpu.memref_slice %arg2[%add3A_34, %dma_start3A_39] : memref<160000x48xf32, #tpu.memory_space<hbm>> -> memref<200x48xf32, #tpu.memory_space<hbm>>
    tpu.enqueue_dma source(%dma_start3A_40 : memref<200x48xf32, #tpu.memory_space<hbm>>) target(%arg8 : memref<200x48xf32, #tpu.memory_space<vmem>>) target_semaphore(%arg14 : memref<!tpu.dma_semaphore, #tpu.memory_space<semaphore_mem>>)
    %dma_wait3A_41 = tpu.memref_slice %arg3[%add3A_34] : memref<160000xi32, #tpu.memory_space<hbm>> -> memref<200xi32, #tpu.memory_space<hbm>>
    %dma_wait3A_42 = tpu.memref_slice %arg3[%add3A_34] : memref<160000xi32, #tpu.memory_space<hbm>> -> memref<200xi32, #tpu.memory_space<hbm>>
    tpu.wait_dma2 semaphore(%arg12 : memref<!tpu.dma_semaphore, #tpu.memory_space<semaphore_mem>>) src(%dma_wait3A_42 : memref<200xi32, #tpu.memory_space<hbm>>) dst(%arg6 : memref<200xi32, #tpu.memory_space<vmem>>)
    %dma_wait3A_43 = arith.constant 0 : i32
    %dma_wait3A_44 = tpu.memref_slice %arg2[%add3A_34, %dma_wait3A_43] : memref<160000x48xf32, #tpu.memory_space<hbm>> -> memref<200x48xf32, #tpu.memory_space<hbm>>
    %dma_wait3A_45 = arith.constant 0 : i32
    %dma_wait3A_46 = tpu.memref_slice %arg2[%add3A_34, %dma_wait3A_45] : memref<160000x48xf32, #tpu.memory_space<hbm>> -> memref<200x48xf32, #tpu.memory_space<hbm>>
    tpu.wait_dma2 semaphore(%arg14 : memref<!tpu.dma_semaphore, #tpu.memory_space<semaphore_mem>>) src(%dma_wait3A_46 : memref<200x48xf32, #tpu.memory_space<hbm>>) dst(%arg8 : memref<200x48xf32, #tpu.memory_space<vmem>>)
    %dma_start3A_47 = arith.constant 0 : i32
    %dma_start3A_48 = arith.constant 0 : i32
    %dma_start3A_49 = tpu.memref_slice %arg10[%dma_start3A_47, %dma_start3A_48] : memref<10000x48xf32, #tpu.memory_space<vmem_shared>> -> memref<10000x48xf32, #tpu.memory_space<vmem_shared>>
    tpu.enqueue_indirect_dma source(%arg8 : memref<200x48xf32, #tpu.memory_space<vmem>>) target(%dma_start3A_49 : memref<10000x48xf32, #tpu.memory_space<vmem_shared>>) offsets(%arg6 : memref<200xi32, #tpu.memory_space<vmem>>) semaphore(%arg16 : memref<!tpu.dma_semaphore, #tpu.memory_space<semaphore_mem>>) {add = true}
    %dma_wait3A_50 = arith.constant 0 : i32
    %dma_wait3A_51 = arith.constant 0 : i32
    %dma_wait3A_52 = tpu.memref_slice %arg10[%dma_wait3A_50, %dma_wait3A_51] : memref<10000x48xf32, #tpu.memory_space<vmem_shared>> -> memref<10000x48xf32, #tpu.memory_space<vmem_shared>>
    tpu.wait_indirect_dma semaphore(%arg15 : memref<!tpu.dma_semaphore, #tpu.memory_space<semaphore_mem>>) src(%arg7 : memref<200x48xf32, #tpu.memory_space<vmem>>) dst(%dma_wait3A_52 : memref<10000x48xf32, #tpu.memory_space<vmem_shared>>)
    %mul3A_53 = arith.constant 5000 : i32
    %mul3A_54 = arith.muli %add3A, %mul3A_53 : i32
    %add3A_55 = arith.constant 400 : i32
    %add3A_56 = arith.addi %mul3A_54, %add3A_55 : i32
    %dma_start3A_57 = tpu.memref_slice %arg3[%add3A_56] : memref<160000xi32, #tpu.memory_space<hbm>> -> memref<200xi32, #tpu.memory_space<hbm>>
    %dma_start3A_58 = tpu.memref_slice %arg3[%add3A_56] : memref<160000xi32, #tpu.memory_space<hbm>> -> memref<200xi32, #tpu.memory_space<hbm>>
    tpu.enqueue_dma source(%dma_start3A_58 : memref<200xi32, #tpu.memory_space<hbm>>) target(%arg5 : memref<200xi32, #tpu.memory_space<vmem>>) target_semaphore(%arg11 : memref<!tpu.dma_semaphore, #tpu.memory_space<semaphore_mem>>)
    %dma_start3A_59 = arith.constant 0 : i32
    %dma_start3A_60 = tpu.memref_slice %arg2[%add3A_56, %dma_start3A_59] : memref<160000x48xf32, #tpu.memory_space<hbm>> -> memref<200x48xf32, #tpu.memory_space<hbm>>
    %dma_start3A_61 = arith.constant 0 : i32
    %dma_start3A_62 = tpu.memref_slice %arg2[%add3A_56, %dma_start3A_61] : memref<160000x48xf32, #tpu.memory_space<hbm>> -> memref<200x48xf32, #tpu.memory_space<hbm>>
    tpu.enqueue_dma source(%dma_start3A_62 : memref<200x48xf32, #tpu.memory_space<hbm>>) target(%arg7 : memref<200x48xf32, #tpu.memory_space<vmem>>) target_semaphore(%arg13 : memref<!tpu.dma_semaphore, #tpu.memory_space<semaphore_mem>>)
    %dma_wait3A_63 = tpu.memref_slice %arg3[%add3A_56] : memref<160000xi32, #tpu.memory_space<hbm>> -> memref<200xi32, #tpu.memory_space<hbm>>
    %dma_wait3A_64 = tpu.memref_slice %arg3[%add3A_56] : memref<160000xi32, #tpu.memory_space<hbm>> -> memref<200xi32, #tpu.memory_space<hbm>>
    tpu.wait_dma2 semaphore(%arg11 : memref<!tpu.dma_semaphore, #tpu.memory_space<semaphore_mem>>) src(%dma_wait3A_64 : memref<200xi32, #tpu.memory_space<hbm>>) dst(%arg5 : memref<200xi32, #tpu.memory_space<vmem>>)
    %dma_wait3A_65 = arith.constant 0 : i32
    %dma_wait3A_66 = tpu.memref_slice %arg2[%add3A_56, %dma_wait3A_65] : memref<160000x48xf32, #tpu.memory_space<hbm>> -> memref<200x48xf32, #tpu.memory_space<hbm>>
    %dma_wait3A_67 = arith.constant 0 : i32
    %dma_wait3A_68 = tpu.memref_slice %arg2[%add3A_56, %dma_wait3A_67] : memref<160000x48xf32, #tpu.memory_space<hbm>> -> memref<200x48xf32, #tpu.memory_space<hbm>>
    tpu.wait_dma2 semaphore(%arg13 : memref<!tpu.dma_semaphore, #tpu.memory_space<semaphore_mem>>) src(%dma_wait3A_68 : memref<200x48xf32, #tpu.memory_space<hbm>>) dst(%arg7 : memref<200x48xf32, #tpu.memory_space<vmem>>)
    %dma_start3A_69 = arith.constant 0 : i32
    %dma_start3A_70 = arith.constant 0 : i32
    %dma_start3A_71 = tpu.memref_slice %arg10[%dma_start3A_69, %dma_start3A_70] : memref<10000x48xf32, #tpu.memory_space<vmem_shared>> -> memref<10000x48xf32, #tpu.memory_space<vmem_shared>>
    tpu.enqueue_indirect_dma source(%arg7 : memref<200x48xf32, #tpu.memory_space<vmem>>) target(%dma_start3A_71 : memref<10000x48xf32, #tpu.memory_space<vmem_shared>>) offsets(%arg5 : memref<200xi32, #tpu.memory_space<vmem>>) semaphore(%arg15 : memref<!tpu.dma_semaphore, #tpu.memory_space<semaphore_mem>>) {add = true}
    %dma_wait3A_72 = arith.constant 0 : i32
    %dma_wait3A_73 = arith.constant 0 : i32
    %dma_wait3A_74 = tpu.memref_slice %arg10[%dma_wait3A_72, %dma_wait3A_73] : memref<10000x48xf32, #tpu.memory_space<vmem_shared>> -> memref<10000x48xf32, #tpu.memory_space<vmem_shared>>
    tpu.wait_indirect_dma semaphore(%arg16 : memref<!tpu.dma_semaphore, #tpu.memory_space<semaphore_mem>>) src(%arg8 : memref<200x48xf32, #tpu.memory_space<vmem>>) dst(%dma_wait3A_74 : memref<10000x48xf32, #tpu.memory_space<vmem_shared>>)
    %mul3A_75 = arith.constant 5000 : i32
    %mul3A_76 = arith.muli %add3A, %mul3A_75 : i32
    %add3A_77 = arith.constant 600 : i32
    %add3A_78 = arith.addi %mul3A_76, %add3A_77 : i32
    %dma_start3A_79 = tpu.memref_slice %arg3[%add3A_78] : memref<160000xi32, #tpu.memory_space<hbm>> -> memref<200xi32, #tpu.memory_space<hbm>>
    %dma_start3A_80 = tpu.memref_slice %arg3[%add3A_78] : memref<160000xi32, #tpu.memory_space<hbm>> -> memref<200xi32, #tpu.memory_space<hbm>>
    tpu.enqueue_dma source(%dma_start3A_80 : memref<200xi32, #tpu.memory_space<hbm>>) target(%arg6 : memref<200xi32, #tpu.memory_space<vmem>>) target_semaphore(%arg12 : memref<!tpu.dma_semaphore, #tpu.memory_space<semaphore_mem>>)
    %dma_start3A_81 = arith.constant 0 : i32
    %dma_start3A_82 = tpu.memref_slice %arg2[%add3A_78, %dma_start3A_81] : memref<160000x48xf32, #tpu.memory_space<hbm>> -> memref<200x48xf32, #tpu.memory_space<hbm>>
    %dma_start3A_83 = arith.constant 0 : i32
    %dma_start3A_84 = tpu.memref_slice %arg2[%add3A_78, %dma_start3A_83] : memref<160000x48xf32, #tpu.memory_space<hbm>> -> memref<200x48xf32, #tpu.memory_space<hbm>>
    tpu.enqueue_dma source(%dma_start3A_84 : memref<200x48xf32, #tpu.memory_space<hbm>>) target(%arg8 : memref<200x48xf32, #tpu.memory_space<vmem>>) target_semaphore(%arg14 : memref<!tpu.dma_semaphore, #tpu.memory_space<semaphore_mem>>)
    %dma_wait3A_85 = tpu.memref_slice %arg3[%add3A_78] : memref<160000xi32, #tpu.memory_space<hbm>> -> memref<200xi32, #tpu.memory_space<hbm>>
    %dma_wait3A_86 = tpu.memref_slice %arg3[%add3A_78] : memref<160000xi32, #tpu.memory_space<hbm>> -> memref<200xi32, #tpu.memory_space<hbm>>
    tpu.wait_dma2 semaphore(%arg12 : memref<!tpu.dma_semaphore, #tpu.memory_space<semaphore_mem>>) src(%dma_wait3A_86 : memref<200xi32, #tpu.memory_space<hbm>>) dst(%arg6 : memref<200xi32, #tpu.memory_space<vmem>>)
    %dma_wait3A_87 = arith.constant 0 : i32
    %dma_wait3A_88 = tpu.memref_slice %arg2[%add3A_78, %dma_wait3A_87] : memref<160000x48xf32, #tpu.memory_space<hbm>> -> memref<200x48xf32, #tpu.memory_space<hbm>>
    %dma_wait3A_89 = arith.constant 0 : i32
    %dma_wait3A_90 = tpu.memref_slice %arg2[%add3A_78, %dma_wait3A_89] : memref<160000x48xf32, #tpu.memory_space<hbm>> -> memref<200x48xf32, #tpu.memory_space<hbm>>
    tpu.wait_dma2 semaphore(%arg14 : memref<!tpu.dma_semaphore, #tpu.memory_space<semaphore_mem>>) src(%dma_wait3A_90 : memref<200x48xf32, #tpu.memory_space<hbm>>) dst(%arg8 : memref<200x48xf32, #tpu.memory_space<vmem>>)
    %dma_start3A_91 = arith.constant 0 : i32
    %dma_start3A_92 = arith.constant 0 : i32
    %dma_start3A_93 = tpu.memref_slice %arg10[%dma_start3A_91, %dma_start3A_92] : memref<10000x48xf32, #tpu.memory_space<vmem_shared>> -> memref<10000x48xf32, #tpu.memory_space<vmem_shared>>
    tpu.enqueue_indirect_dma source(%arg8 : memref<200x48xf32, #tpu.memory_space<vmem>>) target(%dma_start3A_93 : memref<10000x48xf32, #tpu.memory_space<vmem_shared>>) offsets(%arg6 : memref<200xi32, #tpu.memory_space<vmem>>) semaphore(%arg16 : memref<!tpu.dma_semaphore, #tpu.memory_space<semaphore_mem>>) {add = true}
    %dma_wait3A_94 = arith.constant 0 : i32
    %dma_wait3A_95 = arith.constant 0 : i32
    %dma_wait3A_96 = tpu.memref_slice %arg10[%dma_wait3A_94, %dma_wait3A_95] : memref<10000x48xf32, #tpu.memory_space<vmem_shared>> -> memref<10000x48xf32, #tpu.memory_space<vmem_shared>>
    tpu.wait_indirect_dma semaphore(%arg15 : memref<!tpu.dma_semaphore, #tpu.memory_space<semaphore_mem>>) src(%arg7 : memref<200x48xf32, #tpu.memory_space<vmem>>) dst(%dma_wait3A_96 : memref<10000x48xf32, #tpu.memory_space<vmem_shared>>)
    %mul3A_97 = arith.constant 5000 : i32
    %mul3A_98 = arith.muli %add3A, %mul3A_97 : i32
    %add3A_99 = arith.constant 800 : i32
    %add3A_100 = arith.addi %mul3A_98, %add3A_99 : i32
    %dma_start3A_101 = tpu.memref_slice %arg3[%add3A_100] : memref<160000xi32, #tpu.memory_space<hbm>> -> memref<200xi32, #tpu.memory_space<hbm>>
    %dma_start3A_102 = tpu.memref_slice %arg3[%add3A_100] : memref<160000xi32, #tpu.memory_space<hbm>> -> memref<200xi32, #tpu.memory_space<hbm>>
    tpu.enqueue_dma source(%dma_start3A_102 : memref<200xi32, #tpu.memory_space<hbm>>) target(%arg5 : memref<200xi32, #tpu.memory_space<vmem>>) target_semaphore(%arg11 : memref<!tpu.dma_semaphore, #tpu.memory_space<semaphore_mem>>)
    %dma_start3A_103 = arith.constant 0 : i32
    %dma_start3A_104 = tpu.memref_slice %arg2[%add3A_100, %dma_start3A_103] : memref<160000x48xf32, #tpu.memory_space<hbm>> -> memref<200x48xf32, #tpu.memory_space<hbm>>
    %dma_start3A_105 = arith.constant 0 : i32
    %dma_start3A_106 = tpu.memref_slice %arg2[%add3A_100, %dma_start3A_105] : memref<160000x48xf32, #tpu.memory_space<hbm>> -> memref<200x48xf32, #tpu.memory_space<hbm>>
    tpu.enqueue_dma source(%dma_start3A_106 : memref<200x48xf32, #tpu.memory_space<hbm>>) target(%arg7 : memref<200x48xf32, #tpu.memory_space<vmem>>) target_semaphore(%arg13 : memref<!tpu.dma_semaphore, #tpu.memory_space<semaphore_mem>>)
    %dma_wait3A_107 = tpu.memref_slice %arg3[%add3A_100] : memref<160000xi32, #tpu.memory_space<hbm>> -> memref<200xi32, #tpu.memory_space<hbm>>
    %dma_wait3A_108 = tpu.memref_slice %arg3[%add3A_100] : memref<160000xi32, #tpu.memory_space<hbm>> -> memref<200xi32, #tpu.memory_space<hbm>>
    tpu.wait_dma2 semaphore(%arg11 : memref<!tpu.dma_semaphore, #tpu.memory_space<semaphore_mem>>) src(%dma_wait3A_108 : memref<200xi32, #tpu.memory_space<hbm>>) dst(%arg5 : memref<200xi32, #tpu.memory_space<vmem>>)
    %dma_wait3A_109 = arith.constant 0 : i32
    %dma_wait3A_110 = tpu.memref_slice %arg2[%add3A_100, %dma_wait3A_109] : memref<160000x48xf32, #tpu.memory_space<hbm>> -> memref<200x48xf32, #tpu.memory_space<hbm>>
    %dma_wait3A_111 = arith.constant 0 : i32
    %dma_wait3A_112 = tpu.memref_slice %arg2[%add3A_100, %dma_wait3A_111] : memref<160000x48xf32, #tpu.memory_space<hbm>> -> memref<200x48xf32, #tpu.memory_space<hbm>>
    tpu.wait_dma2 semaphore(%arg13 : memref<!tpu.dma_semaphore, #tpu.memory_space<semaphore_mem>>) src(%dma_wait3A_112 : memref<200x48xf32, #tpu.memory_space<hbm>>) dst(%arg7 : memref<200x48xf32, #tpu.memory_space<vmem>>)
    %dma_start3A_113 = arith.constant 0 : i32
    %dma_start3A_114 = arith.constant 0 : i32
    %dma_start3A_115 = tpu.memref_slice %arg10[%dma_start3A_113, %dma_start3A_114] : memref<10000x48xf32, #tpu.memory_space<vmem_shared>> -> memref<10000x48xf32, #tpu.memory_space<vmem_shared>>
    tpu.enqueue_indirect_dma source(%arg7 : memref<200x48xf32, #tpu.memory_space<vmem>>) target(%dma_start3A_115 : memref<10000x48xf32, #tpu.memory_space<vmem_shared>>) offsets(%arg5 : memref<200xi32, #tpu.memory_space<vmem>>) semaphore(%arg15 : memref<!tpu.dma_semaphore, #tpu.memory_space<semaphore_mem>>) {add = true}
    %dma_wait3A_116 = arith.constant 0 : i32
    %dma_wait3A_117 = arith.constant 0 : i32
    %dma_wait3A_118 = tpu.memref_slice %arg10[%dma_wait3A_116, %dma_wait3A_117] : memref<10000x48xf32, #tpu.memory_space<vmem_shared>> -> memref<10000x48xf32, #tpu.memory_space<vmem_shared>>
    tpu.wait_indirect_dma semaphore(%arg16 : memref<!tpu.dma_semaphore, #tpu.memory_space<semaphore_mem>>) src(%arg8 : memref<200x48xf32, #tpu.memory_space<vmem>>) dst(%dma_wait3A_118 : memref<10000x48xf32, #tpu.memory_space<vmem_shared>>)
    %mul3A_119 = arith.constant 5000 : i32
    %mul3A_120 = arith.muli %add3A, %mul3A_119 : i32
    %add3A_121 = arith.constant 1000 : i32
    %add3A_122 = arith.addi %mul3A_120, %add3A_121 : i32
    %dma_start3A_123 = tpu.memref_slice %arg3[%add3A_122] : memref<160000xi32, #tpu.memory_space<hbm>> -> memref<200xi32, #tpu.memory_space<hbm>>
    %dma_start3A_124 = tpu.memref_slice %arg3[%add3A_122] : memref<160000xi32, #tpu.memory_space<hbm>> -> memref<200xi32, #tpu.memory_space<hbm>>
    tpu.enqueue_dma source(%dma_start3A_124 : memref<200xi32, #tpu.memory_space<hbm>>) target(%arg6 : memref<200xi32, #tpu.memory_space<vmem>>) target_semaphore(%arg12 : memref<!tpu.dma_semaphore, #tpu.memory_space<semaphore_mem>>)
    %dma_start3A_125 = arith.constant 0 : i32
    %dma_start3A_126 = tpu.memref_slice %arg2[%add3A_122, %dma_start3A_125] : memref<160000x48xf32, #tpu.memory_space<hbm>> -> memref<200x48xf32, #tpu.memory_space<hbm>>
    %dma_start3A_127 = arith.constant 0 : i32
    %dma_start3A_128 = tpu.memref_slice %arg2[%add3A_122, %dma_start3A_127] : memref<160000x48xf32, #tpu.memory_space<hbm>> -> memref<200x48xf32, #tpu.memory_space<hbm>>
    tpu.enqueue_dma source(%dma_start3A_128 : memref<200x48xf32, #tpu.memory_space<hbm>>) target(%arg8 : memref<200x48xf32, #tpu.memory_space<vmem>>) target_semaphore(%arg14 : memref<!tpu.dma_semaphore, #tpu.memory_space<semaphore_mem>>)
    %dma_wait3A_129 = tpu.memref_slice %arg3[%add3A_122] : memref<160000xi32, #tpu.memory_space<hbm>> -> memref<200xi32, #tpu.memory_space<hbm>>
    %dma_wait3A_130 = tpu.memref_slice %arg3[%add3A_122] : memref<160000xi32, #tpu.memory_space<hbm>> -> memref<200xi32, #tpu.memory_space<hbm>>
    tpu.wait_dma2 semaphore(%arg12 : memref<!tpu.dma_semaphore, #tpu.memory_space<semaphore_mem>>) src(%dma_wait3A_130 : memref<200xi32, #tpu.memory_space<hbm>>) dst(%arg6 : memref<200xi32, #tpu.memory_space<vmem>>)
    %dma_wait3A_131 = arith.constant 0 : i32
    %dma_wait3A_132 = tpu.memref_slice %arg2[%add3A_122, %dma_wait3A_131] : memref<160000x48xf32, #tpu.memory_space<hbm>> -> memref<200x48xf32, #tpu.memory_space<hbm>>
    %dma_wait3A_133 = arith.constant 0 : i32
    %dma_wait3A_134 = tpu.memref_slice %arg2[%add3A_122, %dma_wait3A_133] : memref<160000x48xf32, #tpu.memory_space<hbm>> -> memref<200x48xf32, #tpu.memory_space<hbm>>
    tpu.wait_dma2 semaphore(%arg14 : memref<!tpu.dma_semaphore, #tpu.memory_space<semaphore_mem>>) src(%dma_wait3A_134 : memref<200x48xf32, #tpu.memory_space<hbm>>) dst(%arg8 : memref<200x48xf32, #tpu.memory_space<vmem>>)
    %dma_start3A_135 = arith.constant 0 : i32
    %dma_start3A_136 = arith.constant 0 : i32
    %dma_start3A_137 = tpu.memref_slice %arg10[%dma_start3A_135, %dma_start3A_136] : memref<10000x48xf32, #tpu.memory_space<vmem_shared>> -> memref<10000x48xf32, #tpu.memory_space<vmem_shared>>
    tpu.enqueue_indirect_dma source(%arg8 : memref<200x48xf32, #tpu.memory_space<vmem>>) target(%dma_start3A_137 : memref<10000x48xf32, #tpu.memory_space<vmem_shared>>) offsets(%arg6 : memref<200xi32, #tpu.memory_space<vmem>>) semaphore(%arg16 : memref<!tpu.dma_semaphore, #tpu.memory_space<semaphore_mem>>) {add = true}
    %dma_wait3A_138 = arith.constant 0 : i32
    %dma_wait3A_139 = arith.constant 0 : i32
    %dma_wait3A_140 = tpu.memref_slice %arg10[%dma_wait3A_138, %dma_wait3A_139] : memref<10000x48xf32, #tpu.memory_space<vmem_shared>> -> memref<10000x48xf32, #tpu.memory_space<vmem_shared>>
    tpu.wait_indirect_dma semaphore(%arg15 : memref<!tpu.dma_semaphore, #tpu.memory_space<semaphore_mem>>) src(%arg7 : memref<200x48xf32, #tpu.memory_space<vmem>>) dst(%dma_wait3A_140 : memref<10000x48xf32, #tpu.memory_space<vmem_shared>>)
    %mul3A_141 = arith.constant 5000 : i32
    %mul3A_142 = arith.muli %add3A, %mul3A_141 : i32
    %add3A_143 = arith.constant 1200 : i32
    %add3A_144 = arith.addi %mul3A_142, %add3A_143 : i32
    %dma_start3A_145 = tpu.memref_slice %arg3[%add3A_144] : memref<160000xi32, #tpu.memory_space<hbm>> -> memref<200xi32, #tpu.memory_space<hbm>>
    %dma_start3A_146 = tpu.memref_slice %arg3[%add3A_144] : memref<160000xi32, #tpu.memory_space<hbm>> -> memref<200xi32, #tpu.memory_space<hbm>>
    tpu.enqueue_dma source(%dma_start3A_146 : memref<200xi32, #tpu.memory_space<hbm>>) target(%arg5 : memref<200xi32, #tpu.memory_space<vmem>>) target_semaphore(%arg11 : memref<!tpu.dma_semaphore, #tpu.memory_space<semaphore_mem>>)
    %dma_start3A_147 = arith.constant 0 : i32
    %dma_start3A_148 = tpu.memref_slice %arg2[%add3A_144, %dma_start3A_147] : memref<160000x48xf32, #tpu.memory_space<hbm>> -> memref<200x48xf32, #tpu.memory_space<hbm>>
    %dma_start3A_149 = arith.constant 0 : i32
    %dma_start3A_150 = tpu.memref_slice %arg2[%add3A_144, %dma_start3A_149] : memref<160000x48xf32, #tpu.memory_space<hbm>> -> memref<200x48xf32, #tpu.memory_space<hbm>>
    tpu.enqueue_dma source(%dma_start3A_150 : memref<200x48xf32, #tpu.memory_space<hbm>>) target(%arg7 : memref<200x48xf32, #tpu.memory_space<vmem>>) target_semaphore(%arg13 : memref<!tpu.dma_semaphore, #tpu.memory_space<semaphore_mem>>)
    %dma_wait3A_151 = tpu.memref_slice %arg3[%add3A_144] : memref<160000xi32, #tpu.memory_space<hbm>> -> memref<200xi32, #tpu.memory_space<hbm>>
    %dma_wait3A_152 = tpu.memref_slice %arg3[%add3A_144] : memref<160000xi32, #tpu.memory_space<hbm>> -> memref<200xi32, #tpu.memory_space<hbm>>
    tpu.wait_dma2 semaphore(%arg11 : memref<!tpu.dma_semaphore, #tpu.memory_space<semaphore_mem>>) src(%dma_wait3A_152 : memref<200xi32, #tpu.memory_space<hbm>>) dst(%arg5 : memref<200xi32, #tpu.memory_space<vmem>>)
    %dma_wait3A_153 = arith.constant 0 : i32
    %dma_wait3A_154 = tpu.memref_slice %arg2[%add3A_144, %dma_wait3A_153] : memref<160000x48xf32, #tpu.memory_space<hbm>> -> memref<200x48xf32, #tpu.memory_space<hbm>>
    %dma_wait3A_155 = arith.constant 0 : i32
    %dma_wait3A_156 = tpu.memref_slice %arg2[%add3A_144, %dma_wait3A_155] : memref<160000x48xf32, #tpu.memory_space<hbm>> -> memref<200x48xf32, #tpu.memory_space<hbm>>
    tpu.wait_dma2 semaphore(%arg13 : memref<!tpu.dma_semaphore, #tpu.memory_space<semaphore_mem>>) src(%dma_wait3A_156 : memref<200x48xf32, #tpu.memory_space<hbm>>) dst(%arg7 : memref<200x48xf32, #tpu.memory_space<vmem>>)
    %dma_start3A_157 = arith.constant 0 : i32
    %dma_start3A_158 = arith.constant 0 : i32
    %dma_start3A_159 = tpu.memref_slice %arg10[%dma_start3A_157, %dma_start3A_158] : memref<10000x48xf32, #tpu.memory_space<vmem_shared>> -> memref<10000x48xf32, #tpu.memory_space<vmem_shared>>
    tpu.enqueue_indirect_dma source(%arg7 : memref<200x48xf32, #tpu.memory_space<vmem>>) target(%dma_start3A_159 : memref<10000x48xf32, #tpu.memory_space<vmem_shared>>) offsets(%arg5 : memref<200xi32, #tpu.memory_space<vmem>>) semaphore(%arg15 : memref<!tpu.dma_semaphore, #tpu.memory_space<semaphore_mem>>) {add = true}
    %dma_wait3A_160 = arith.constant 0 : i32
    %dma_wait3A_161 = arith.constant 0 : i32
    %dma_wait3A_162 = tpu.memref_slice %arg10[%dma_wait3A_160, %dma_wait3A_161] : memref<10000x48xf32, #tpu.memory_space<vmem_shared>> -> memref<10000x48xf32, #tpu.memory_space<vmem_shared>>
    tpu.wait_indirect_dma semaphore(%arg16 : memref<!tpu.dma_semaphore, #tpu.memory_space<semaphore_mem>>) src(%arg8 : memref<200x48xf32, #tpu.memory_space<vmem>>) dst(%dma_wait3A_162 : memref<10000x48xf32, #tpu.memory_space<vmem_shared>>)
    %mul3A_163 = arith.constant 5000 : i32
    %mul3A_164 = arith.muli %add3A, %mul3A_163 : i32
    %add3A_165 = arith.constant 1400 : i32
    %add3A_166 = arith.addi %mul3A_164, %add3A_165 : i32
    %dma_start3A_167 = tpu.memref_slice %arg3[%add3A_166] : memref<160000xi32, #tpu.memory_space<hbm>> -> memref<200xi32, #tpu.memory_space<hbm>>
    %dma_start3A_168 = tpu.memref_slice %arg3[%add3A_166] : memref<160000xi32, #tpu.memory_space<hbm>> -> memref<200xi32, #tpu.memory_space<hbm>>
    tpu.enqueue_dma source(%dma_start3A_168 : memref<200xi32, #tpu.memory_space<hbm>>) target(%arg6 : memref<200xi32, #tpu.memory_space<vmem>>) target_semaphore(%arg12 : memref<!tpu.dma_semaphore, #tpu.memory_space<semaphore_mem>>)
    %dma_start3A_169 = arith.constant 0 : i32
    %dma_start3A_170 = tpu.memref_slice %arg2[%add3A_166, %dma_start3A_169] : memref<160000x48xf32, #tpu.memory_space<hbm>> -> memref<200x48xf32, #tpu.memory_space<hbm>>
    %dma_start3A_171 = arith.constant 0 : i32
    %dma_start3A_172 = tpu.memref_slice %arg2[%add3A_166, %dma_start3A_171] : memref<160000x48xf32, #tpu.memory_space<hbm>> -> memref<200x48xf32, #tpu.memory_space<hbm>>
    tpu.enqueue_dma source(%dma_start3A_172 : memref<200x48xf32, #tpu.memory_space<hbm>>) target(%arg8 : memref<200x48xf32, #tpu.memory_space<vmem>>) target_semaphore(%arg14 : memref<!tpu.dma_semaphore, #tpu.memory_space<semaphore_mem>>)
    %dma_wait3A_173 = tpu.memref_slice %arg3[%add3A_166] : memref<160000xi32, #tpu.memory_space<hbm>> -> memref<200xi32, #tpu.memory_space<hbm>>
    %dma_wait3A_174 = tpu.memref_slice %arg3[%add3A_166] : memref<160000xi32, #tpu.memory_space<hbm>> -> memref<200xi32, #tpu.memory_space<hbm>>
    tpu.wait_dma2 semaphore(%arg12 : memref<!tpu.dma_semaphore, #tpu.memory_space<semaphore_mem>>) src(%dma_wait3A_174 : memref<200xi32, #tpu.memory_space<hbm>>) dst(%arg6 : memref<200xi32, #tpu.memory_space<vmem>>)
    %dma_wait3A_175 = arith.constant 0 : i32
    %dma_wait3A_176 = tpu.memref_slice %arg2[%add3A_166, %dma_wait3A_175] : memref<160000x48xf32, #tpu.memory_space<hbm>> -> memref<200x48xf32, #tpu.memory_space<hbm>>
    %dma_wait3A_177 = arith.constant 0 : i32
    %dma_wait3A_178 = tpu.memref_slice %arg2[%add3A_166, %dma_wait3A_177] : memref<160000x48xf32, #tpu.memory_space<hbm>> -> memref<200x48xf32, #tpu.memory_space<hbm>>
    tpu.wait_dma2 semaphore(%arg14 : memref<!tpu.dma_semaphore, #tpu.memory_space<semaphore_mem>>) src(%dma_wait3A_178 : memref<200x48xf32, #tpu.memory_space<hbm>>) dst(%arg8 : memref<200x48xf32, #tpu.memory_space<vmem>>)
    %dma_start3A_179 = arith.constant 0 : i32
    %dma_start3A_180 = arith.constant 0 : i32
    %dma_start3A_181 = tpu.memref_slice %arg10[%dma_start3A_179, %dma_start3A_180] : memref<10000x48xf32, #tpu.memory_space<vmem_shared>> -> memref<10000x48xf32, #tpu.memory_space<vmem_shared>>
    tpu.enqueue_indirect_dma source(%arg8 : memref<200x48xf32, #tpu.memory_space<vmem>>) target(%dma_start3A_181 : memref<10000x48xf32, #tpu.memory_space<vmem_shared>>) offsets(%arg6 : memref<200xi32, #tpu.memory_space<vmem>>) semaphore(%arg16 : memref<!tpu.dma_semaphore, #tpu.memory_space<semaphore_mem>>) {add = true}
    %dma_wait3A_182 = arith.constant 0 : i32
    %dma_wait3A_183 = arith.constant 0 : i32
    %dma_wait3A_184 = tpu.memref_slice %arg10[%dma_wait3A_182, %dma_wait3A_183] : memref<10000x48xf32, #tpu.memory_space<vmem_shared>> -> memref<10000x48xf32, #tpu.memory_space<vmem_shared>>
    tpu.wait_indirect_dma semaphore(%arg15 : memref<!tpu.dma_semaphore, #tpu.memory_space<semaphore_mem>>) src(%arg7 : memref<200x48xf32, #tpu.memory_space<vmem>>) dst(%dma_wait3A_184 : memref<10000x48xf32, #tpu.memory_space<vmem_shared>>)
    %mul3A_185 = arith.constant 5000 : i32
    %mul3A_186 = arith.muli %add3A, %mul3A_185 : i32
    %add3A_187 = arith.constant 1600 : i32
    %add3A_188 = arith.addi %mul3A_186, %add3A_187 : i32
    %dma_start3A_189 = tpu.memref_slice %arg3[%add3A_188] : memref<160000xi32, #tpu.memory_space<hbm>> -> memref<200xi32, #tpu.memory_space<hbm>>
    %dma_start3A_190 = tpu.memref_slice %arg3[%add3A_188] : memref<160000xi32, #tpu.memory_space<hbm>> -> memref<200xi32, #tpu.memory_space<hbm>>
    tpu.enqueue_dma source(%dma_start3A_190 : memref<200xi32, #tpu.memory_space<hbm>>) target(%arg5 : memref<200xi32, #tpu.memory_space<vmem>>) target_semaphore(%arg11 : memref<!tpu.dma_semaphore, #tpu.memory_space<semaphore_mem>>)
    %dma_start3A_191 = arith.constant 0 : i32
    %dma_start3A_192 = tpu.memref_slice %arg2[%add3A_188, %dma_start3A_191] : memref<160000x48xf32, #tpu.memory_space<hbm>> -> memref<200x48xf32, #tpu.memory_space<hbm>>
    %dma_start3A_193 = arith.constant 0 : i32
    %dma_start3A_194 = tpu.memref_slice %arg2[%add3A_188, %dma_start3A_193] : memref<160000x48xf32, #tpu.memory_space<hbm>> -> memref<200x48xf32, #tpu.memory_space<hbm>>
    tpu.enqueue_dma source(%dma_start3A_194 : memref<200x48xf32, #tpu.memory_space<hbm>>) target(%arg7 : memref<200x48xf32, #tpu.memory_space<vmem>>) target_semaphore(%arg13 : memref<!tpu.dma_semaphore, #tpu.memory_space<semaphore_mem>>)
    %dma_wait3A_195 = tpu.memref_slice %arg3[%add3A_188] : memref<160000xi32, #tpu.memory_space<hbm>> -> memref<200xi32, #tpu.memory_space<hbm>>
    %dma_wait3A_196 = tpu.memref_slice %arg3[%add3A_188] : memref<160000xi32, #tpu.memory_space<hbm>> -> memref<200xi32, #tpu.memory_space<hbm>>
    tpu.wait_dma2 semaphore(%arg11 : memref<!tpu.dma_semaphore, #tpu.memory_space<semaphore_mem>>) src(%dma_wait3A_196 : memref<200xi32, #tpu.memory_space<hbm>>) dst(%arg5 : memref<200xi32, #tpu.memory_space<vmem>>)
    %dma_wait3A_197 = arith.constant 0 : i32
    %dma_wait3A_198 = tpu.memref_slice %arg2[%add3A_188, %dma_wait3A_197] : memref<160000x48xf32, #tpu.memory_space<hbm>> -> memref<200x48xf32, #tpu.memory_space<hbm>>
    %dma_wait3A_199 = arith.constant 0 : i32
    %dma_wait3A_200 = tpu.memref_slice %arg2[%add3A_188, %dma_wait3A_199] : memref<160000x48xf32, #tpu.memory_space<hbm>> -> memref<200x48xf32, #tpu.memory_space<hbm>>
    tpu.wait_dma2 semaphore(%arg13 : memref<!tpu.dma_semaphore, #tpu.memory_space<semaphore_mem>>) src(%dma_wait3A_200 : memref<200x48xf32, #tpu.memory_space<hbm>>) dst(%arg7 : memref<200x48xf32, #tpu.memory_space<vmem>>)
    %dma_start3A_201 = arith.constant 0 : i32
    %dma_start3A_202 = arith.constant 0 : i32
    %dma_start3A_203 = tpu.memref_slice %arg10[%dma_start3A_201, %dma_start3A_202] : memref<10000x48xf32, #tpu.memory_space<vmem_shared>> -> memref<10000x48xf32, #tpu.memory_space<vmem_shared>>
    tpu.enqueue_indirect_dma source(%arg7 : memref<200x48xf32, #tpu.memory_space<vmem>>) target(%dma_start3A_203 : memref<10000x48xf32, #tpu.memory_space<vmem_shared>>) offsets(%arg5 : memref<200xi32, #tpu.memory_space<vmem>>) semaphore(%arg15 : memref<!tpu.dma_semaphore, #tpu.memory_space<semaphore_mem>>) {add = true}
    %dma_wait3A_204 = arith.constant 0 : i32
    %dma_wait3A_205 = arith.constant 0 : i32
    %dma_wait3A_206 = tpu.memref_slice %arg10[%dma_wait3A_204, %dma_wait3A_205] : memref<10000x48xf32, #tpu.memory_space<vmem_shared>> -> memref<10000x48xf32, #tpu.memory_space<vmem_shared>>
    tpu.wait_indirect_dma semaphore(%arg16 : memref<!tpu.dma_semaphore, #tpu.memory_space<semaphore_mem>>) src(%arg8 : memref<200x48xf32, #tpu.memory_space<vmem>>) dst(%dma_wait3A_206 : memref<10000x48xf32, #tpu.memory_space<vmem_shared>>)
    %mul3A_207 = arith.constant 5000 : i32
    %mul3A_208 = arith.muli %add3A, %mul3A_207 : i32
    %add3A_209 = arith.constant 1800 : i32
    %add3A_210 = arith.addi %mul3A_208, %add3A_209 : i32
    %dma_start3A_211 = tpu.memref_slice %arg3[%add3A_210] : memref<160000xi32, #tpu.memory_space<hbm>> -> memref<200xi32, #tpu.memory_space<hbm>>
    %dma_start3A_212 = tpu.memref_slice %arg3[%add3A_210] : memref<160000xi32, #tpu.memory_space<hbm>> -> memref<200xi32, #tpu.memory_space<hbm>>
    tpu.enqueue_dma source(%dma_start3A_212 : memref<200xi32, #tpu.memory_space<hbm>>) target(%arg6 : memref<200xi32, #tpu.memory_space<vmem>>) target_semaphore(%arg12 : memref<!tpu.dma_semaphore, #tpu.memory_space<semaphore_mem>>)
    %dma_start3A_213 = arith.constant 0 : i32
    %dma_start3A_214 = tpu.memref_slice %arg2[%add3A_210, %dma_start3A_213] : memref<160000x48xf32, #tpu.memory_space<hbm>> -> memref<200x48xf32, #tpu.memory_space<hbm>>
    %dma_start3A_215 = arith.constant 0 : i32
    %dma_start3A_216 = tpu.memref_slice %arg2[%add3A_210, %dma_start3A_215] : memref<160000x48xf32, #tpu.memory_space<hbm>> -> memref<200x48xf32, #tpu.memory_space<hbm>>
    tpu.enqueue_dma source(%dma_start3A_216 : memref<200x48xf32, #tpu.memory_space<hbm>>) target(%arg8 : memref<200x48xf32, #tpu.memory_space<vmem>>) target_semaphore(%arg14 : memref<!tpu.dma_semaphore, #tpu.memory_space<semaphore_mem>>)
    %dma_wait3A_217 = tpu.memref_slice %arg3[%add3A_210] : memref<160000xi32, #tpu.memory_space<hbm>> -> memref<200xi32, #tpu.memory_space<hbm>>
    %dma_wait3A_218 = tpu.memref_slice %arg3[%add3A_210] : memref<160000xi32, #tpu.memory_space<hbm>> -> memref<200xi32, #tpu.memory_space<hbm>>
    tpu.wait_dma2 semaphore(%arg12 : memref<!tpu.dma_semaphore, #tpu.memory_space<semaphore_mem>>) src(%dma_wait3A_218 : memref<200xi32, #tpu.memory_space<hbm>>) dst(%arg6 : memref<200xi32, #tpu.memory_space<vmem>>)
    %dma_wait3A_219 = arith.constant 0 : i32
    %dma_wait3A_220 = tpu.memref_slice %arg2[%add3A_210, %dma_wait3A_219] : memref<160000x48xf32, #tpu.memory_space<hbm>> -> memref<200x48xf32, #tpu.memory_space<hbm>>
    %dma_wait3A_221 = arith.constant 0 : i32
    %dma_wait3A_222 = tpu.memref_slice %arg2[%add3A_210, %dma_wait3A_221] : memref<160000x48xf32, #tpu.memory_space<hbm>> -> memref<200x48xf32, #tpu.memory_space<hbm>>
    tpu.wait_dma2 semaphore(%arg14 : memref<!tpu.dma_semaphore, #tpu.memory_space<semaphore_mem>>) src(%dma_wait3A_222 : memref<200x48xf32, #tpu.memory_space<hbm>>) dst(%arg8 : memref<200x48xf32, #tpu.memory_space<vmem>>)
    %dma_start3A_223 = arith.constant 0 : i32
    %dma_start3A_224 = arith.constant 0 : i32
    %dma_start3A_225 = tpu.memref_slice %arg10[%dma_start3A_223, %dma_start3A_224] : memref<10000x48xf32, #tpu.memory_space<vmem_shared>> -> memref<10000x48xf32, #tpu.memory_space<vmem_shared>>
    tpu.enqueue_indirect_dma source(%arg8 : memref<200x48xf32, #tpu.memory_space<vmem>>) target(%dma_start3A_225 : memref<10000x48xf32, #tpu.memory_space<vmem_shared>>) offsets(%arg6 : memref<200xi32, #tpu.memory_space<vmem>>) semaphore(%arg16 : memref<!tpu.dma_semaphore, #tpu.memory_space<semaphore_mem>>) {add = true}
    %dma_wait3A_226 = arith.constant 0 : i32
    %dma_wait3A_227 = arith.constant 0 : i32
    %dma_wait3A_228 = tpu.memref_slice %arg10[%dma_wait3A_226, %dma_wait3A_227] : memref<10000x48xf32, #tpu.memory_space<vmem_shared>> -> memref<10000x48xf32, #tpu.memory_space<vmem_shared>>
    tpu.wait_indirect_dma semaphore(%arg15 : memref<!tpu.dma_semaphore, #tpu.memory_space<semaphore_mem>>) src(%arg7 : memref<200x48xf32, #tpu.memory_space<vmem>>) dst(%dma_wait3A_228 : memref<10000x48xf32, #tpu.memory_space<vmem_shared>>)
    %mul3A_229 = arith.constant 5000 : i32
    %mul3A_230 = arith.muli %add3A, %mul3A_229 : i32
    %add3A_231 = arith.constant 2000 : i32
    %add3A_232 = arith.addi %mul3A_230, %add3A_231 : i32
    %dma_start3A_233 = tpu.memref_slice %arg3[%add3A_232] : memref<160000xi32, #tpu.memory_space<hbm>> -> memref<200xi32, #tpu.memory_space<hbm>>
    %dma_start3A_234 = tpu.memref_slice %arg3[%add3A_232] : memref<160000xi32, #tpu.memory_space<hbm>> -> memref<200xi32, #tpu.memory_space<hbm>>
    tpu.enqueue_dma source(%dma_start3A_234 : memref<200xi32, #tpu.memory_space<hbm>>) target(%arg5 : memref<200xi32, #tpu.memory_space<vmem>>) target_semaphore(%arg11 : memref<!tpu.dma_semaphore, #tpu.memory_space<semaphore_mem>>)
    %dma_start3A_235 = arith.constant 0 : i32
    %dma_start3A_236 = tpu.memref_slice %arg2[%add3A_232, %dma_start3A_235] : memref<160000x48xf32, #tpu.memory_space<hbm>> -> memref<200x48xf32, #tpu.memory_space<hbm>>
    %dma_start3A_237 = arith.constant 0 : i32
    %dma_start3A_238 = tpu.memref_slice %arg2[%add3A_232, %dma_start3A_237] : memref<160000x48xf32, #tpu.memory_space<hbm>> -> memref<200x48xf32, #tpu.memory_space<hbm>>
    tpu.enqueue_dma source(%dma_start3A_238 : memref<200x48xf32, #tpu.memory_space<hbm>>) target(%arg7 : memref<200x48xf32, #tpu.memory_space<vmem>>) target_semaphore(%arg13 : memref<!tpu.dma_semaphore, #tpu.memory_space<semaphore_mem>>)
    %dma_wait3A_239 = tpu.memref_slice %arg3[%add3A_232] : memref<160000xi32, #tpu.memory_space<hbm>> -> memref<200xi32, #tpu.memory_space<hbm>>
    %dma_wait3A_240 = tpu.memref_slice %arg3[%add3A_232] : memref<160000xi32, #tpu.memory_space<hbm>> -> memref<200xi32, #tpu.memory_space<hbm>>
    tpu.wait_dma2 semaphore(%arg11 : memref<!tpu.dma_semaphore, #tpu.memory_space<semaphore_mem>>) src(%dma_wait3A_240 : memref<200xi32, #tpu.memory_space<hbm>>) dst(%arg5 : memref<200xi32, #tpu.memory_space<vmem>>)
    %dma_wait3A_241 = arith.constant 0 : i32
    %dma_wait3A_242 = tpu.memref_slice %arg2[%add3A_232, %dma_wait3A_241] : memref<160000x48xf32, #tpu.memory_space<hbm>> -> memref<200x48xf32, #tpu.memory_space<hbm>>
    %dma_wait3A_243 = arith.constant 0 : i32
    %dma_wait3A_244 = tpu.memref_slice %arg2[%add3A_232, %dma_wait3A_243] : memref<160000x48xf32, #tpu.memory_space<hbm>> -> memref<200x48xf32, #tpu.memory_space<hbm>>
    tpu.wait_dma2 semaphore(%arg13 : memref<!tpu.dma_semaphore, #tpu.memory_space<semaphore_mem>>) src(%dma_wait3A_244 : memref<200x48xf32, #tpu.memory_space<hbm>>) dst(%arg7 : memref<200x48xf32, #tpu.memory_space<vmem>>)
    %dma_start3A_245 = arith.constant 0 : i32
    %dma_start3A_246 = arith.constant 0 : i32
    %dma_start3A_247 = tpu.memref_slice %arg10[%dma_start3A_245, %dma_start3A_246] : memref<10000x48xf32, #tpu.memory_space<vmem_shared>> -> memref<10000x48xf32, #tpu.memory_space<vmem_shared>>
    tpu.enqueue_indirect_dma source(%arg7 : memref<200x48xf32, #tpu.memory_space<vmem>>) target(%dma_start3A_247 : memref<10000x48xf32, #tpu.memory_space<vmem_shared>>) offsets(%arg5 : memref<200xi32, #tpu.memory_space<vmem>>) semaphore(%arg15 : memref<!tpu.dma_semaphore, #tpu.memory_space<semaphore_mem>>) {add = true}
    %dma_wait3A_248 = arith.constant 0 : i32
    %dma_wait3A_249 = arith.constant 0 : i32
    %dma_wait3A_250 = tpu.memref_slice %arg10[%dma_wait3A_248, %dma_wait3A_249] : memref<10000x48xf32, #tpu.memory_space<vmem_shared>> -> memref<10000x48xf32, #tpu.memory_space<vmem_shared>>
    tpu.wait_indirect_dma semaphore(%arg16 : memref<!tpu.dma_semaphore, #tpu.memory_space<semaphore_mem>>) src(%arg8 : memref<200x48xf32, #tpu.memory_space<vmem>>) dst(%dma_wait3A_250 : memref<10000x48xf32, #tpu.memory_space<vmem_shared>>)
    %mul3A_251 = arith.constant 5000 : i32
    %mul3A_252 = arith.muli %add3A, %mul3A_251 : i32
    %add3A_253 = arith.constant 2200 : i32
    %add3A_254 = arith.addi %mul3A_252, %add3A_253 : i32
    %dma_start3A_255 = tpu.memref_slice %arg3[%add3A_254] : memref<160000xi32, #tpu.memory_space<hbm>> -> memref<200xi32, #tpu.memory_space<hbm>>
    %dma_start3A_256 = tpu.memref_slice %arg3[%add3A_254] : memref<160000xi32, #tpu.memory_space<hbm>> -> memref<200xi32, #tpu.memory_space<hbm>>
    tpu.enqueue_dma source(%dma_start3A_256 : memref<200xi32, #tpu.memory_space<hbm>>) target(%arg6 : memref<200xi32, #tpu.memory_space<vmem>>) target_semaphore(%arg12 : memref<!tpu.dma_semaphore, #tpu.memory_space<semaphore_mem>>)
    %dma_start3A_257 = arith.constant 0 : i32
    %dma_start3A_258 = tpu.memref_slice %arg2[%add3A_254, %dma_start3A_257] : memref<160000x48xf32, #tpu.memory_space<hbm>> -> memref<200x48xf32, #tpu.memory_space<hbm>>
    %dma_start3A_259 = arith.constant 0 : i32
    %dma_start3A_260 = tpu.memref_slice %arg2[%add3A_254, %dma_start3A_259] : memref<160000x48xf32, #tpu.memory_space<hbm>> -> memref<200x48xf32, #tpu.memory_space<hbm>>
    tpu.enqueue_dma source(%dma_start3A_260 : memref<200x48xf32, #tpu.memory_space<hbm>>) target(%arg8 : memref<200x48xf32, #tpu.memory_space<vmem>>) target_semaphore(%arg14 : memref<!tpu.dma_semaphore, #tpu.memory_space<semaphore_mem>>)
    %dma_wait3A_261 = tpu.memref_slice %arg3[%add3A_254] : memref<160000xi32, #tpu.memory_space<hbm>> -> memref<200xi32, #tpu.memory_space<hbm>>
    %dma_wait3A_262 = tpu.memref_slice %arg3[%add3A_254] : memref<160000xi32, #tpu.memory_space<hbm>> -> memref<200xi32, #tpu.memory_space<hbm>>
    tpu.wait_dma2 semaphore(%arg12 : memref<!tpu.dma_semaphore, #tpu.memory_space<semaphore_mem>>) src(%dma_wait3A_262 : memref<200xi32, #tpu.memory_space<hbm>>) dst(%arg6 : memref<200xi32, #tpu.memory_space<vmem>>)
    %dma_wait3A_263 = arith.constant 0 : i32
    %dma_wait3A_264 = tpu.memref_slice %arg2[%add3A_254, %dma_wait3A_263] : memref<160000x48xf32, #tpu.memory_space<hbm>> -> memref<200x48xf32, #tpu.memory_space<hbm>>
    %dma_wait3A_265 = arith.constant 0 : i32
    %dma_wait3A_266 = tpu.memref_slice %arg2[%add3A_254, %dma_wait3A_265] : memref<160000x48xf32, #tpu.memory_space<hbm>> -> memref<200x48xf32, #tpu.memory_space<hbm>>
    tpu.wait_dma2 semaphore(%arg14 : memref<!tpu.dma_semaphore, #tpu.memory_space<semaphore_mem>>) src(%dma_wait3A_266 : memref<200x48xf32, #tpu.memory_space<hbm>>) dst(%arg8 : memref<200x48xf32, #tpu.memory_space<vmem>>)
    %dma_start3A_267 = arith.constant 0 : i32
    %dma_start3A_268 = arith.constant 0 : i32
    %dma_start3A_269 = tpu.memref_slice %arg10[%dma_start3A_267, %dma_start3A_268] : memref<10000x48xf32, #tpu.memory_space<vmem_shared>> -> memref<10000x48xf32, #tpu.memory_space<vmem_shared>>
    tpu.enqueue_indirect_dma source(%arg8 : memref<200x48xf32, #tpu.memory_space<vmem>>) target(%dma_start3A_269 : memref<10000x48xf32, #tpu.memory_space<vmem_shared>>) offsets(%arg6 : memref<200xi32, #tpu.memory_space<vmem>>) semaphore(%arg16 : memref<!tpu.dma_semaphore, #tpu.memory_space<semaphore_mem>>) {add = true}
    %dma_wait3A_270 = arith.constant 0 : i32
    %dma_wait3A_271 = arith.constant 0 : i32
    %dma_wait3A_272 = tpu.memref_slice %arg10[%dma_wait3A_270, %dma_wait3A_271] : memref<10000x48xf32, #tpu.memory_space<vmem_shared>> -> memref<10000x48xf32, #tpu.memory_space<vmem_shared>>
    tpu.wait_indirect_dma semaphore(%arg15 : memref<!tpu.dma_semaphore, #tpu.memory_space<semaphore_mem>>) src(%arg7 : memref<200x48xf32, #tpu.memory_space<vmem>>) dst(%dma_wait3A_272 : memref<10000x48xf32, #tpu.memory_space<vmem_shared>>)
    %mul3A_273 = arith.constant 5000 : i32
    %mul3A_274 = arith.muli %add3A, %mul3A_273 : i32
    %add3A_275 = arith.constant 2400 : i32
    %add3A_276 = arith.addi %mul3A_274, %add3A_275 : i32
    %dma_start3A_277 = tpu.memref_slice %arg3[%add3A_276] : memref<160000xi32, #tpu.memory_space<hbm>> -> memref<200xi32, #tpu.memory_space<hbm>>
    %dma_start3A_278 = tpu.memref_slice %arg3[%add3A_276] : memref<160000xi32, #tpu.memory_space<hbm>> -> memref<200xi32, #tpu.memory_space<hbm>>
    tpu.enqueue_dma source(%dma_start3A_278 : memref<200xi32, #tpu.memory_space<hbm>>) target(%arg5 : memref<200xi32, #tpu.memory_space<vmem>>) target_semaphore(%arg11 : memref<!tpu.dma_semaphore, #tpu.memory_space<semaphore_mem>>)
    %dma_start3A_279 = arith.constant 0 : i32
    %dma_start3A_280 = tpu.memref_slice %arg2[%add3A_276, %dma_start3A_279] : memref<160000x48xf32, #tpu.memory_space<hbm>> -> memref<200x48xf32, #tpu.memory_space<hbm>>
    %dma_start3A_281 = arith.constant 0 : i32
    %dma_start3A_282 = tpu.memref_slice %arg2[%add3A_276, %dma_start3A_281] : memref<160000x48xf32, #tpu.memory_space<hbm>> -> memref<200x48xf32, #tpu.memory_space<hbm>>
    tpu.enqueue_dma source(%dma_start3A_282 : memref<200x48xf32, #tpu.memory_space<hbm>>) target(%arg7 : memref<200x48xf32, #tpu.memory_space<vmem>>) target_semaphore(%arg13 : memref<!tpu.dma_semaphore, #tpu.memory_space<semaphore_mem>>)
    %dma_wait3A_283 = tpu.memref_slice %arg3[%add3A_276] : memref<160000xi32, #tpu.memory_space<hbm>> -> memref<200xi32, #tpu.memory_space<hbm>>
    %dma_wait3A_284 = tpu.memref_slice %arg3[%add3A_276] : memref<160000xi32, #tpu.memory_space<hbm>> -> memref<200xi32, #tpu.memory_space<hbm>>
    tpu.wait_dma2 semaphore(%arg11 : memref<!tpu.dma_semaphore, #tpu.memory_space<semaphore_mem>>) src(%dma_wait3A_284 : memref<200xi32, #tpu.memory_space<hbm>>) dst(%arg5 : memref<200xi32, #tpu.memory_space<vmem>>)
    %dma_wait3A_285 = arith.constant 0 : i32
    %dma_wait3A_286 = tpu.memref_slice %arg2[%add3A_276, %dma_wait3A_285] : memref<160000x48xf32, #tpu.memory_space<hbm>> -> memref<200x48xf32, #tpu.memory_space<hbm>>
    %dma_wait3A_287 = arith.constant 0 : i32
    %dma_wait3A_288 = tpu.memref_slice %arg2[%add3A_276, %dma_wait3A_287] : memref<160000x48xf32, #tpu.memory_space<hbm>> -> memref<200x48xf32, #tpu.memory_space<hbm>>
    tpu.wait_dma2 semaphore(%arg13 : memref<!tpu.dma_semaphore, #tpu.memory_space<semaphore_mem>>) src(%dma_wait3A_288 : memref<200x48xf32, #tpu.memory_space<hbm>>) dst(%arg7 : memref<200x48xf32, #tpu.memory_space<vmem>>)
    %dma_start3A_289 = arith.constant 0 : i32
    %dma_start3A_290 = arith.constant 0 : i32
    %dma_start3A_291 = tpu.memref_slice %arg10[%dma_start3A_289, %dma_start3A_290] : memref<10000x48xf32, #tpu.memory_space<vmem_shared>> -> memref<10000x48xf32, #tpu.memory_space<vmem_shared>>
    tpu.enqueue_indirect_dma source(%arg7 : memref<200x48xf32, #tpu.memory_space<vmem>>) target(%dma_start3A_291 : memref<10000x48xf32, #tpu.memory_space<vmem_shared>>) offsets(%arg5 : memref<200xi32, #tpu.memory_space<vmem>>) semaphore(%arg15 : memref<!tpu.dma_semaphore, #tpu.memory_space<semaphore_mem>>) {add = true}
    %dma_wait3A_292 = arith.constant 0 : i32
    %dma_wait3A_293 = arith.constant 0 : i32
    %dma_wait3A_294 = tpu.memref_slice %arg10[%dma_wait3A_292, %dma_wait3A_293] : memref<10000x48xf32, #tpu.memory_space<vmem_shared>> -> memref<10000x48xf32, #tpu.memory_space<vmem_shared>>
    tpu.wait_indirect_dma semaphore(%arg16 : memref<!tpu.dma_semaphore, #tpu.memory_space<semaphore_mem>>) src(%arg8 : memref<200x48xf32, #tpu.memory_space<vmem>>) dst(%dma_wait3A_294 : memref<10000x48xf32, #tpu.memory_space<vmem_shared>>)
    %mul3A_295 = arith.constant 5000 : i32
    %mul3A_296 = arith.muli %add3A, %mul3A_295 : i32
    %add3A_297 = arith.constant 2600 : i32
    %add3A_298 = arith.addi %mul3A_296, %add3A_297 : i32
    %dma_start3A_299 = tpu.memref_slice %arg3[%add3A_298] : memref<160000xi32, #tpu.memory_space<hbm>> -> memref<200xi32, #tpu.memory_space<hbm>>
    %dma_start3A_300 = tpu.memref_slice %arg3[%add3A_298] : memref<160000xi32, #tpu.memory_space<hbm>> -> memref<200xi32, #tpu.memory_space<hbm>>
    tpu.enqueue_dma source(%dma_start3A_300 : memref<200xi32, #tpu.memory_space<hbm>>) target(%arg6 : memref<200xi32, #tpu.memory_space<vmem>>) target_semaphore(%arg12 : memref<!tpu.dma_semaphore, #tpu.memory_space<semaphore_mem>>)
    %dma_start3A_301 = arith.constant 0 : i32
    %dma_start3A_302 = tpu.memref_slice %arg2[%add3A_298, %dma_start3A_301] : memref<160000x48xf32, #tpu.memory_space<hbm>> -> memref<200x48xf32, #tpu.memory_space<hbm>>
    %dma_start3A_303 = arith.constant 0 : i32
    %dma_start3A_304 = tpu.memref_slice %arg2[%add3A_298, %dma_start3A_303] : memref<160000x48xf32, #tpu.memory_space<hbm>> -> memref<200x48xf32, #tpu.memory_space<hbm>>
    tpu.enqueue_dma source(%dma_start3A_304 : memref<200x48xf32, #tpu.memory_space<hbm>>) target(%arg8 : memref<200x48xf32, #tpu.memory_space<vmem>>) target_semaphore(%arg14 : memref<!tpu.dma_semaphore, #tpu.memory_space<semaphore_mem>>)
    %dma_wait3A_305 = tpu.memref_slice %arg3[%add3A_298] : memref<160000xi32, #tpu.memory_space<hbm>> -> memref<200xi32, #tpu.memory_space<hbm>>
    %dma_wait3A_306 = tpu.memref_slice %arg3[%add3A_298] : memref<160000xi32, #tpu.memory_space<hbm>> -> memref<200xi32, #tpu.memory_space<hbm>>
    tpu.wait_dma2 semaphore(%arg12 : memref<!tpu.dma_semaphore, #tpu.memory_space<semaphore_mem>>) src(%dma_wait3A_306 : memref<200xi32, #tpu.memory_space<hbm>>) dst(%arg6 : memref<200xi32, #tpu.memory_space<vmem>>)
    %dma_wait3A_307 = arith.constant 0 : i32
    %dma_wait3A_308 = tpu.memref_slice %arg2[%add3A_298, %dma_wait3A_307] : memref<160000x48xf32, #tpu.memory_space<hbm>> -> memref<200x48xf32, #tpu.memory_space<hbm>>
    %dma_wait3A_309 = arith.constant 0 : i32
    %dma_wait3A_310 = tpu.memref_slice %arg2[%add3A_298, %dma_wait3A_309] : memref<160000x48xf32, #tpu.memory_space<hbm>> -> memref<200x48xf32, #tpu.memory_space<hbm>>
    tpu.wait_dma2 semaphore(%arg14 : memref<!tpu.dma_semaphore, #tpu.memory_space<semaphore_mem>>) src(%dma_wait3A_310 : memref<200x48xf32, #tpu.memory_space<hbm>>) dst(%arg8 : memref<200x48xf32, #tpu.memory_space<vmem>>)
    %dma_start3A_311 = arith.constant 0 : i32
    %dma_start3A_312 = arith.constant 0 : i32
    %dma_start3A_313 = tpu.memref_slice %arg10[%dma_start3A_311, %dma_start3A_312] : memref<10000x48xf32, #tpu.memory_space<vmem_shared>> -> memref<10000x48xf32, #tpu.memory_space<vmem_shared>>
    tpu.enqueue_indirect_dma source(%arg8 : memref<200x48xf32, #tpu.memory_space<vmem>>) target(%dma_start3A_313 : memref<10000x48xf32, #tpu.memory_space<vmem_shared>>) offsets(%arg6 : memref<200xi32, #tpu.memory_space<vmem>>) semaphore(%arg16 : memref<!tpu.dma_semaphore, #tpu.memory_space<semaphore_mem>>) {add = true}
    %dma_wait3A_314 = arith.constant 0 : i32
    %dma_wait3A_315 = arith.constant 0 : i32
    %dma_wait3A_316 = tpu.memref_slice %arg10[%dma_wait3A_314, %dma_wait3A_315] : memref<10000x48xf32, #tpu.memory_space<vmem_shared>> -> memref<10000x48xf32, #tpu.memory_space<vmem_shared>>
    tpu.wait_indirect_dma semaphore(%arg15 : memref<!tpu.dma_semaphore, #tpu.memory_space<semaphore_mem>>) src(%arg7 : memref<200x48xf32, #tpu.memory_space<vmem>>) dst(%dma_wait3A_316 : memref<10000x48xf32, #tpu.memory_space<vmem_shared>>)
    %mul3A_317 = arith.constant 5000 : i32
    %mul3A_318 = arith.muli %add3A, %mul3A_317 : i32
    %add3A_319 = arith.constant 2800 : i32
    %add3A_320 = arith.addi %mul3A_318, %add3A_319 : i32
    %dma_start3A_321 = tpu.memref_slice %arg3[%add3A_320] : memref<160000xi32, #tpu.memory_space<hbm>> -> memref<200xi32, #tpu.memory_space<hbm>>
    %dma_start3A_322 = tpu.memref_slice %arg3[%add3A_320] : memref<160000xi32, #tpu.memory_space<hbm>> -> memref<200xi32, #tpu.memory_space<hbm>>
    tpu.enqueue_dma source(%dma_start3A_322 : memref<200xi32, #tpu.memory_space<hbm>>) target(%arg5 : memref<200xi32, #tpu.memory_space<vmem>>) target_semaphore(%arg11 : memref<!tpu.dma_semaphore, #tpu.memory_space<semaphore_mem>>)
    %dma_start3A_323 = arith.constant 0 : i32
    %dma_start3A_324 = tpu.memref_slice %arg2[%add3A_320, %dma_start3A_323] : memref<160000x48xf32, #tpu.memory_space<hbm>> -> memref<200x48xf32, #tpu.memory_space<hbm>>
    %dma_start3A_325 = arith.constant 0 : i32
    %dma_start3A_326 = tpu.memref_slice %arg2[%add3A_320, %dma_start3A_325] : memref<160000x48xf32, #tpu.memory_space<hbm>> -> memref<200x48xf32, #tpu.memory_space<hbm>>
    tpu.enqueue_dma source(%dma_start3A_326 : memref<200x48xf32, #tpu.memory_space<hbm>>) target(%arg7 : memref<200x48xf32, #tpu.memory_space<vmem>>) target_semaphore(%arg13 : memref<!tpu.dma_semaphore, #tpu.memory_space<semaphore_mem>>)
    %dma_wait3A_327 = tpu.memref_slice %arg3[%add3A_320] : memref<160000xi32, #tpu.memory_space<hbm>> -> memref<200xi32, #tpu.memory_space<hbm>>
    %dma_wait3A_328 = tpu.memref_slice %arg3[%add3A_320] : memref<160000xi32, #tpu.memory_space<hbm>> -> memref<200xi32, #tpu.memory_space<hbm>>
    tpu.wait_dma2 semaphore(%arg11 : memref<!tpu.dma_semaphore, #tpu.memory_space<semaphore_mem>>) src(%dma_wait3A_328 : memref<200xi32, #tpu.memory_space<hbm>>) dst(%arg5 : memref<200xi32, #tpu.memory_space<vmem>>)
    %dma_wait3A_329 = arith.constant 0 : i32
    %dma_wait3A_330 = tpu.memref_slice %arg2[%add3A_320, %dma_wait3A_329] : memref<160000x48xf32, #tpu.memory_space<hbm>> -> memref<200x48xf32, #tpu.memory_space<hbm>>
    %dma_wait3A_331 = arith.constant 0 : i32
    %dma_wait3A_332 = tpu.memref_slice %arg2[%add3A_320, %dma_wait3A_331] : memref<160000x48xf32, #tpu.memory_space<hbm>> -> memref<200x48xf32, #tpu.memory_space<hbm>>
    tpu.wait_dma2 semaphore(%arg13 : memref<!tpu.dma_semaphore, #tpu.memory_space<semaphore_mem>>) src(%dma_wait3A_332 : memref<200x48xf32, #tpu.memory_space<hbm>>) dst(%arg7 : memref<200x48xf32, #tpu.memory_space<vmem>>)
    %dma_start3A_333 = arith.constant 0 : i32
    %dma_start3A_334 = arith.constant 0 : i32
    %dma_start3A_335 = tpu.memref_slice %arg10[%dma_start3A_333, %dma_start3A_334] : memref<10000x48xf32, #tpu.memory_space<vmem_shared>> -> memref<10000x48xf32, #tpu.memory_space<vmem_shared>>
    tpu.enqueue_indirect_dma source(%arg7 : memref<200x48xf32, #tpu.memory_space<vmem>>) target(%dma_start3A_335 : memref<10000x48xf32, #tpu.memory_space<vmem_shared>>) offsets(%arg5 : memref<200xi32, #tpu.memory_space<vmem>>) semaphore(%arg15 : memref<!tpu.dma_semaphore, #tpu.memory_space<semaphore_mem>>) {add = true}
    %dma_wait3A_336 = arith.constant 0 : i32
    %dma_wait3A_337 = arith.constant 0 : i32
    %dma_wait3A_338 = tpu.memref_slice %arg10[%dma_wait3A_336, %dma_wait3A_337] : memref<10000x48xf32, #tpu.memory_space<vmem_shared>> -> memref<10000x48xf32, #tpu.memory_space<vmem_shared>>
    tpu.wait_indirect_dma semaphore(%arg16 : memref<!tpu.dma_semaphore, #tpu.memory_space<semaphore_mem>>) src(%arg8 : memref<200x48xf32, #tpu.memory_space<vmem>>) dst(%dma_wait3A_338 : memref<10000x48xf32, #tpu.memory_space<vmem_shared>>)
    %mul3A_339 = arith.constant 5000 : i32
    %mul3A_340 = arith.muli %add3A, %mul3A_339 : i32
    %add3A_341 = arith.constant 3000 : i32
    %add3A_342 = arith.addi %mul3A_340, %add3A_341 : i32
    %dma_start3A_343 = tpu.memref_slice %arg3[%add3A_342] : memref<160000xi32, #tpu.memory_space<hbm>> -> memref<200xi32, #tpu.memory_space<hbm>>
    %dma_start3A_344 = tpu.memref_slice %arg3[%add3A_342] : memref<160000xi32, #tpu.memory_space<hbm>> -> memref<200xi32, #tpu.memory_space<hbm>>
    tpu.enqueue_dma source(%dma_start3A_344 : memref<200xi32, #tpu.memory_space<hbm>>) target(%arg6 : memref<200xi32, #tpu.memory_space<vmem>>) target_semaphore(%arg12 : memref<!tpu.dma_semaphore, #tpu.memory_space<semaphore_mem>>)
    %dma_start3A_345 = arith.constant 0 : i32
    %dma_start3A_346 = tpu.memref_slice %arg2[%add3A_342, %dma_start3A_345] : memref<160000x48xf32, #tpu.memory_space<hbm>> -> memref<200x48xf32, #tpu.memory_space<hbm>>
    %dma_start3A_347 = arith.constant 0 : i32
    %dma_start3A_348 = tpu.memref_slice %arg2[%add3A_342, %dma_start3A_347] : memref<160000x48xf32, #tpu.memory_space<hbm>> -> memref<200x48xf32, #tpu.memory_space<hbm>>
    tpu.enqueue_dma source(%dma_start3A_348 : memref<200x48xf32, #tpu.memory_space<hbm>>) target(%arg8 : memref<200x48xf32, #tpu.memory_space<vmem>>) target_semaphore(%arg14 : memref<!tpu.dma_semaphore, #tpu.memory_space<semaphore_mem>>)
    %dma_wait3A_349 = tpu.memref_slice %arg3[%add3A_342] : memref<160000xi32, #tpu.memory_space<hbm>> -> memref<200xi32, #tpu.memory_space<hbm>>
    %dma_wait3A_350 = tpu.memref_slice %arg3[%add3A_342] : memref<160000xi32, #tpu.memory_space<hbm>> -> memref<200xi32, #tpu.memory_space<hbm>>
    tpu.wait_dma2 semaphore(%arg12 : memref<!tpu.dma_semaphore, #tpu.memory_space<semaphore_mem>>) src(%dma_wait3A_350 : memref<200xi32, #tpu.memory_space<hbm>>) dst(%arg6 : memref<200xi32, #tpu.memory_space<vmem>>)
    %dma_wait3A_351 = arith.constant 0 : i32
    %dma_wait3A_352 = tpu.memref_slice %arg2[%add3A_342, %dma_wait3A_351] : memref<160000x48xf32, #tpu.memory_space<hbm>> -> memref<200x48xf32, #tpu.memory_space<hbm>>
    %dma_wait3A_353 = arith.constant 0 : i32
    %dma_wait3A_354 = tpu.memref_slice %arg2[%add3A_342, %dma_wait3A_353] : memref<160000x48xf32, #tpu.memory_space<hbm>> -> memref<200x48xf32, #tpu.memory_space<hbm>>
    tpu.wait_dma2 semaphore(%arg14 : memref<!tpu.dma_semaphore, #tpu.memory_space<semaphore_mem>>) src(%dma_wait3A_354 : memref<200x48xf32, #tpu.memory_space<hbm>>) dst(%arg8 : memref<200x48xf32, #tpu.memory_space<vmem>>)
    %dma_start3A_355 = arith.constant 0 : i32
    %dma_start3A_356 = arith.constant 0 : i32
    %dma_start3A_357 = tpu.memref_slice %arg10[%dma_start3A_355, %dma_start3A_356] : memref<10000x48xf32, #tpu.memory_space<vmem_shared>> -> memref<10000x48xf32, #tpu.memory_space<vmem_shared>>
    tpu.enqueue_indirect_dma source(%arg8 : memref<200x48xf32, #tpu.memory_space<vmem>>) target(%dma_start3A_357 : memref<10000x48xf32, #tpu.memory_space<vmem_shared>>) offsets(%arg6 : memref<200xi32, #tpu.memory_space<vmem>>) semaphore(%arg16 : memref<!tpu.dma_semaphore, #tpu.memory_space<semaphore_mem>>) {add = true}
    %dma_wait3A_358 = arith.constant 0 : i32
    %dma_wait3A_359 = arith.constant 0 : i32
    %dma_wait3A_360 = tpu.memref_slice %arg10[%dma_wait3A_358, %dma_wait3A_359] : memref<10000x48xf32, #tpu.memory_space<vmem_shared>> -> memref<10000x48xf32, #tpu.memory_space<vmem_shared>>
    tpu.wait_indirect_dma semaphore(%arg15 : memref<!tpu.dma_semaphore, #tpu.memory_space<semaphore_mem>>) src(%arg7 : memref<200x48xf32, #tpu.memory_space<vmem>>) dst(%dma_wait3A_360 : memref<10000x48xf32, #tpu.memory_space<vmem_shared>>)
    %mul3A_361 = arith.constant 5000 : i32
    %mul3A_362 = arith.muli %add3A, %mul3A_361 : i32
    %add3A_363 = arith.constant 3200 : i32
    %add3A_364 = arith.addi %mul3A_362, %add3A_363 : i32
    %dma_start3A_365 = tpu.memref_slice %arg3[%add3A_364] : memref<160000xi32, #tpu.memory_space<hbm>> -> memref<200xi32, #tpu.memory_space<hbm>>
    %dma_start3A_366 = tpu.memref_slice %arg3[%add3A_364] : memref<160000xi32, #tpu.memory_space<hbm>> -> memref<200xi32, #tpu.memory_space<hbm>>
    tpu.enqueue_dma source(%dma_start3A_366 : memref<200xi32, #tpu.memory_space<hbm>>) target(%arg5 : memref<200xi32, #tpu.memory_space<vmem>>) target_semaphore(%arg11 : memref<!tpu.dma_semaphore, #tpu.memory_space<semaphore_mem>>)
    %dma_start3A_367 = arith.constant 0 : i32
    %dma_start3A_368 = tpu.memref_slice %arg2[%add3A_364, %dma_start3A_367] : memref<160000x48xf32, #tpu.memory_space<hbm>> -> memref<200x48xf32, #tpu.memory_space<hbm>>
    %dma_start3A_369 = arith.constant 0 : i32
    %dma_start3A_370 = tpu.memref_slice %arg2[%add3A_364, %dma_start3A_369] : memref<160000x48xf32, #tpu.memory_space<hbm>> -> memref<200x48xf32, #tpu.memory_space<hbm>>
    tpu.enqueue_dma source(%dma_start3A_370 : memref<200x48xf32, #tpu.memory_space<hbm>>) target(%arg7 : memref<200x48xf32, #tpu.memory_space<vmem>>) target_semaphore(%arg13 : memref<!tpu.dma_semaphore, #tpu.memory_space<semaphore_mem>>)
    %dma_wait3A_371 = tpu.memref_slice %arg3[%add3A_364] : memref<160000xi32, #tpu.memory_space<hbm>> -> memref<200xi32, #tpu.memory_space<hbm>>
    %dma_wait3A_372 = tpu.memref_slice %arg3[%add3A_364] : memref<160000xi32, #tpu.memory_space<hbm>> -> memref<200xi32, #tpu.memory_space<hbm>>
    tpu.wait_dma2 semaphore(%arg11 : memref<!tpu.dma_semaphore, #tpu.memory_space<semaphore_mem>>) src(%dma_wait3A_372 : memref<200xi32, #tpu.memory_space<hbm>>) dst(%arg5 : memref<200xi32, #tpu.memory_space<vmem>>)
    %dma_wait3A_373 = arith.constant 0 : i32
    %dma_wait3A_374 = tpu.memref_slice %arg2[%add3A_364, %dma_wait3A_373] : memref<160000x48xf32, #tpu.memory_space<hbm>> -> memref<200x48xf32, #tpu.memory_space<hbm>>
    %dma_wait3A_375 = arith.constant 0 : i32
    %dma_wait3A_376 = tpu.memref_slice %arg2[%add3A_364, %dma_wait3A_375] : memref<160000x48xf32, #tpu.memory_space<hbm>> -> memref<200x48xf32, #tpu.memory_space<hbm>>
    tpu.wait_dma2 semaphore(%arg13 : memref<!tpu.dma_semaphore, #tpu.memory_space<semaphore_mem>>) src(%dma_wait3A_376 : memref<200x48xf32, #tpu.memory_space<hbm>>) dst(%arg7 : memref<200x48xf32, #tpu.memory_space<vmem>>)
    %dma_start3A_377 = arith.constant 0 : i32
    %dma_start3A_378 = arith.constant 0 : i32
    %dma_start3A_379 = tpu.memref_slice %arg10[%dma_start3A_377, %dma_start3A_378] : memref<10000x48xf32, #tpu.memory_space<vmem_shared>> -> memref<10000x48xf32, #tpu.memory_space<vmem_shared>>
    tpu.enqueue_indirect_dma source(%arg7 : memref<200x48xf32, #tpu.memory_space<vmem>>) target(%dma_start3A_379 : memref<10000x48xf32, #tpu.memory_space<vmem_shared>>) offsets(%arg5 : memref<200xi32, #tpu.memory_space<vmem>>) semaphore(%arg15 : memref<!tpu.dma_semaphore, #tpu.memory_space<semaphore_mem>>) {add = true}
    %dma_wait3A_380 = arith.constant 0 : i32
    %dma_wait3A_381 = arith.constant 0 : i32
    %dma_wait3A_382 = tpu.memref_slice %arg10[%dma_wait3A_380, %dma_wait3A_381] : memref<10000x48xf32, #tpu.memory_space<vmem_shared>> -> memref<10000x48xf32, #tpu.memory_space<vmem_shared>>
    tpu.wait_indirect_dma semaphore(%arg16 : memref<!tpu.dma_semaphore, #tpu.memory_space<semaphore_mem>>) src(%arg8 : memref<200x48xf32, #tpu.memory_space<vmem>>) dst(%dma_wait3A_382 : memref<10000x48xf32, #tpu.memory_space<vmem_shared>>)
    %mul3A_383 = arith.constant 5000 : i32
    %mul3A_384 = arith.muli %add3A, %mul3A_383 : i32
    %add3A_385 = arith.constant 3400 : i32
    %add3A_386 = arith.addi %mul3A_384, %add3A_385 : i32
    %dma_start3A_387 = tpu.memref_slice %arg3[%add3A_386] : memref<160000xi32, #tpu.memory_space<hbm>> -> memref<200xi32, #tpu.memory_space<hbm>>
    %dma_start3A_388 = tpu.memref_slice %arg3[%add3A_386] : memref<160000xi32, #tpu.memory_space<hbm>> -> memref<200xi32, #tpu.memory_space<hbm>>
    tpu.enqueue_dma source(%dma_start3A_388 : memref<200xi32, #tpu.memory_space<hbm>>) target(%arg6 : memref<200xi32, #tpu.memory_space<vmem>>) target_semaphore(%arg12 : memref<!tpu.dma_semaphore, #tpu.memory_space<semaphore_mem>>)
    %dma_start3A_389 = arith.constant 0 : i32
    %dma_start3A_390 = tpu.memref_slice %arg2[%add3A_386, %dma_start3A_389] : memref<160000x48xf32, #tpu.memory_space<hbm>> -> memref<200x48xf32, #tpu.memory_space<hbm>>
    %dma_start3A_391 = arith.constant 0 : i32
    %dma_start3A_392 = tpu.memref_slice %arg2[%add3A_386, %dma_start3A_391] : memref<160000x48xf32, #tpu.memory_space<hbm>> -> memref<200x48xf32, #tpu.memory_space<hbm>>
    tpu.enqueue_dma source(%dma_start3A_392 : memref<200x48xf32, #tpu.memory_space<hbm>>) target(%arg8 : memref<200x48xf32, #tpu.memory_space<vmem>>) target_semaphore(%arg14 : memref<!tpu.dma_semaphore, #tpu.memory_space<semaphore_mem>>)
    %dma_wait3A_393 = tpu.memref_slice %arg3[%add3A_386] : memref<160000xi32, #tpu.memory_space<hbm>> -> memref<200xi32, #tpu.memory_space<hbm>>
    %dma_wait3A_394 = tpu.memref_slice %arg3[%add3A_386] : memref<160000xi32, #tpu.memory_space<hbm>> -> memref<200xi32, #tpu.memory_space<hbm>>
    tpu.wait_dma2 semaphore(%arg12 : memref<!tpu.dma_semaphore, #tpu.memory_space<semaphore_mem>>) src(%dma_wait3A_394 : memref<200xi32, #tpu.memory_space<hbm>>) dst(%arg6 : memref<200xi32, #tpu.memory_space<vmem>>)
    %dma_wait3A_395 = arith.constant 0 : i32
    %dma_wait3A_396 = tpu.memref_slice %arg2[%add3A_386, %dma_wait3A_395] : memref<160000x48xf32, #tpu.memory_space<hbm>> -> memref<200x48xf32, #tpu.memory_space<hbm>>
    %dma_wait3A_397 = arith.constant 0 : i32
    %dma_wait3A_398 = tpu.memref_slice %arg2[%add3A_386, %dma_wait3A_397] : memref<160000x48xf32, #tpu.memory_space<hbm>> -> memref<200x48xf32, #tpu.memory_space<hbm>>
    tpu.wait_dma2 semaphore(%arg14 : memref<!tpu.dma_semaphore, #tpu.memory_space<semaphore_mem>>) src(%dma_wait3A_398 : memref<200x48xf32, #tpu.memory_space<hbm>>) dst(%arg8 : memref<200x48xf32, #tpu.memory_space<vmem>>)
    %dma_start3A_399 = arith.constant 0 : i32
    %dma_start3A_400 = arith.constant 0 : i32
    %dma_start3A_401 = tpu.memref_slice %arg10[%dma_start3A_399, %dma_start3A_400] : memref<10000x48xf32, #tpu.memory_space<vmem_shared>> -> memref<10000x48xf32, #tpu.memory_space<vmem_shared>>
    tpu.enqueue_indirect_dma source(%arg8 : memref<200x48xf32, #tpu.memory_space<vmem>>) target(%dma_start3A_401 : memref<10000x48xf32, #tpu.memory_space<vmem_shared>>) offsets(%arg6 : memref<200xi32, #tpu.memory_space<vmem>>) semaphore(%arg16 : memref<!tpu.dma_semaphore, #tpu.memory_space<semaphore_mem>>) {add = true}
    %dma_wait3A_402 = arith.constant 0 : i32
    %dma_wait3A_403 = arith.constant 0 : i32
    %dma_wait3A_404 = tpu.memref_slice %arg10[%dma_wait3A_402, %dma_wait3A_403] : memref<10000x48xf32, #tpu.memory_space<vmem_shared>> -> memref<10000x48xf32, #tpu.memory_space<vmem_shared>>
    tpu.wait_indirect_dma semaphore(%arg15 : memref<!tpu.dma_semaphore, #tpu.memory_space<semaphore_mem>>) src(%arg7 : memref<200x48xf32, #tpu.memory_space<vmem>>) dst(%dma_wait3A_404 : memref<10000x48xf32, #tpu.memory_space<vmem_shared>>)
    %mul3A_405 = arith.constant 5000 : i32
    %mul3A_406 = arith.muli %add3A, %mul3A_405 : i32
    %add3A_407 = arith.constant 3600 : i32
    %add3A_408 = arith.addi %mul3A_406, %add3A_407 : i32
    %dma_start3A_409 = tpu.memref_slice %arg3[%add3A_408] : memref<160000xi32, #tpu.memory_space<hbm>> -> memref<200xi32, #tpu.memory_space<hbm>>
    %dma_start3A_410 = tpu.memref_slice %arg3[%add3A_408] : memref<160000xi32, #tpu.memory_space<hbm>> -> memref<200xi32, #tpu.memory_space<hbm>>
    tpu.enqueue_dma source(%dma_start3A_410 : memref<200xi32, #tpu.memory_space<hbm>>) target(%arg5 : memref<200xi32, #tpu.memory_space<vmem>>) target_semaphore(%arg11 : memref<!tpu.dma_semaphore, #tpu.memory_space<semaphore_mem>>)
    %dma_start3A_411 = arith.constant 0 : i32
    %dma_start3A_412 = tpu.memref_slice %arg2[%add3A_408, %dma_start3A_411] : memref<160000x48xf32, #tpu.memory_space<hbm>> -> memref<200x48xf32, #tpu.memory_space<hbm>>
    %dma_start3A_413 = arith.constant 0 : i32
    %dma_start3A_414 = tpu.memref_slice %arg2[%add3A_408, %dma_start3A_413] : memref<160000x48xf32, #tpu.memory_space<hbm>> -> memref<200x48xf32, #tpu.memory_space<hbm>>
    tpu.enqueue_dma source(%dma_start3A_414 : memref<200x48xf32, #tpu.memory_space<hbm>>) target(%arg7 : memref<200x48xf32, #tpu.memory_space<vmem>>) target_semaphore(%arg13 : memref<!tpu.dma_semaphore, #tpu.memory_space<semaphore_mem>>)
    %dma_wait3A_415 = tpu.memref_slice %arg3[%add3A_408] : memref<160000xi32, #tpu.memory_space<hbm>> -> memref<200xi32, #tpu.memory_space<hbm>>
    %dma_wait3A_416 = tpu.memref_slice %arg3[%add3A_408] : memref<160000xi32, #tpu.memory_space<hbm>> -> memref<200xi32, #tpu.memory_space<hbm>>
    tpu.wait_dma2 semaphore(%arg11 : memref<!tpu.dma_semaphore, #tpu.memory_space<semaphore_mem>>) src(%dma_wait3A_416 : memref<200xi32, #tpu.memory_space<hbm>>) dst(%arg5 : memref<200xi32, #tpu.memory_space<vmem>>)
    %dma_wait3A_417 = arith.constant 0 : i32
    %dma_wait3A_418 = tpu.memref_slice %arg2[%add3A_408, %dma_wait3A_417] : memref<160000x48xf32, #tpu.memory_space<hbm>> -> memref<200x48xf32, #tpu.memory_space<hbm>>
    %dma_wait3A_419 = arith.constant 0 : i32
    %dma_wait3A_420 = tpu.memref_slice %arg2[%add3A_408, %dma_wait3A_419] : memref<160000x48xf32, #tpu.memory_space<hbm>> -> memref<200x48xf32, #tpu.memory_space<hbm>>
    tpu.wait_dma2 semaphore(%arg13 : memref<!tpu.dma_semaphore, #tpu.memory_space<semaphore_mem>>) src(%dma_wait3A_420 : memref<200x48xf32, #tpu.memory_space<hbm>>) dst(%arg7 : memref<200x48xf32, #tpu.memory_space<vmem>>)
    %dma_start3A_421 = arith.constant 0 : i32
    %dma_start3A_422 = arith.constant 0 : i32
    %dma_start3A_423 = tpu.memref_slice %arg10[%dma_start3A_421, %dma_start3A_422] : memref<10000x48xf32, #tpu.memory_space<vmem_shared>> -> memref<10000x48xf32, #tpu.memory_space<vmem_shared>>
    tpu.enqueue_indirect_dma source(%arg7 : memref<200x48xf32, #tpu.memory_space<vmem>>) target(%dma_start3A_423 : memref<10000x48xf32, #tpu.memory_space<vmem_shared>>) offsets(%arg5 : memref<200xi32, #tpu.memory_space<vmem>>) semaphore(%arg15 : memref<!tpu.dma_semaphore, #tpu.memory_space<semaphore_mem>>) {add = true}
    %dma_wait3A_424 = arith.constant 0 : i32
    %dma_wait3A_425 = arith.constant 0 : i32
    %dma_wait3A_426 = tpu.memref_slice %arg10[%dma_wait3A_424, %dma_wait3A_425] : memref<10000x48xf32, #tpu.memory_space<vmem_shared>> -> memref<10000x48xf32, #tpu.memory_space<vmem_shared>>
    tpu.wait_indirect_dma semaphore(%arg16 : memref<!tpu.dma_semaphore, #tpu.memory_space<semaphore_mem>>) src(%arg8 : memref<200x48xf32, #tpu.memory_space<vmem>>) dst(%dma_wait3A_426 : memref<10000x48xf32, #tpu.memory_space<vmem_shared>>)
    %mul3A_427 = arith.constant 5000 : i32
    %mul3A_428 = arith.muli %add3A, %mul3A_427 : i32
    %add3A_429 = arith.constant 3800 : i32
    %add3A_430 = arith.addi %mul3A_428, %add3A_429 : i32
    %dma_start3A_431 = tpu.memref_slice %arg3[%add3A_430] : memref<160000xi32, #tpu.memory_space<hbm>> -> memref<200xi32, #tpu.memory_space<hbm>>
    %dma_start3A_432 = tpu.memref_slice %arg3[%add3A_430] : memref<160000xi32, #tpu.memory_space<hbm>> -> memref<200xi32, #tpu.memory_space<hbm>>
    tpu.enqueue_dma source(%dma_start3A_432 : memref<200xi32, #tpu.memory_space<hbm>>) target(%arg6 : memref<200xi32, #tpu.memory_space<vmem>>) target_semaphore(%arg12 : memref<!tpu.dma_semaphore, #tpu.memory_space<semaphore_mem>>)
    %dma_start3A_433 = arith.constant 0 : i32
    %dma_start3A_434 = tpu.memref_slice %arg2[%add3A_430, %dma_start3A_433] : memref<160000x48xf32, #tpu.memory_space<hbm>> -> memref<200x48xf32, #tpu.memory_space<hbm>>
    %dma_start3A_435 = arith.constant 0 : i32
    %dma_start3A_436 = tpu.memref_slice %arg2[%add3A_430, %dma_start3A_435] : memref<160000x48xf32, #tpu.memory_space<hbm>> -> memref<200x48xf32, #tpu.memory_space<hbm>>
    tpu.enqueue_dma source(%dma_start3A_436 : memref<200x48xf32, #tpu.memory_space<hbm>>) target(%arg8 : memref<200x48xf32, #tpu.memory_space<vmem>>) target_semaphore(%arg14 : memref<!tpu.dma_semaphore, #tpu.memory_space<semaphore_mem>>)
    %dma_wait3A_437 = tpu.memref_slice %arg3[%add3A_430] : memref<160000xi32, #tpu.memory_space<hbm>> -> memref<200xi32, #tpu.memory_space<hbm>>
    %dma_wait3A_438 = tpu.memref_slice %arg3[%add3A_430] : memref<160000xi32, #tpu.memory_space<hbm>> -> memref<200xi32, #tpu.memory_space<hbm>>
    tpu.wait_dma2 semaphore(%arg12 : memref<!tpu.dma_semaphore, #tpu.memory_space<semaphore_mem>>) src(%dma_wait3A_438 : memref<200xi32, #tpu.memory_space<hbm>>) dst(%arg6 : memref<200xi32, #tpu.memory_space<vmem>>)
    %dma_wait3A_439 = arith.constant 0 : i32
    %dma_wait3A_440 = tpu.memref_slice %arg2[%add3A_430, %dma_wait3A_439] : memref<160000x48xf32, #tpu.memory_space<hbm>> -> memref<200x48xf32, #tpu.memory_space<hbm>>
    %dma_wait3A_441 = arith.constant 0 : i32
    %dma_wait3A_442 = tpu.memref_slice %arg2[%add3A_430, %dma_wait3A_441] : memref<160000x48xf32, #tpu.memory_space<hbm>> -> memref<200x48xf32, #tpu.memory_space<hbm>>
    tpu.wait_dma2 semaphore(%arg14 : memref<!tpu.dma_semaphore, #tpu.memory_space<semaphore_mem>>) src(%dma_wait3A_442 : memref<200x48xf32, #tpu.memory_space<hbm>>) dst(%arg8 : memref<200x48xf32, #tpu.memory_space<vmem>>)
    %dma_start3A_443 = arith.constant 0 : i32
    %dma_start3A_444 = arith.constant 0 : i32
    %dma_start3A_445 = tpu.memref_slice %arg10[%dma_start3A_443, %dma_start3A_444] : memref<10000x48xf32, #tpu.memory_space<vmem_shared>> -> memref<10000x48xf32, #tpu.memory_space<vmem_shared>>
    tpu.enqueue_indirect_dma source(%arg8 : memref<200x48xf32, #tpu.memory_space<vmem>>) target(%dma_start3A_445 : memref<10000x48xf32, #tpu.memory_space<vmem_shared>>) offsets(%arg6 : memref<200xi32, #tpu.memory_space<vmem>>) semaphore(%arg16 : memref<!tpu.dma_semaphore, #tpu.memory_space<semaphore_mem>>) {add = true}
    %dma_wait3A_446 = arith.constant 0 : i32
    %dma_wait3A_447 = arith.constant 0 : i32
    %dma_wait3A_448 = tpu.memref_slice %arg10[%dma_wait3A_446, %dma_wait3A_447] : memref<10000x48xf32, #tpu.memory_space<vmem_shared>> -> memref<10000x48xf32, #tpu.memory_space<vmem_shared>>
    tpu.wait_indirect_dma semaphore(%arg15 : memref<!tpu.dma_semaphore, #tpu.memory_space<semaphore_mem>>) src(%arg7 : memref<200x48xf32, #tpu.memory_space<vmem>>) dst(%dma_wait3A_448 : memref<10000x48xf32, #tpu.memory_space<vmem_shared>>)
    %mul3A_449 = arith.constant 5000 : i32
    %mul3A_450 = arith.muli %add3A, %mul3A_449 : i32
    %add3A_451 = arith.constant 4000 : i32
    %add3A_452 = arith.addi %mul3A_450, %add3A_451 : i32
    %dma_start3A_453 = tpu.memref_slice %arg3[%add3A_452] : memref<160000xi32, #tpu.memory_space<hbm>> -> memref<200xi32, #tpu.memory_space<hbm>>
    %dma_start3A_454 = tpu.memref_slice %arg3[%add3A_452] : memref<160000xi32, #tpu.memory_space<hbm>> -> memref<200xi32, #tpu.memory_space<hbm>>
    tpu.enqueue_dma source(%dma_start3A_454 : memref<200xi32, #tpu.memory_space<hbm>>) target(%arg5 : memref<200xi32, #tpu.memory_space<vmem>>) target_semaphore(%arg11 : memref<!tpu.dma_semaphore, #tpu.memory_space<semaphore_mem>>)
    %dma_start3A_455 = arith.constant 0 : i32
    %dma_start3A_456 = tpu.memref_slice %arg2[%add3A_452, %dma_start3A_455] : memref<160000x48xf32, #tpu.memory_space<hbm>> -> memref<200x48xf32, #tpu.memory_space<hbm>>
    %dma_start3A_457 = arith.constant 0 : i32
    %dma_start3A_458 = tpu.memref_slice %arg2[%add3A_452, %dma_start3A_457] : memref<160000x48xf32, #tpu.memory_space<hbm>> -> memref<200x48xf32, #tpu.memory_space<hbm>>
    tpu.enqueue_dma source(%dma_start3A_458 : memref<200x48xf32, #tpu.memory_space<hbm>>) target(%arg7 : memref<200x48xf32, #tpu.memory_space<vmem>>) target_semaphore(%arg13 : memref<!tpu.dma_semaphore, #tpu.memory_space<semaphore_mem>>)
    %dma_wait3A_459 = tpu.memref_slice %arg3[%add3A_452] : memref<160000xi32, #tpu.memory_space<hbm>> -> memref<200xi32, #tpu.memory_space<hbm>>
    %dma_wait3A_460 = tpu.memref_slice %arg3[%add3A_452] : memref<160000xi32, #tpu.memory_space<hbm>> -> memref<200xi32, #tpu.memory_space<hbm>>
    tpu.wait_dma2 semaphore(%arg11 : memref<!tpu.dma_semaphore, #tpu.memory_space<semaphore_mem>>) src(%dma_wait3A_460 : memref<200xi32, #tpu.memory_space<hbm>>) dst(%arg5 : memref<200xi32, #tpu.memory_space<vmem>>)
    %dma_wait3A_461 = arith.constant 0 : i32
    %dma_wait3A_462 = tpu.memref_slice %arg2[%add3A_452, %dma_wait3A_461] : memref<160000x48xf32, #tpu.memory_space<hbm>> -> memref<200x48xf32, #tpu.memory_space<hbm>>
    %dma_wait3A_463 = arith.constant 0 : i32
    %dma_wait3A_464 = tpu.memref_slice %arg2[%add3A_452, %dma_wait3A_463] : memref<160000x48xf32, #tpu.memory_space<hbm>> -> memref<200x48xf32, #tpu.memory_space<hbm>>
    tpu.wait_dma2 semaphore(%arg13 : memref<!tpu.dma_semaphore, #tpu.memory_space<semaphore_mem>>) src(%dma_wait3A_464 : memref<200x48xf32, #tpu.memory_space<hbm>>) dst(%arg7 : memref<200x48xf32, #tpu.memory_space<vmem>>)
    %dma_start3A_465 = arith.constant 0 : i32
    %dma_start3A_466 = arith.constant 0 : i32
    %dma_start3A_467 = tpu.memref_slice %arg10[%dma_start3A_465, %dma_start3A_466] : memref<10000x48xf32, #tpu.memory_space<vmem_shared>> -> memref<10000x48xf32, #tpu.memory_space<vmem_shared>>
    tpu.enqueue_indirect_dma source(%arg7 : memref<200x48xf32, #tpu.memory_space<vmem>>) target(%dma_start3A_467 : memref<10000x48xf32, #tpu.memory_space<vmem_shared>>) offsets(%arg5 : memref<200xi32, #tpu.memory_space<vmem>>) semaphore(%arg15 : memref<!tpu.dma_semaphore, #tpu.memory_space<semaphore_mem>>) {add = true}
    %dma_wait3A_468 = arith.constant 0 : i32
    %dma_wait3A_469 = arith.constant 0 : i32
    %dma_wait3A_470 = tpu.memref_slice %arg10[%dma_wait3A_468, %dma_wait3A_469] : memref<10000x48xf32, #tpu.memory_space<vmem_shared>> -> memref<10000x48xf32, #tpu.memory_space<vmem_shared>>
    tpu.wait_indirect_dma semaphore(%arg16 : memref<!tpu.dma_semaphore, #tpu.memory_space<semaphore_mem>>) src(%arg8 : memref<200x48xf32, #tpu.memory_space<vmem>>) dst(%dma_wait3A_470 : memref<10000x48xf32, #tpu.memory_space<vmem_shared>>)
    %mul3A_471 = arith.constant 5000 : i32
    %mul3A_472 = arith.muli %add3A, %mul3A_471 : i32
    %add3A_473 = arith.constant 4200 : i32
    %add3A_474 = arith.addi %mul3A_472, %add3A_473 : i32
    %dma_start3A_475 = tpu.memref_slice %arg3[%add3A_474] : memref<160000xi32, #tpu.memory_space<hbm>> -> memref<200xi32, #tpu.memory_space<hbm>>
    %dma_start3A_476 = tpu.memref_slice %arg3[%add3A_474] : memref<160000xi32, #tpu.memory_space<hbm>> -> memref<200xi32, #tpu.memory_space<hbm>>
    tpu.enqueue_dma source(%dma_start3A_476 : memref<200xi32, #tpu.memory_space<hbm>>) target(%arg6 : memref<200xi32, #tpu.memory_space<vmem>>) target_semaphore(%arg12 : memref<!tpu.dma_semaphore, #tpu.memory_space<semaphore_mem>>)
    %dma_start3A_477 = arith.constant 0 : i32
    %dma_start3A_478 = tpu.memref_slice %arg2[%add3A_474, %dma_start3A_477] : memref<160000x48xf32, #tpu.memory_space<hbm>> -> memref<200x48xf32, #tpu.memory_space<hbm>>
    %dma_start3A_479 = arith.constant 0 : i32
    %dma_start3A_480 = tpu.memref_slice %arg2[%add3A_474, %dma_start3A_479] : memref<160000x48xf32, #tpu.memory_space<hbm>> -> memref<200x48xf32, #tpu.memory_space<hbm>>
    tpu.enqueue_dma source(%dma_start3A_480 : memref<200x48xf32, #tpu.memory_space<hbm>>) target(%arg8 : memref<200x48xf32, #tpu.memory_space<vmem>>) target_semaphore(%arg14 : memref<!tpu.dma_semaphore, #tpu.memory_space<semaphore_mem>>)
    %dma_wait3A_481 = tpu.memref_slice %arg3[%add3A_474] : memref<160000xi32, #tpu.memory_space<hbm>> -> memref<200xi32, #tpu.memory_space<hbm>>
    %dma_wait3A_482 = tpu.memref_slice %arg3[%add3A_474] : memref<160000xi32, #tpu.memory_space<hbm>> -> memref<200xi32, #tpu.memory_space<hbm>>
    tpu.wait_dma2 semaphore(%arg12 : memref<!tpu.dma_semaphore, #tpu.memory_space<semaphore_mem>>) src(%dma_wait3A_482 : memref<200xi32, #tpu.memory_space<hbm>>) dst(%arg6 : memref<200xi32, #tpu.memory_space<vmem>>)
    %dma_wait3A_483 = arith.constant 0 : i32
    %dma_wait3A_484 = tpu.memref_slice %arg2[%add3A_474, %dma_wait3A_483] : memref<160000x48xf32, #tpu.memory_space<hbm>> -> memref<200x48xf32, #tpu.memory_space<hbm>>
    %dma_wait3A_485 = arith.constant 0 : i32
    %dma_wait3A_486 = tpu.memref_slice %arg2[%add3A_474, %dma_wait3A_485] : memref<160000x48xf32, #tpu.memory_space<hbm>> -> memref<200x48xf32, #tpu.memory_space<hbm>>
    tpu.wait_dma2 semaphore(%arg14 : memref<!tpu.dma_semaphore, #tpu.memory_space<semaphore_mem>>) src(%dma_wait3A_486 : memref<200x48xf32, #tpu.memory_space<hbm>>) dst(%arg8 : memref<200x48xf32, #tpu.memory_space<vmem>>)
    %dma_start3A_487 = arith.constant 0 : i32
    %dma_start3A_488 = arith.constant 0 : i32
    %dma_start3A_489 = tpu.memref_slice %arg10[%dma_start3A_487, %dma_start3A_488] : memref<10000x48xf32, #tpu.memory_space<vmem_shared>> -> memref<10000x48xf32, #tpu.memory_space<vmem_shared>>
    tpu.enqueue_indirect_dma source(%arg8 : memref<200x48xf32, #tpu.memory_space<vmem>>) target(%dma_start3A_489 : memref<10000x48xf32, #tpu.memory_space<vmem_shared>>) offsets(%arg6 : memref<200xi32, #tpu.memory_space<vmem>>) semaphore(%arg16 : memref<!tpu.dma_semaphore, #tpu.memory_space<semaphore_mem>>) {add = true}
    %dma_wait3A_490 = arith.constant 0 : i32
    %dma_wait3A_491 = arith.constant 0 : i32
    %dma_wait3A_492 = tpu.memref_slice %arg10[%dma_wait3A_490, %dma_wait3A_491] : memref<10000x48xf32, #tpu.memory_space<vmem_shared>> -> memref<10000x48xf32, #tpu.memory_space<vmem_shared>>
    tpu.wait_indirect_dma semaphore(%arg15 : memref<!tpu.dma_semaphore, #tpu.memory_space<semaphore_mem>>) src(%arg7 : memref<200x48xf32, #tpu.memory_space<vmem>>) dst(%dma_wait3A_492 : memref<10000x48xf32, #tpu.memory_space<vmem_shared>>)
    %mul3A_493 = arith.constant 5000 : i32
    %mul3A_494 = arith.muli %add3A, %mul3A_493 : i32
    %add3A_495 = arith.constant 4400 : i32
    %add3A_496 = arith.addi %mul3A_494, %add3A_495 : i32
    %dma_start3A_497 = tpu.memref_slice %arg3[%add3A_496] : memref<160000xi32, #tpu.memory_space<hbm>> -> memref<200xi32, #tpu.memory_space<hbm>>
    %dma_start3A_498 = tpu.memref_slice %arg3[%add3A_496] : memref<160000xi32, #tpu.memory_space<hbm>> -> memref<200xi32, #tpu.memory_space<hbm>>
    tpu.enqueue_dma source(%dma_start3A_498 : memref<200xi32, #tpu.memory_space<hbm>>) target(%arg5 : memref<200xi32, #tpu.memory_space<vmem>>) target_semaphore(%arg11 : memref<!tpu.dma_semaphore, #tpu.memory_space<semaphore_mem>>)
    %dma_start3A_499 = arith.constant 0 : i32
    %dma_start3A_500 = tpu.memref_slice %arg2[%add3A_496, %dma_start3A_499] : memref<160000x48xf32, #tpu.memory_space<hbm>> -> memref<200x48xf32, #tpu.memory_space<hbm>>
    %dma_start3A_501 = arith.constant 0 : i32
    %dma_start3A_502 = tpu.memref_slice %arg2[%add3A_496, %dma_start3A_501] : memref<160000x48xf32, #tpu.memory_space<hbm>> -> memref<200x48xf32, #tpu.memory_space<hbm>>
    tpu.enqueue_dma source(%dma_start3A_502 : memref<200x48xf32, #tpu.memory_space<hbm>>) target(%arg7 : memref<200x48xf32, #tpu.memory_space<vmem>>) target_semaphore(%arg13 : memref<!tpu.dma_semaphore, #tpu.memory_space<semaphore_mem>>)
    %dma_wait3A_503 = tpu.memref_slice %arg3[%add3A_496] : memref<160000xi32, #tpu.memory_space<hbm>> -> memref<200xi32, #tpu.memory_space<hbm>>
    %dma_wait3A_504 = tpu.memref_slice %arg3[%add3A_496] : memref<160000xi32, #tpu.memory_space<hbm>> -> memref<200xi32, #tpu.memory_space<hbm>>
    tpu.wait_dma2 semaphore(%arg11 : memref<!tpu.dma_semaphore, #tpu.memory_space<semaphore_mem>>) src(%dma_wait3A_504 : memref<200xi32, #tpu.memory_space<hbm>>) dst(%arg5 : memref<200xi32, #tpu.memory_space<vmem>>)
    %dma_wait3A_505 = arith.constant 0 : i32
    %dma_wait3A_506 = tpu.memref_slice %arg2[%add3A_496, %dma_wait3A_505] : memref<160000x48xf32, #tpu.memory_space<hbm>> -> memref<200x48xf32, #tpu.memory_space<hbm>>
    %dma_wait3A_507 = arith.constant 0 : i32
    %dma_wait3A_508 = tpu.memref_slice %arg2[%add3A_496, %dma_wait3A_507] : memref<160000x48xf32, #tpu.memory_space<hbm>> -> memref<200x48xf32, #tpu.memory_space<hbm>>
    tpu.wait_dma2 semaphore(%arg13 : memref<!tpu.dma_semaphore, #tpu.memory_space<semaphore_mem>>) src(%dma_wait3A_508 : memref<200x48xf32, #tpu.memory_space<hbm>>) dst(%arg7 : memref<200x48xf32, #tpu.memory_space<vmem>>)
    %dma_start3A_509 = arith.constant 0 : i32
    %dma_start3A_510 = arith.constant 0 : i32
    %dma_start3A_511 = tpu.memref_slice %arg10[%dma_start3A_509, %dma_start3A_510] : memref<10000x48xf32, #tpu.memory_space<vmem_shared>> -> memref<10000x48xf32, #tpu.memory_space<vmem_shared>>
    tpu.enqueue_indirect_dma source(%arg7 : memref<200x48xf32, #tpu.memory_space<vmem>>) target(%dma_start3A_511 : memref<10000x48xf32, #tpu.memory_space<vmem_shared>>) offsets(%arg5 : memref<200xi32, #tpu.memory_space<vmem>>) semaphore(%arg15 : memref<!tpu.dma_semaphore, #tpu.memory_space<semaphore_mem>>) {add = true}
    %dma_wait3A_512 = arith.constant 0 : i32
    %dma_wait3A_513 = arith.constant 0 : i32
    %dma_wait3A_514 = tpu.memref_slice %arg10[%dma_wait3A_512, %dma_wait3A_513] : memref<10000x48xf32, #tpu.memory_space<vmem_shared>> -> memref<10000x48xf32, #tpu.memory_space<vmem_shared>>
    tpu.wait_indirect_dma semaphore(%arg16 : memref<!tpu.dma_semaphore, #tpu.memory_space<semaphore_mem>>) src(%arg8 : memref<200x48xf32, #tpu.memory_space<vmem>>) dst(%dma_wait3A_514 : memref<10000x48xf32, #tpu.memory_space<vmem_shared>>)
    %mul3A_515 = arith.constant 5000 : i32
    %mul3A_516 = arith.muli %add3A, %mul3A_515 : i32
    %add3A_517 = arith.constant 4600 : i32
    %add3A_518 = arith.addi %mul3A_516, %add3A_517 : i32
    %dma_start3A_519 = tpu.memref_slice %arg3[%add3A_518] : memref<160000xi32, #tpu.memory_space<hbm>> -> memref<200xi32, #tpu.memory_space<hbm>>
    %dma_start3A_520 = tpu.memref_slice %arg3[%add3A_518] : memref<160000xi32, #tpu.memory_space<hbm>> -> memref<200xi32, #tpu.memory_space<hbm>>
    tpu.enqueue_dma source(%dma_start3A_520 : memref<200xi32, #tpu.memory_space<hbm>>) target(%arg6 : memref<200xi32, #tpu.memory_space<vmem>>) target_semaphore(%arg12 : memref<!tpu.dma_semaphore, #tpu.memory_space<semaphore_mem>>)
    %dma_start3A_521 = arith.constant 0 : i32
    %dma_start3A_522 = tpu.memref_slice %arg2[%add3A_518, %dma_start3A_521] : memref<160000x48xf32, #tpu.memory_space<hbm>> -> memref<200x48xf32, #tpu.memory_space<hbm>>
    %dma_start3A_523 = arith.constant 0 : i32
    %dma_start3A_524 = tpu.memref_slice %arg2[%add3A_518, %dma_start3A_523] : memref<160000x48xf32, #tpu.memory_space<hbm>> -> memref<200x48xf32, #tpu.memory_space<hbm>>
    tpu.enqueue_dma source(%dma_start3A_524 : memref<200x48xf32, #tpu.memory_space<hbm>>) target(%arg8 : memref<200x48xf32, #tpu.memory_space<vmem>>) target_semaphore(%arg14 : memref<!tpu.dma_semaphore, #tpu.memory_space<semaphore_mem>>)
    %dma_wait3A_525 = tpu.memref_slice %arg3[%add3A_518] : memref<160000xi32, #tpu.memory_space<hbm>> -> memref<200xi32, #tpu.memory_space<hbm>>
    %dma_wait3A_526 = tpu.memref_slice %arg3[%add3A_518] : memref<160000xi32, #tpu.memory_space<hbm>> -> memref<200xi32, #tpu.memory_space<hbm>>
    tpu.wait_dma2 semaphore(%arg12 : memref<!tpu.dma_semaphore, #tpu.memory_space<semaphore_mem>>) src(%dma_wait3A_526 : memref<200xi32, #tpu.memory_space<hbm>>) dst(%arg6 : memref<200xi32, #tpu.memory_space<vmem>>)
    %dma_wait3A_527 = arith.constant 0 : i32
    %dma_wait3A_528 = tpu.memref_slice %arg2[%add3A_518, %dma_wait3A_527] : memref<160000x48xf32, #tpu.memory_space<hbm>> -> memref<200x48xf32, #tpu.memory_space<hbm>>
    %dma_wait3A_529 = arith.constant 0 : i32
    %dma_wait3A_530 = tpu.memref_slice %arg2[%add3A_518, %dma_wait3A_529] : memref<160000x48xf32, #tpu.memory_space<hbm>> -> memref<200x48xf32, #tpu.memory_space<hbm>>
    tpu.wait_dma2 semaphore(%arg14 : memref<!tpu.dma_semaphore, #tpu.memory_space<semaphore_mem>>) src(%dma_wait3A_530 : memref<200x48xf32, #tpu.memory_space<hbm>>) dst(%arg8 : memref<200x48xf32, #tpu.memory_space<vmem>>)
    %dma_start3A_531 = arith.constant 0 : i32
    %dma_start3A_532 = arith.constant 0 : i32
    %dma_start3A_533 = tpu.memref_slice %arg10[%dma_start3A_531, %dma_start3A_532] : memref<10000x48xf32, #tpu.memory_space<vmem_shared>> -> memref<10000x48xf32, #tpu.memory_space<vmem_shared>>
    tpu.enqueue_indirect_dma source(%arg8 : memref<200x48xf32, #tpu.memory_space<vmem>>) target(%dma_start3A_533 : memref<10000x48xf32, #tpu.memory_space<vmem_shared>>) offsets(%arg6 : memref<200xi32, #tpu.memory_space<vmem>>) semaphore(%arg16 : memref<!tpu.dma_semaphore, #tpu.memory_space<semaphore_mem>>) {add = true}
    %dma_wait3A_534 = arith.constant 0 : i32
    %dma_wait3A_535 = arith.constant 0 : i32
    %dma_wait3A_536 = tpu.memref_slice %arg10[%dma_wait3A_534, %dma_wait3A_535] : memref<10000x48xf32, #tpu.memory_space<vmem_shared>> -> memref<10000x48xf32, #tpu.memory_space<vmem_shared>>
    tpu.wait_indirect_dma semaphore(%arg15 : memref<!tpu.dma_semaphore, #tpu.memory_space<semaphore_mem>>) src(%arg7 : memref<200x48xf32, #tpu.memory_space<vmem>>) dst(%dma_wait3A_536 : memref<10000x48xf32, #tpu.memory_space<vmem_shared>>)
    %mul3A_537 = arith.constant 5000 : i32
    %mul3A_538 = arith.muli %add3A, %mul3A_537 : i32
    %add3A_539 = arith.constant 4800 : i32
    %add3A_540 = arith.addi %mul3A_538, %add3A_539 : i32
    %dma_start3A_541 = tpu.memref_slice %arg3[%add3A_540] : memref<160000xi32, #tpu.memory_space<hbm>> -> memref<200xi32, #tpu.memory_space<hbm>>
    %dma_start3A_542 = tpu.memref_slice %arg3[%add3A_540] : memref<160000xi32, #tpu.memory_space<hbm>> -> memref<200xi32, #tpu.memory_space<hbm>>
    tpu.enqueue_dma source(%dma_start3A_542 : memref<200xi32, #tpu.memory_space<hbm>>) target(%arg5 : memref<200xi32, #tpu.memory_space<vmem>>) target_semaphore(%arg11 : memref<!tpu.dma_semaphore, #tpu.memory_space<semaphore_mem>>)
    %dma_start3A_543 = arith.constant 0 : i32
    %dma_start3A_544 = tpu.memref_slice %arg2[%add3A_540, %dma_start3A_543] : memref<160000x48xf32, #tpu.memory_space<hbm>> -> memref<200x48xf32, #tpu.memory_space<hbm>>
    %dma_start3A_545 = arith.constant 0 : i32
    %dma_start3A_546 = tpu.memref_slice %arg2[%add3A_540, %dma_start3A_545] : memref<160000x48xf32, #tpu.memory_space<hbm>> -> memref<200x48xf32, #tpu.memory_space<hbm>>
    tpu.enqueue_dma source(%dma_start3A_546 : memref<200x48xf32, #tpu.memory_space<hbm>>) target(%arg7 : memref<200x48xf32, #tpu.memory_space<vmem>>) target_semaphore(%arg13 : memref<!tpu.dma_semaphore, #tpu.memory_space<semaphore_mem>>)
    %dma_wait3A_547 = tpu.memref_slice %arg3[%add3A_540] : memref<160000xi32, #tpu.memory_space<hbm>> -> memref<200xi32, #tpu.memory_space<hbm>>
    %dma_wait3A_548 = tpu.memref_slice %arg3[%add3A_540] : memref<160000xi32, #tpu.memory_space<hbm>> -> memref<200xi32, #tpu.memory_space<hbm>>
    tpu.wait_dma2 semaphore(%arg11 : memref<!tpu.dma_semaphore, #tpu.memory_space<semaphore_mem>>) src(%dma_wait3A_548 : memref<200xi32, #tpu.memory_space<hbm>>) dst(%arg5 : memref<200xi32, #tpu.memory_space<vmem>>)
    %dma_wait3A_549 = arith.constant 0 : i32
    %dma_wait3A_550 = tpu.memref_slice %arg2[%add3A_540, %dma_wait3A_549] : memref<160000x48xf32, #tpu.memory_space<hbm>> -> memref<200x48xf32, #tpu.memory_space<hbm>>
    %dma_wait3A_551 = arith.constant 0 : i32
    %dma_wait3A_552 = tpu.memref_slice %arg2[%add3A_540, %dma_wait3A_551] : memref<160000x48xf32, #tpu.memory_space<hbm>> -> memref<200x48xf32, #tpu.memory_space<hbm>>
    tpu.wait_dma2 semaphore(%arg13 : memref<!tpu.dma_semaphore, #tpu.memory_space<semaphore_mem>>) src(%dma_wait3A_552 : memref<200x48xf32, #tpu.memory_space<hbm>>) dst(%arg7 : memref<200x48xf32, #tpu.memory_space<vmem>>)
    %dma_start3A_553 = arith.constant 0 : i32
    %dma_start3A_554 = arith.constant 0 : i32
    %dma_start3A_555 = tpu.memref_slice %arg10[%dma_start3A_553, %dma_start3A_554] : memref<10000x48xf32, #tpu.memory_space<vmem_shared>> -> memref<10000x48xf32, #tpu.memory_space<vmem_shared>>
    tpu.enqueue_indirect_dma source(%arg7 : memref<200x48xf32, #tpu.memory_space<vmem>>) target(%dma_start3A_555 : memref<10000x48xf32, #tpu.memory_space<vmem_shared>>) offsets(%arg5 : memref<200xi32, #tpu.memory_space<vmem>>) semaphore(%arg15 : memref<!tpu.dma_semaphore, #tpu.memory_space<semaphore_mem>>) {add = true}
    %dma_wait3A_556 = arith.constant 0 : i32
    %dma_wait3A_557 = arith.constant 0 : i32
    %dma_wait3A_558 = tpu.memref_slice %arg10[%dma_wait3A_556, %dma_wait3A_557] : memref<10000x48xf32, #tpu.memory_space<vmem_shared>> -> memref<10000x48xf32, #tpu.memory_space<vmem_shared>>
    tpu.wait_indirect_dma semaphore(%arg16 : memref<!tpu.dma_semaphore, #tpu.memory_space<semaphore_mem>>) src(%arg8 : memref<200x48xf32, #tpu.memory_space<vmem>>) dst(%dma_wait3A_558 : memref<10000x48xf32, #tpu.memory_space<vmem_shared>>)
    %dma_wait3A_559 = arith.constant 0 : i32
    %dma_wait3A_560 = arith.constant 0 : i32
    %dma_wait3A_561 = tpu.memref_slice %arg10[%dma_wait3A_559, %dma_wait3A_560] : memref<10000x48xf32, #tpu.memory_space<vmem_shared>> -> memref<10000x48xf32, #tpu.memory_space<vmem_shared>>
    tpu.wait_indirect_dma semaphore(%arg15 : memref<!tpu.dma_semaphore, #tpu.memory_space<semaphore_mem>>) src(%arg7 : memref<200x48xf32, #tpu.memory_space<vmem>>) dst(%dma_wait3A_561 : memref<10000x48xf32, #tpu.memory_space<vmem_shared>>)
    %barrier3A_562 = arith.constant 0 : index
    tpu.barrier barrier_id(%barrier3A_562)
    %mul3A_563 = arith.constant 624 : i32
    %mul3A_564 = arith.muli %arg1, %mul3A_563 : i32
    %mul3A_565 = arith.constant 624 : i32
    %mul3A_566 = arith.muli %arg1, %mul3A_565 : i32
    "tpu.region"() ({
      %run_scoped3A = tpu.sem_alloc : memref<!tpu.dma_semaphore, #tpu.memory_space<semaphore_mem>>
      %dma_start3A_572 = arith.constant 0 : i32
      %dma_start3A_573 = arith.constant 0 : i32
      %dma_start3A_574 = tpu.memref_slice %arg4[%arg0, %dma_start3A_572, %dma_start3A_573] : memref<2x10000x48xf32, #tpu.memory_space<hbm>> -> memref<1x10000x48xf32, #tpu.memory_space<hbm>>
      %dma_start3A_575 = tpu.memref_squeeze %dma_start3A_574 : memref<1x10000x48xf32, #tpu.memory_space<hbm>> -> memref<10000x48xf32, #tpu.memory_space<hbm>>
      %dma_start3A_576 = arith.constant 0 : i32
      %dma_start3A_577 = tpu.memref_slice %dma_start3A_575[%mul3A_566, %dma_start3A_576] : memref<10000x48xf32, #tpu.memory_space<hbm>> -> memref<624x48xf32, #tpu.memory_space<hbm>>
      %dma_start3A_578 = arith.constant 0 : i32
      %dma_start3A_579 = tpu.memref_slice %arg10[%mul3A_564, %dma_start3A_578] : memref<10000x48xf32, #tpu.memory_space<vmem_shared>> -> memref<624x48xf32, #tpu.memory_space<vmem_shared>>
      tpu.enqueue_dma source(%dma_start3A_579 : memref<624x48xf32, #tpu.memory_space<vmem_shared>>) target(%dma_start3A_577 : memref<624x48xf32, #tpu.memory_space<hbm>>) target_semaphore(%run_scoped3A : memref<!tpu.dma_semaphore, #tpu.memory_space<semaphore_mem>>)
      %dma_wait3A_580 = arith.constant 0 : i32
      %dma_wait3A_581 = arith.constant 0 : i32
      %dma_wait3A_582 = tpu.memref_slice %arg4[%arg0, %dma_wait3A_580, %dma_wait3A_581] : memref<2x10000x48xf32, #tpu.memory_space<hbm>> -> memref<1x10000x48xf32, #tpu.memory_space<hbm>>
      %dma_wait3A_583 = tpu.memref_squeeze %dma_wait3A_582 : memref<1x10000x48xf32, #tpu.memory_space<hbm>> -> memref<10000x48xf32, #tpu.memory_space<hbm>>
      %dma_wait3A_584 = arith.constant 0 : i32
      %dma_wait3A_585 = tpu.memref_slice %dma_wait3A_583[%mul3A_566, %dma_wait3A_584] : memref<10000x48xf32, #tpu.memory_space<hbm>> -> memref<624x48xf32, #tpu.memory_space<hbm>>
      %dma_wait3A_586 = arith.constant 0 : i32
      %dma_wait3A_587 = tpu.memref_slice %arg10[%mul3A_564, %dma_wait3A_586] : memref<10000x48xf32, #tpu.memory_space<vmem_shared>> -> memref<624x48xf32, #tpu.memory_space<vmem_shared>>
      tpu.wait_dma2 semaphore(%run_scoped3A : memref<!tpu.dma_semaphore, #tpu.memory_space<semaphore_mem>>) src(%dma_wait3A_587 : memref<624x48xf32, #tpu.memory_space<vmem_shared>>) dst(%dma_wait3A_585 : memref<624x48xf32, #tpu.memory_space<hbm>>)
      tpu.yield
    }) : () -> ()
    %eq3A_567 = arith.constant 15 : i32
    %eq3A_568 = arith.cmpi eq, %arg1, %eq3A_567 : i32
    %convert_element_type3A_569 = arith.extui %eq3A_568 : i1 to i32
    %cond3A_570 = arith.constant 0 : i32
    %cond3A_571 = arith.cmpi ne, %convert_element_type3A_569, %cond3A_570 : i32
    scf.if %cond3A_571 {
      "tpu.region"() ({
        %run_scoped3A = tpu.sem_alloc : memref<!tpu.dma_semaphore, #tpu.memory_space<semaphore_mem>>
        %dma_start3A_572 = arith.constant 0 : i32
        %dma_start3A_573 = arith.constant 0 : i32
        %dma_start3A_574 = tpu.memref_slice %arg4[%arg0, %dma_start3A_572, %dma_start3A_573] : memref<2x10000x48xf32, #tpu.memory_space<hbm>> -> memref<1x10000x48xf32, #tpu.memory_space<hbm>>
        %dma_start3A_575 = tpu.memref_squeeze %dma_start3A_574 : memref<1x10000x48xf32, #tpu.memory_space<hbm>> -> memref<10000x48xf32, #tpu.memory_space<hbm>>
        %dma_start3A_576 = arith.constant 9984 : i32
        %dma_start3A_577 = arith.constant 0 : i32
        %dma_start3A_578 = tpu.memref_slice %dma_start3A_575[%dma_start3A_576, %dma_start3A_577] : memref<10000x48xf32, #tpu.memory_space<hbm>> -> memref<16x48xf32, #tpu.memory_space<hbm>>
        %dma_start3A_579 = arith.constant 9984 : i32
        %dma_start3A_580 = arith.constant 0 : i32
        %dma_start3A_581 = tpu.memref_slice %arg10[%dma_start3A_579, %dma_start3A_580] : memref<10000x48xf32, #tpu.memory_space<vmem_shared>> -> memref<16x48xf32, #tpu.memory_space<vmem_shared>>
        tpu.enqueue_dma source(%dma_start3A_581 : memref<16x48xf32, #tpu.memory_space<vmem_shared>>) target(%dma_start3A_578 : memref<16x48xf32, #tpu.memory_space<hbm>>) target_semaphore(%run_scoped3A : memref<!tpu.dma_semaphore, #tpu.memory_space<semaphore_mem>>)
        %dma_wait3A_582 = arith.constant 0 : i32
        %dma_wait3A_583 = arith.constant 0 : i32
        %dma_wait3A_584 = tpu.memref_slice %arg4[%arg0, %dma_wait3A_582, %dma_wait3A_583] : memref<2x10000x48xf32, #tpu.memory_space<hbm>> -> memref<1x10000x48xf32, #tpu.memory_space<hbm>>
        %dma_wait3A_585 = tpu.memref_squeeze %dma_wait3A_584 : memref<1x10000x48xf32, #tpu.memory_space<hbm>> -> memref<10000x48xf32, #tpu.memory_space<hbm>>
        %dma_wait3A_586 = arith.constant 9984 : i32
        %dma_wait3A_587 = arith.constant 0 : i32
        %dma_wait3A_588 = tpu.memref_slice %dma_wait3A_585[%dma_wait3A_586, %dma_wait3A_587] : memref<10000x48xf32, #tpu.memory_space<hbm>> -> memref<16x48xf32, #tpu.memory_space<hbm>>
        %dma_wait3A_589 = arith.constant 9984 : i32
        %dma_wait3A_590 = arith.constant 0 : i32
        %dma_wait3A_591 = tpu.memref_slice %arg10[%dma_wait3A_589, %dma_wait3A_590] : memref<10000x48xf32, #tpu.memory_space<vmem_shared>> -> memref<16x48xf32, #tpu.memory_space<vmem_shared>>
        tpu.wait_dma2 semaphore(%run_scoped3A : memref<!tpu.dma_semaphore, #tpu.memory_space<semaphore_mem>>) src(%dma_wait3A_591 : memref<16x48xf32, #tpu.memory_space<vmem_shared>>) dst(%dma_wait3A_588 : memref<16x48xf32, #tpu.memory_space<hbm>>)
        tpu.yield
      }) : () -> ()
    } else {
    }
    return
  }
}

#map = affine_map<(d0, d1) -> (0, 0)>
#map1 = affine_map<(d0, d1) -> (0)>
module attributes {stable_mosaic.version = 14 : i64} {
  func.func @_k1_body(%arg0: i32, %arg1: i32, %arg2: memref<20000x16xf32, #tpu.memory_space<hbm>>, %arg3: memref<320000xi32, #tpu.memory_space<hbm>>, %arg4: memref<320000x16xf32, #tpu.memory_space<hbm>>, %arg5: memref<2000xi32, #tpu.memory_space<vmem>>, %arg6: memref<2000xi32, #tpu.memory_space<vmem>>, %arg7: memref<2000x16xf32, #tpu.memory_space<vmem>>, %arg8: memref<2000x16xf32, #tpu.memory_space<vmem>>, %arg9: memref<!tpu.dma_semaphore, #tpu.memory_space<semaphore_mem>>, %arg10: memref<!tpu.dma_semaphore, #tpu.memory_space<semaphore_mem>>, %arg11: memref<!tpu.dma_semaphore, #tpu.memory_space<semaphore_mem>>, %arg12: memref<!tpu.dma_semaphore, #tpu.memory_space<semaphore_mem>>, %arg13: memref<!tpu.dma_semaphore, #tpu.memory_space<semaphore_mem>>, %arg14: memref<!tpu.dma_semaphore, #tpu.memory_space<semaphore_mem>>) attributes {dimension_semantics = [#tpu.dimension_semantics<core_parallel>, #tpu.dimension_semantics<subcore_parallel>], iteration_bounds = array<i64: 2, 16>, scalar_prefetch = 0 : i64, scratch_operands = 10 : i64, tpu.core_type = #tpu.core_type<sc_vector_subcore>, window_params = [{transform_indices = #map}, {transform_indices = #map1}, {transform_indices = #map}]} {
    %mul3A = arith.constant 16 : i32
    %mul3A_0 = arith.muli %arg0, %mul3A : i32
    %add3A = arith.addi %mul3A_0, %arg1 : i32
    %mul3A_1 = arith.constant 10000 : i32
    %mul3A_2 = arith.muli %add3A, %mul3A_1 : i32
    %dma_start3A = tpu.memref_slice %arg3[%mul3A_2] : memref<320000xi32, #tpu.memory_space<hbm>> -> memref<2000xi32, #tpu.memory_space<hbm>>
    %dma_start3A_3 = tpu.memref_slice %arg3[%mul3A_2] : memref<320000xi32, #tpu.memory_space<hbm>> -> memref<2000xi32, #tpu.memory_space<hbm>>
    tpu.enqueue_dma source(%dma_start3A_3 : memref<2000xi32, #tpu.memory_space<hbm>>) target(%arg5 : memref<2000xi32, #tpu.memory_space<vmem>>) target_semaphore(%arg9 : memref<!tpu.dma_semaphore, #tpu.memory_space<semaphore_mem>>)
    %dma_wait3A = tpu.memref_slice %arg3[%mul3A_2] : memref<320000xi32, #tpu.memory_space<hbm>> -> memref<2000xi32, #tpu.memory_space<hbm>>
    %dma_wait3A_4 = tpu.memref_slice %arg3[%mul3A_2] : memref<320000xi32, #tpu.memory_space<hbm>> -> memref<2000xi32, #tpu.memory_space<hbm>>
    tpu.wait_dma2 semaphore(%arg9 : memref<!tpu.dma_semaphore, #tpu.memory_space<semaphore_mem>>) src(%dma_wait3A_4 : memref<2000xi32, #tpu.memory_space<hbm>>) dst(%arg5 : memref<2000xi32, #tpu.memory_space<vmem>>)
    %dma_start3A_5 = arith.constant 0 : i32
    %dma_start3A_6 = arith.constant 0 : i32
    %dma_start3A_7 = tpu.memref_slice %arg2[%dma_start3A_5, %dma_start3A_6] : memref<20000x16xf32, #tpu.memory_space<hbm>> -> memref<20000x16xf32, #tpu.memory_space<hbm>>
    tpu.enqueue_indirect_dma source(%dma_start3A_7 : memref<20000x16xf32, #tpu.memory_space<hbm>>) target(%arg7 : memref<2000x16xf32, #tpu.memory_space<vmem>>) offsets(%arg5 : memref<2000xi32, #tpu.memory_space<vmem>>) semaphore(%arg11 : memref<!tpu.dma_semaphore, #tpu.memory_space<semaphore_mem>>)
    %add3A_8 = arith.constant 2000 : i32
    %add3A_9 = arith.addi %mul3A_2, %add3A_8 : i32
    %dma_start3A_10 = tpu.memref_slice %arg3[%add3A_9] : memref<320000xi32, #tpu.memory_space<hbm>> -> memref<2000xi32, #tpu.memory_space<hbm>>
    %dma_start3A_11 = tpu.memref_slice %arg3[%add3A_9] : memref<320000xi32, #tpu.memory_space<hbm>> -> memref<2000xi32, #tpu.memory_space<hbm>>
    tpu.enqueue_dma source(%dma_start3A_11 : memref<2000xi32, #tpu.memory_space<hbm>>) target(%arg6 : memref<2000xi32, #tpu.memory_space<vmem>>) target_semaphore(%arg10 : memref<!tpu.dma_semaphore, #tpu.memory_space<semaphore_mem>>)
    %dma_wait3A_12 = arith.constant 0 : i32
    %dma_wait3A_13 = arith.constant 0 : i32
    %dma_wait3A_14 = tpu.memref_slice %arg2[%dma_wait3A_12, %dma_wait3A_13] : memref<20000x16xf32, #tpu.memory_space<hbm>> -> memref<20000x16xf32, #tpu.memory_space<hbm>>
    tpu.wait_indirect_dma semaphore(%arg11 : memref<!tpu.dma_semaphore, #tpu.memory_space<semaphore_mem>>) src(%dma_wait3A_14 : memref<20000x16xf32, #tpu.memory_space<hbm>>) dst(%arg7 : memref<2000x16xf32, #tpu.memory_space<vmem>>)
    %add3A_15 = arith.constant 0 : i32
    %add3A_16 = arith.addi %mul3A_2, %add3A_15 : i32
    %dma_start3A_17 = arith.constant 0 : i32
    %dma_start3A_18 = tpu.memref_slice %arg4[%add3A_16, %dma_start3A_17] : memref<320000x16xf32, #tpu.memory_space<hbm>> -> memref<2000x16xf32, #tpu.memory_space<hbm>>
    %dma_start3A_19 = arith.constant 0 : i32
    %dma_start3A_20 = tpu.memref_slice %arg4[%add3A_16, %dma_start3A_19] : memref<320000x16xf32, #tpu.memory_space<hbm>> -> memref<2000x16xf32, #tpu.memory_space<hbm>>
    tpu.enqueue_dma source(%arg7 : memref<2000x16xf32, #tpu.memory_space<vmem>>) target(%dma_start3A_20 : memref<2000x16xf32, #tpu.memory_space<hbm>>) target_semaphore(%arg13 : memref<!tpu.dma_semaphore, #tpu.memory_space<semaphore_mem>>)
    %dma_wait3A_21 = tpu.memref_slice %arg3[%add3A_9] : memref<320000xi32, #tpu.memory_space<hbm>> -> memref<2000xi32, #tpu.memory_space<hbm>>
    %dma_wait3A_22 = tpu.memref_slice %arg3[%add3A_9] : memref<320000xi32, #tpu.memory_space<hbm>> -> memref<2000xi32, #tpu.memory_space<hbm>>
    tpu.wait_dma2 semaphore(%arg10 : memref<!tpu.dma_semaphore, #tpu.memory_space<semaphore_mem>>) src(%dma_wait3A_22 : memref<2000xi32, #tpu.memory_space<hbm>>) dst(%arg6 : memref<2000xi32, #tpu.memory_space<vmem>>)
    %dma_start3A_23 = arith.constant 0 : i32
    %dma_start3A_24 = arith.constant 0 : i32
    %dma_start3A_25 = tpu.memref_slice %arg2[%dma_start3A_23, %dma_start3A_24] : memref<20000x16xf32, #tpu.memory_space<hbm>> -> memref<20000x16xf32, #tpu.memory_space<hbm>>
    tpu.enqueue_indirect_dma source(%dma_start3A_25 : memref<20000x16xf32, #tpu.memory_space<hbm>>) target(%arg8 : memref<2000x16xf32, #tpu.memory_space<vmem>>) offsets(%arg6 : memref<2000xi32, #tpu.memory_space<vmem>>) semaphore(%arg12 : memref<!tpu.dma_semaphore, #tpu.memory_space<semaphore_mem>>)
    %add3A_26 = arith.constant 4000 : i32
    %add3A_27 = arith.addi %mul3A_2, %add3A_26 : i32
    %dma_start3A_28 = tpu.memref_slice %arg3[%add3A_27] : memref<320000xi32, #tpu.memory_space<hbm>> -> memref<2000xi32, #tpu.memory_space<hbm>>
    %dma_start3A_29 = tpu.memref_slice %arg3[%add3A_27] : memref<320000xi32, #tpu.memory_space<hbm>> -> memref<2000xi32, #tpu.memory_space<hbm>>
    tpu.enqueue_dma source(%dma_start3A_29 : memref<2000xi32, #tpu.memory_space<hbm>>) target(%arg5 : memref<2000xi32, #tpu.memory_space<vmem>>) target_semaphore(%arg9 : memref<!tpu.dma_semaphore, #tpu.memory_space<semaphore_mem>>)
    %dma_wait3A_30 = arith.constant 0 : i32
    %dma_wait3A_31 = arith.constant 0 : i32
    %dma_wait3A_32 = tpu.memref_slice %arg2[%dma_wait3A_30, %dma_wait3A_31] : memref<20000x16xf32, #tpu.memory_space<hbm>> -> memref<20000x16xf32, #tpu.memory_space<hbm>>
    tpu.wait_indirect_dma semaphore(%arg12 : memref<!tpu.dma_semaphore, #tpu.memory_space<semaphore_mem>>) src(%dma_wait3A_32 : memref<20000x16xf32, #tpu.memory_space<hbm>>) dst(%arg8 : memref<2000x16xf32, #tpu.memory_space<vmem>>)
    %add3A_33 = arith.constant 2000 : i32
    %add3A_34 = arith.addi %mul3A_2, %add3A_33 : i32
    %dma_start3A_35 = arith.constant 0 : i32
    %dma_start3A_36 = tpu.memref_slice %arg4[%add3A_34, %dma_start3A_35] : memref<320000x16xf32, #tpu.memory_space<hbm>> -> memref<2000x16xf32, #tpu.memory_space<hbm>>
    %dma_start3A_37 = arith.constant 0 : i32
    %dma_start3A_38 = tpu.memref_slice %arg4[%add3A_34, %dma_start3A_37] : memref<320000x16xf32, #tpu.memory_space<hbm>> -> memref<2000x16xf32, #tpu.memory_space<hbm>>
    tpu.enqueue_dma source(%arg8 : memref<2000x16xf32, #tpu.memory_space<vmem>>) target(%dma_start3A_38 : memref<2000x16xf32, #tpu.memory_space<hbm>>) target_semaphore(%arg14 : memref<!tpu.dma_semaphore, #tpu.memory_space<semaphore_mem>>)
    %dma_wait3A_39 = tpu.memref_slice %arg3[%add3A_27] : memref<320000xi32, #tpu.memory_space<hbm>> -> memref<2000xi32, #tpu.memory_space<hbm>>
    %dma_wait3A_40 = tpu.memref_slice %arg3[%add3A_27] : memref<320000xi32, #tpu.memory_space<hbm>> -> memref<2000xi32, #tpu.memory_space<hbm>>
    tpu.wait_dma2 semaphore(%arg9 : memref<!tpu.dma_semaphore, #tpu.memory_space<semaphore_mem>>) src(%dma_wait3A_40 : memref<2000xi32, #tpu.memory_space<hbm>>) dst(%arg5 : memref<2000xi32, #tpu.memory_space<vmem>>)
    %dma_wait3A_41 = arith.constant 0 : i32
    %dma_wait3A_42 = tpu.memref_slice %arg4[%add3A_16, %dma_wait3A_41] : memref<320000x16xf32, #tpu.memory_space<hbm>> -> memref<2000x16xf32, #tpu.memory_space<hbm>>
    %dma_wait3A_43 = arith.constant 0 : i32
    %dma_wait3A_44 = tpu.memref_slice %arg4[%add3A_16, %dma_wait3A_43] : memref<320000x16xf32, #tpu.memory_space<hbm>> -> memref<2000x16xf32, #tpu.memory_space<hbm>>
    tpu.wait_dma2 semaphore(%arg13 : memref<!tpu.dma_semaphore, #tpu.memory_space<semaphore_mem>>) src(%arg7 : memref<2000x16xf32, #tpu.memory_space<vmem>>) dst(%dma_wait3A_44 : memref<2000x16xf32, #tpu.memory_space<hbm>>)
    %dma_start3A_45 = arith.constant 0 : i32
    %dma_start3A_46 = arith.constant 0 : i32
    %dma_start3A_47 = tpu.memref_slice %arg2[%dma_start3A_45, %dma_start3A_46] : memref<20000x16xf32, #tpu.memory_space<hbm>> -> memref<20000x16xf32, #tpu.memory_space<hbm>>
    tpu.enqueue_indirect_dma source(%dma_start3A_47 : memref<20000x16xf32, #tpu.memory_space<hbm>>) target(%arg7 : memref<2000x16xf32, #tpu.memory_space<vmem>>) offsets(%arg5 : memref<2000xi32, #tpu.memory_space<vmem>>) semaphore(%arg11 : memref<!tpu.dma_semaphore, #tpu.memory_space<semaphore_mem>>)
    %add3A_48 = arith.constant 6000 : i32
    %add3A_49 = arith.addi %mul3A_2, %add3A_48 : i32
    %dma_start3A_50 = tpu.memref_slice %arg3[%add3A_49] : memref<320000xi32, #tpu.memory_space<hbm>> -> memref<2000xi32, #tpu.memory_space<hbm>>
    %dma_start3A_51 = tpu.memref_slice %arg3[%add3A_49] : memref<320000xi32, #tpu.memory_space<hbm>> -> memref<2000xi32, #tpu.memory_space<hbm>>
    tpu.enqueue_dma source(%dma_start3A_51 : memref<2000xi32, #tpu.memory_space<hbm>>) target(%arg6 : memref<2000xi32, #tpu.memory_space<vmem>>) target_semaphore(%arg10 : memref<!tpu.dma_semaphore, #tpu.memory_space<semaphore_mem>>)
    %dma_wait3A_52 = arith.constant 0 : i32
    %dma_wait3A_53 = arith.constant 0 : i32
    %dma_wait3A_54 = tpu.memref_slice %arg2[%dma_wait3A_52, %dma_wait3A_53] : memref<20000x16xf32, #tpu.memory_space<hbm>> -> memref<20000x16xf32, #tpu.memory_space<hbm>>
    tpu.wait_indirect_dma semaphore(%arg11 : memref<!tpu.dma_semaphore, #tpu.memory_space<semaphore_mem>>) src(%dma_wait3A_54 : memref<20000x16xf32, #tpu.memory_space<hbm>>) dst(%arg7 : memref<2000x16xf32, #tpu.memory_space<vmem>>)
    %add3A_55 = arith.constant 4000 : i32
    %add3A_56 = arith.addi %mul3A_2, %add3A_55 : i32
    %dma_start3A_57 = arith.constant 0 : i32
    %dma_start3A_58 = tpu.memref_slice %arg4[%add3A_56, %dma_start3A_57] : memref<320000x16xf32, #tpu.memory_space<hbm>> -> memref<2000x16xf32, #tpu.memory_space<hbm>>
    %dma_start3A_59 = arith.constant 0 : i32
    %dma_start3A_60 = tpu.memref_slice %arg4[%add3A_56, %dma_start3A_59] : memref<320000x16xf32, #tpu.memory_space<hbm>> -> memref<2000x16xf32, #tpu.memory_space<hbm>>
    tpu.enqueue_dma source(%arg7 : memref<2000x16xf32, #tpu.memory_space<vmem>>) target(%dma_start3A_60 : memref<2000x16xf32, #tpu.memory_space<hbm>>) target_semaphore(%arg13 : memref<!tpu.dma_semaphore, #tpu.memory_space<semaphore_mem>>)
    %dma_wait3A_61 = tpu.memref_slice %arg3[%add3A_49] : memref<320000xi32, #tpu.memory_space<hbm>> -> memref<2000xi32, #tpu.memory_space<hbm>>
    %dma_wait3A_62 = tpu.memref_slice %arg3[%add3A_49] : memref<320000xi32, #tpu.memory_space<hbm>> -> memref<2000xi32, #tpu.memory_space<hbm>>
    tpu.wait_dma2 semaphore(%arg10 : memref<!tpu.dma_semaphore, #tpu.memory_space<semaphore_mem>>) src(%dma_wait3A_62 : memref<2000xi32, #tpu.memory_space<hbm>>) dst(%arg6 : memref<2000xi32, #tpu.memory_space<vmem>>)
    %dma_wait3A_63 = arith.constant 0 : i32
    %dma_wait3A_64 = tpu.memref_slice %arg4[%add3A_34, %dma_wait3A_63] : memref<320000x16xf32, #tpu.memory_space<hbm>> -> memref<2000x16xf32, #tpu.memory_space<hbm>>
    %dma_wait3A_65 = arith.constant 0 : i32
    %dma_wait3A_66 = tpu.memref_slice %arg4[%add3A_34, %dma_wait3A_65] : memref<320000x16xf32, #tpu.memory_space<hbm>> -> memref<2000x16xf32, #tpu.memory_space<hbm>>
    tpu.wait_dma2 semaphore(%arg14 : memref<!tpu.dma_semaphore, #tpu.memory_space<semaphore_mem>>) src(%arg8 : memref<2000x16xf32, #tpu.memory_space<vmem>>) dst(%dma_wait3A_66 : memref<2000x16xf32, #tpu.memory_space<hbm>>)
    %dma_start3A_67 = arith.constant 0 : i32
    %dma_start3A_68 = arith.constant 0 : i32
    %dma_start3A_69 = tpu.memref_slice %arg2[%dma_start3A_67, %dma_start3A_68] : memref<20000x16xf32, #tpu.memory_space<hbm>> -> memref<20000x16xf32, #tpu.memory_space<hbm>>
    tpu.enqueue_indirect_dma source(%dma_start3A_69 : memref<20000x16xf32, #tpu.memory_space<hbm>>) target(%arg8 : memref<2000x16xf32, #tpu.memory_space<vmem>>) offsets(%arg6 : memref<2000xi32, #tpu.memory_space<vmem>>) semaphore(%arg12 : memref<!tpu.dma_semaphore, #tpu.memory_space<semaphore_mem>>)
    %add3A_70 = arith.constant 8000 : i32
    %add3A_71 = arith.addi %mul3A_2, %add3A_70 : i32
    %dma_start3A_72 = tpu.memref_slice %arg3[%add3A_71] : memref<320000xi32, #tpu.memory_space<hbm>> -> memref<2000xi32, #tpu.memory_space<hbm>>
    %dma_start3A_73 = tpu.memref_slice %arg3[%add3A_71] : memref<320000xi32, #tpu.memory_space<hbm>> -> memref<2000xi32, #tpu.memory_space<hbm>>
    tpu.enqueue_dma source(%dma_start3A_73 : memref<2000xi32, #tpu.memory_space<hbm>>) target(%arg5 : memref<2000xi32, #tpu.memory_space<vmem>>) target_semaphore(%arg9 : memref<!tpu.dma_semaphore, #tpu.memory_space<semaphore_mem>>)
    %dma_wait3A_74 = arith.constant 0 : i32
    %dma_wait3A_75 = arith.constant 0 : i32
    %dma_wait3A_76 = tpu.memref_slice %arg2[%dma_wait3A_74, %dma_wait3A_75] : memref<20000x16xf32, #tpu.memory_space<hbm>> -> memref<20000x16xf32, #tpu.memory_space<hbm>>
    tpu.wait_indirect_dma semaphore(%arg12 : memref<!tpu.dma_semaphore, #tpu.memory_space<semaphore_mem>>) src(%dma_wait3A_76 : memref<20000x16xf32, #tpu.memory_space<hbm>>) dst(%arg8 : memref<2000x16xf32, #tpu.memory_space<vmem>>)
    %add3A_77 = arith.constant 6000 : i32
    %add3A_78 = arith.addi %mul3A_2, %add3A_77 : i32
    %dma_start3A_79 = arith.constant 0 : i32
    %dma_start3A_80 = tpu.memref_slice %arg4[%add3A_78, %dma_start3A_79] : memref<320000x16xf32, #tpu.memory_space<hbm>> -> memref<2000x16xf32, #tpu.memory_space<hbm>>
    %dma_start3A_81 = arith.constant 0 : i32
    %dma_start3A_82 = tpu.memref_slice %arg4[%add3A_78, %dma_start3A_81] : memref<320000x16xf32, #tpu.memory_space<hbm>> -> memref<2000x16xf32, #tpu.memory_space<hbm>>
    tpu.enqueue_dma source(%arg8 : memref<2000x16xf32, #tpu.memory_space<vmem>>) target(%dma_start3A_82 : memref<2000x16xf32, #tpu.memory_space<hbm>>) target_semaphore(%arg14 : memref<!tpu.dma_semaphore, #tpu.memory_space<semaphore_mem>>)
    %dma_wait3A_83 = tpu.memref_slice %arg3[%add3A_71] : memref<320000xi32, #tpu.memory_space<hbm>> -> memref<2000xi32, #tpu.memory_space<hbm>>
    %dma_wait3A_84 = tpu.memref_slice %arg3[%add3A_71] : memref<320000xi32, #tpu.memory_space<hbm>> -> memref<2000xi32, #tpu.memory_space<hbm>>
    tpu.wait_dma2 semaphore(%arg9 : memref<!tpu.dma_semaphore, #tpu.memory_space<semaphore_mem>>) src(%dma_wait3A_84 : memref<2000xi32, #tpu.memory_space<hbm>>) dst(%arg5 : memref<2000xi32, #tpu.memory_space<vmem>>)
    %dma_wait3A_85 = arith.constant 0 : i32
    %dma_wait3A_86 = tpu.memref_slice %arg4[%add3A_56, %dma_wait3A_85] : memref<320000x16xf32, #tpu.memory_space<hbm>> -> memref<2000x16xf32, #tpu.memory_space<hbm>>
    %dma_wait3A_87 = arith.constant 0 : i32
    %dma_wait3A_88 = tpu.memref_slice %arg4[%add3A_56, %dma_wait3A_87] : memref<320000x16xf32, #tpu.memory_space<hbm>> -> memref<2000x16xf32, #tpu.memory_space<hbm>>
    tpu.wait_dma2 semaphore(%arg13 : memref<!tpu.dma_semaphore, #tpu.memory_space<semaphore_mem>>) src(%arg7 : memref<2000x16xf32, #tpu.memory_space<vmem>>) dst(%dma_wait3A_88 : memref<2000x16xf32, #tpu.memory_space<hbm>>)
    %dma_start3A_89 = arith.constant 0 : i32
    %dma_start3A_90 = arith.constant 0 : i32
    %dma_start3A_91 = tpu.memref_slice %arg2[%dma_start3A_89, %dma_start3A_90] : memref<20000x16xf32, #tpu.memory_space<hbm>> -> memref<20000x16xf32, #tpu.memory_space<hbm>>
    tpu.enqueue_indirect_dma source(%dma_start3A_91 : memref<20000x16xf32, #tpu.memory_space<hbm>>) target(%arg7 : memref<2000x16xf32, #tpu.memory_space<vmem>>) offsets(%arg5 : memref<2000xi32, #tpu.memory_space<vmem>>) semaphore(%arg11 : memref<!tpu.dma_semaphore, #tpu.memory_space<semaphore_mem>>)
    %dma_wait3A_92 = arith.constant 0 : i32
    %dma_wait3A_93 = arith.constant 0 : i32
    %dma_wait3A_94 = tpu.memref_slice %arg2[%dma_wait3A_92, %dma_wait3A_93] : memref<20000x16xf32, #tpu.memory_space<hbm>> -> memref<20000x16xf32, #tpu.memory_space<hbm>>
    tpu.wait_indirect_dma semaphore(%arg11 : memref<!tpu.dma_semaphore, #tpu.memory_space<semaphore_mem>>) src(%dma_wait3A_94 : memref<20000x16xf32, #tpu.memory_space<hbm>>) dst(%arg7 : memref<2000x16xf32, #tpu.memory_space<vmem>>)
    %add3A_95 = arith.constant 8000 : i32
    %add3A_96 = arith.addi %mul3A_2, %add3A_95 : i32
    %dma_start3A_97 = arith.constant 0 : i32
    %dma_start3A_98 = tpu.memref_slice %arg4[%add3A_96, %dma_start3A_97] : memref<320000x16xf32, #tpu.memory_space<hbm>> -> memref<2000x16xf32, #tpu.memory_space<hbm>>
    %dma_start3A_99 = arith.constant 0 : i32
    %dma_start3A_100 = tpu.memref_slice %arg4[%add3A_96, %dma_start3A_99] : memref<320000x16xf32, #tpu.memory_space<hbm>> -> memref<2000x16xf32, #tpu.memory_space<hbm>>
    tpu.enqueue_dma source(%arg7 : memref<2000x16xf32, #tpu.memory_space<vmem>>) target(%dma_start3A_100 : memref<2000x16xf32, #tpu.memory_space<hbm>>) target_semaphore(%arg13 : memref<!tpu.dma_semaphore, #tpu.memory_space<semaphore_mem>>)
    %dma_wait3A_101 = arith.constant 0 : i32
    %dma_wait3A_102 = tpu.memref_slice %arg4[%add3A_78, %dma_wait3A_101] : memref<320000x16xf32, #tpu.memory_space<hbm>> -> memref<2000x16xf32, #tpu.memory_space<hbm>>
    %dma_wait3A_103 = arith.constant 0 : i32
    %dma_wait3A_104 = tpu.memref_slice %arg4[%add3A_78, %dma_wait3A_103] : memref<320000x16xf32, #tpu.memory_space<hbm>> -> memref<2000x16xf32, #tpu.memory_space<hbm>>
    tpu.wait_dma2 semaphore(%arg14 : memref<!tpu.dma_semaphore, #tpu.memory_space<semaphore_mem>>) src(%arg8 : memref<2000x16xf32, #tpu.memory_space<vmem>>) dst(%dma_wait3A_104 : memref<2000x16xf32, #tpu.memory_space<hbm>>)
    %dma_wait3A_105 = arith.constant 0 : i32
    %dma_wait3A_106 = tpu.memref_slice %arg4[%add3A_96, %dma_wait3A_105] : memref<320000x16xf32, #tpu.memory_space<hbm>> -> memref<2000x16xf32, #tpu.memory_space<hbm>>
    %dma_wait3A_107 = arith.constant 0 : i32
    %dma_wait3A_108 = tpu.memref_slice %arg4[%add3A_96, %dma_wait3A_107] : memref<320000x16xf32, #tpu.memory_space<hbm>> -> memref<2000x16xf32, #tpu.memory_space<hbm>>
    tpu.wait_dma2 semaphore(%arg13 : memref<!tpu.dma_semaphore, #tpu.memory_space<semaphore_mem>>) src(%arg7 : memref<2000x16xf32, #tpu.memory_space<vmem>>) dst(%dma_wait3A_108 : memref<2000x16xf32, #tpu.memory_space<hbm>>)
    return
  }
}

module attributes {stable_mosaic.version = 14 : i64} {
  func.func @_k2_body(%arg0: i32, %arg1: memref<2x6400x16xf32, #tpu.memory_space<vmem>>, %arg2: memref<16x6400xf32, #tpu.memory_space<vmem>>, %arg3: memref<1x6400xf32, #tpu.memory_space<vmem>>, %arg4: memref<32x16xf32, #tpu.memory_space<vmem>>, %arg5: memref<16x256xf32, #tpu.memory_space<vmem>>, %arg6: memref<16x16xf32, #tpu.memory_space<vmem>>, %arg7: memref<1x16xf32, #tpu.memory_space<vmem>>, %arg8: memref<16x256xf32, #tpu.memory_space<vmem>>, %arg9: memref<1x256xf32, #tpu.memory_space<vmem>>, %arg10: memref<256x16xf32, #tpu.memory_space<vmem>>, %arg11: memref<6400x48xf32, #tpu.memory_space<vmem>>) attributes {dimension_semantics = [#tpu.dimension_semantics<arbitrary>], iteration_bounds = array<i64: 25>, scalar_prefetch = 0 : i64, scratch_operands = 0 : i64, tpu.core_type = #tpu.core_type<tc>, window_params = [{transform_indices = @transform_0, window_bounds = array<i64: 2, 6400, 16>}, {transform_indices = @transform_1, window_bounds = array<i64: 16, 6400>}, {transform_indices = @transform_2, window_bounds = array<i64: 1, 6400>}, {pipeline_mode = #tpu.pipeline_mode<synchronous>, transform_indices = @transform_3, window_bounds = array<i64: 32, 16>}, {pipeline_mode = #tpu.pipeline_mode<synchronous>, transform_indices = @transform_4, window_bounds = array<i64: 16, 256>}, {pipeline_mode = #tpu.pipeline_mode<synchronous>, transform_indices = @transform_5, window_bounds = array<i64: 16, 16>}, {pipeline_mode = #tpu.pipeline_mode<synchronous>, transform_indices = @transform_6, window_bounds = array<i64: 1, 16>}, {pipeline_mode = #tpu.pipeline_mode<synchronous>, transform_indices = @transform_7, window_bounds = array<i64: 16, 256>}, {pipeline_mode = #tpu.pipeline_mode<synchronous>, transform_indices = @transform_8, window_bounds = array<i64: 1, 256>}, {pipeline_mode = #tpu.pipeline_mode<synchronous>, transform_indices = @transform_9, window_bounds = array<i64: 256, 16>}, {transform_indices = @transform_10, window_bounds = array<i64: 6400, 48>}]} {
    %get3A = arith.constant 0 : index
    %get3A_0 = arith.constant 0 : index
    %get3A_1 = vector.load %arg4[%get3A, %get3A_0] : memref<32x16xf32, #tpu.memory_space<vmem>>, vector<16x16xf32>
    %get3A_2 = arith.constant 16 : index
    %get3A_3 = arith.constant 0 : index
    %get3A_4 = vector.load %arg4[%get3A_2, %get3A_3] : memref<32x16xf32, #tpu.memory_space<vmem>>, vector<16x16xf32>
    %add3A = arith.addf %get3A_1, %get3A_4 : vector<16x16xf32>
    %get3A_5 = arith.constant 0 : index
    %get3A_6 = arith.constant 0 : index
    %get3A_7 = vector.load %arg2[%get3A_5, %get3A_6] : memref<16x6400xf32, #tpu.memory_space<vmem>>, vector<16x6400xf32>
    %transpose3A = tpu.transpose %get3A_7, [1, 0] : vector<16x6400xf32> -> vector<6400x16xf32>
    %get3A_8 = arith.constant 0 : index
    %get3A_9 = arith.constant 0 : index
    %get3A_10 = vector.load %arg6[%get3A_8, %get3A_9] : memref<16x16xf32, #tpu.memory_space<vmem>>, vector<16x16xf32>
    %dot_general3A = arith.constant dense<0.000000e+00> : vector<6400x16xf32>
    %dot_general3A_11 = tpu.matmul %transpose3A, %get3A_10, %dot_general3A {dimension_numbers = #tpu.dot_dimension_numbers<[1], [0], [0], [1], [0, 0, 1, 1], [], []>, transpose_lhs_hint = false} : vector<6400x16xf32>, vector<16x16xf32>, vector<6400x16xf32> -> vector<6400x16xf32>
    %get3A_12 = arith.constant 0 : index
    %get3A_13 = arith.constant 0 : index
    %get3A_14 = vector.load %arg7[%get3A_12, %get3A_13] : memref<1x16xf32, #tpu.memory_space<vmem>>, vector<1x16xf32>
    %add3A_15 = vector.broadcast %get3A_14 : vector<1x16xf32> to vector<6400x16xf32>
    %add3A_16 = arith.addf %dot_general3A_11, %add3A_15 : vector<6400x16xf32>
    %max3A = arith.constant 0.000000e+00 : f32
    %max3A_17 = vector.broadcast %max3A : f32 to vector<6400x16xf32>
    %max3A_18 = arith.maximumf %add3A_16, %max3A_17 : vector<6400x16xf32>
    %get3A_19 = arith.constant 0 : index
    %get3A_20 = arith.constant 0 : index
    %get3A_21 = vector.load %arg8[%get3A_19, %get3A_20] : memref<16x256xf32, #tpu.memory_space<vmem>>, vector<16x256xf32>
    %dot_general3A_22 = arith.constant dense<0.000000e+00> : vector<6400x256xf32>
    %dot_general3A_23 = tpu.matmul %max3A_18, %get3A_21, %dot_general3A_22 {dimension_numbers = #tpu.dot_dimension_numbers<[1], [0], [0], [1], [0, 0, 1, 1], [], []>, transpose_lhs_hint = false} : vector<6400x16xf32>, vector<16x256xf32>, vector<6400x256xf32> -> vector<6400x256xf32>
    %get3A_24 = arith.constant 0 : index
    %get3A_25 = arith.constant 0 : index
    %get3A_26 = vector.load %arg9[%get3A_24, %get3A_25] : memref<1x256xf32, #tpu.memory_space<vmem>>, vector<1x256xf32>
    %add3A_27 = vector.broadcast %get3A_26 : vector<1x256xf32> to vector<6400x256xf32>
    %add3A_28 = arith.addf %dot_general3A_23, %add3A_27 : vector<6400x256xf32>
    %get3A_29 = arith.constant 0 : index
    %get3A_30 = arith.constant 0 : index
    %get3A_31 = vector.load %arg3[%get3A_29, %get3A_30] : memref<1x6400xf32, #tpu.memory_space<vmem>>, vector<1x6400xf32>
    %transpose3A_32 = tpu.transpose %get3A_31, [1, 0] : vector<1x6400xf32> -> vector<6400x1xf32>
    %mul3A = arith.constant 2.500000e-01 : f32
    %mul3A_33 = vector.broadcast %mul3A : f32 to vector<6400x1xf32>
    %mul3A_34 = arith.mulf %transpose3A_32, %mul3A_33 : vector<6400x1xf32>
    %get3A_35 = arith.constant 0 : index
    %get3A_36 = arith.constant 0 : index
    %get3A_37 = vector.load %arg5[%get3A_35, %get3A_36] : memref<16x256xf32, #tpu.memory_space<vmem>>, vector<16x256xf32>
    %dot_general3A_38 = arith.constant dense<0.000000e+00> : vector<16x256xf32>
    %dot_general3A_39 = tpu.matmul %add3A, %get3A_37, %dot_general3A_38 {dimension_numbers = #tpu.dot_dimension_numbers<[1], [0], [0], [1], [0, 0, 1, 1], [], []>, transpose_lhs_hint = false} : vector<16x16xf32>, vector<16x256xf32>, vector<16x256xf32> -> vector<16x256xf32>
    %get3A_40 = arith.constant 0 : index
    %get3A_41 = arith.constant 0 : index
    %get3A_42 = arith.constant 0 : index
    %get3A_43 = vector.load %arg1[%get3A_40, %get3A_41, %get3A_42] : memref<2x6400x16xf32, #tpu.memory_space<vmem>>, vector<1x6400x16xf32>
    %get3A_44 = vector.shape_cast %get3A_43 : vector<1x6400x16xf32> to vector<6400x16xf32>
    %dot_general3A_45 = arith.constant dense<0.000000e+00> : vector<6400x256xf32>
    %dot_general3A_46 = tpu.matmul %get3A_44, %dot_general3A_39, %dot_general3A_45 {dimension_numbers = #tpu.dot_dimension_numbers<[1], [0], [0], [1], [0, 0, 1, 1], [], []>, transpose_lhs_hint = false} : vector<6400x16xf32>, vector<16x256xf32>, vector<6400x256xf32> -> vector<6400x256xf32>
    %mul3A_47 = arith.mulf %dot_general3A_46, %add3A_28 : vector<6400x256xf32>
    %get3A_48 = arith.constant 0 : index
    %get3A_49 = arith.constant 0 : index
    %get3A_50 = vector.load %arg10[%get3A_48, %get3A_49] : memref<256x16xf32, #tpu.memory_space<vmem>>, vector<256x16xf32>
    %dot_general3A_51 = arith.constant dense<0.000000e+00> : vector<6400x16xf32>
    %dot_general3A_52 = tpu.matmul %mul3A_47, %get3A_50, %dot_general3A_51 {dimension_numbers = #tpu.dot_dimension_numbers<[1], [0], [0], [1], [0, 0, 1, 1], [], []>, transpose_lhs_hint = false} : vector<6400x256xf32>, vector<256x16xf32>, vector<6400x16xf32> -> vector<6400x16xf32>
    %mul3A_53 = vector.broadcast %mul3A_34 : vector<6400x1xf32> to vector<6400x16xf32>
    %mul3A_54 = arith.mulf %dot_general3A_52, %mul3A_53 : vector<6400x16xf32>
    %get3A_55 = arith.constant 1 : index
    %get3A_56 = arith.constant 0 : index
    %get3A_57 = arith.constant 0 : index
    %get3A_58 = vector.load %arg1[%get3A_55, %get3A_56, %get3A_57] : memref<2x6400x16xf32, #tpu.memory_space<vmem>>, vector<1x6400x16xf32>
    %get3A_59 = vector.shape_cast %get3A_58 : vector<1x6400x16xf32> to vector<6400x16xf32>
    %dot_general3A_60 = arith.constant dense<0.000000e+00> : vector<6400x256xf32>
    %dot_general3A_61 = tpu.matmul %get3A_59, %dot_general3A_39, %dot_general3A_60 {dimension_numbers = #tpu.dot_dimension_numbers<[1], [0], [0], [1], [0, 0, 1, 1], [], []>, transpose_lhs_hint = false} : vector<6400x16xf32>, vector<16x256xf32>, vector<6400x256xf32> -> vector<6400x256xf32>
    %mul3A_62 = arith.mulf %dot_general3A_61, %add3A_28 : vector<6400x256xf32>
    %get3A_63 = arith.constant 0 : index
    %get3A_64 = arith.constant 0 : index
    %get3A_65 = vector.load %arg10[%get3A_63, %get3A_64] : memref<256x16xf32, #tpu.memory_space<vmem>>, vector<256x16xf32>
    %dot_general3A_66 = arith.constant dense<0.000000e+00> : vector<6400x16xf32>
    %dot_general3A_67 = tpu.matmul %mul3A_62, %get3A_65, %dot_general3A_66 {dimension_numbers = #tpu.dot_dimension_numbers<[1], [0], [0], [1], [0, 0, 1, 1], [], []>, transpose_lhs_hint = false} : vector<6400x256xf32>, vector<256x16xf32>, vector<6400x16xf32> -> vector<6400x16xf32>
    %mul3A_68 = vector.broadcast %mul3A_34 : vector<6400x1xf32> to vector<6400x16xf32>
    %mul3A_69 = arith.mulf %dot_general3A_67, %mul3A_68 : vector<6400x16xf32>
    %broadcast_in_dim3A = arith.constant 1.000000e+00 : f32
    %broadcast_in_dim3A_70 = vector.broadcast %broadcast_in_dim3A : f32 to vector<6400x16xf32>
    %concatenate3A = tpu.concatenate %mul3A_54, %mul3A_69, %broadcast_in_dim3A_70 in 1 : vector<6400x16xf32>, vector<6400x16xf32>, vector<6400x16xf32> -> vector<6400x48xf32>
    %swap3A = arith.constant 0 : index
    %swap3A_71 = arith.constant 0 : index
    %swap3A_72 = vector.load %arg11[%swap3A, %swap3A_71] : memref<6400x48xf32, #tpu.memory_space<vmem>>, vector<6400x48xf32>
    tpu.vector_store %arg11[%swap3A, %swap3A_71], %concatenate3A {strides = array<i32>} : memref<6400x48xf32, #tpu.memory_space<vmem>>, vector<6400x48xf32>,
    return
  }
  func.func @transform_0(%arg0: i32) -> (i32, i32, i32) {
    %c0_i32 = arith.constant 0 : i32
    %c0_i32_0 = arith.constant 0 : i32
    %c0_i32_1 = arith.constant 0 : i32
    return %c0_i32, %arg0, %c0_i32_0 : i32, i32, i32
  }
  func.func @transform_1(%arg0: i32) -> (i32, i32) {
    %c0_i32 = arith.constant 0 : i32
    %c0_i32_0 = arith.constant 0 : i32
    return %c0_i32, %arg0 : i32, i32
  }
  func.func @transform_2(%arg0: i32) -> (i32, i32) {
    %c0_i32 = arith.constant 0 : i32
    %c0_i32_0 = arith.constant 0 : i32
    return %c0_i32, %arg0 : i32, i32
  }
  func.func @transform_3(%arg0: i32) -> (i32, i32) {
    %c0_i32 = arith.constant 0 : i32
    %c0_i32_0 = arith.constant 0 : i32
    %c0_i32_1 = arith.constant 0 : i32
    return %c0_i32, %c0_i32_0 : i32, i32
  }
  func.func @transform_4(%arg0: i32) -> (i32, i32) {
    %c0_i32 = arith.constant 0 : i32
    %c0_i32_0 = arith.constant 0 : i32
    %c0_i32_1 = arith.constant 0 : i32
    return %c0_i32, %c0_i32_0 : i32, i32
  }
  func.func @transform_5(%arg0: i32) -> (i32, i32) {
    %c0_i32 = arith.constant 0 : i32
    %c0_i32_0 = arith.constant 0 : i32
    %c0_i32_1 = arith.constant 0 : i32
    return %c0_i32, %c0_i32_0 : i32, i32
  }
  func.func @transform_6(%arg0: i32) -> (i32, i32) {
    %c0_i32 = arith.constant 0 : i32
    %c0_i32_0 = arith.constant 0 : i32
    %c0_i32_1 = arith.constant 0 : i32
    return %c0_i32, %c0_i32_0 : i32, i32
  }
  func.func @transform_7(%arg0: i32) -> (i32, i32) {
    %c0_i32 = arith.constant 0 : i32
    %c0_i32_0 = arith.constant 0 : i32
    %c0_i32_1 = arith.constant 0 : i32
    return %c0_i32, %c0_i32_0 : i32, i32
  }
  func.func @transform_8(%arg0: i32) -> (i32, i32) {
    %c0_i32 = arith.constant 0 : i32
    %c0_i32_0 = arith.constant 0 : i32
    %c0_i32_1 = arith.constant 0 : i32
    return %c0_i32, %c0_i32_0 : i32, i32
  }
  func.func @transform_9(%arg0: i32) -> (i32, i32) {
    %c0_i32 = arith.constant 0 : i32
    %c0_i32_0 = arith.constant 0 : i32
    %c0_i32_1 = arith.constant 0 : i32
    return %c0_i32, %c0_i32_0 : i32, i32
  }
  func.func @transform_10(%arg0: i32) -> (i32, i32) {
    %c0_i32 = arith.constant 0 : i32
    %c0_i32_0 = arith.constant 0 : i32
    return %arg0, %c0_i32 : i32, i32
  }
}

module attributes {stable_mosaic.version = 14 : i64} {
  func.func @_k4_body(%arg0: memref<2x10000x48xf32, #tpu.memory_space<vmem>>, %arg1: memref<1x16xf32, #tpu.memory_space<vmem>>, %arg2: memref<1x16xf32, #tpu.memory_space<vmem>>, %arg3: memref<2x10000x16xf32, #tpu.memory_space<vmem>>) attributes {dimension_semantics = [], scalar_prefetch = 0 : i64, scratch_operands = 0 : i64, tpu.core_type = #tpu.core_type<tc>} {
    %get3A = arith.constant 0 : index
    %get3A_0 = arith.constant 0 : index
    %get3A_1 = arith.constant 0 : index
    %get3A_2 = vector.load %arg0[%get3A, %get3A_0, %get3A_1] : memref<2x10000x48xf32, #tpu.memory_space<vmem>>, vector<1x10000x48xf32>
    %get3A_3 = vector.shape_cast %get3A_2 : vector<1x10000x48xf32> to vector<10000x48xf32>
    %get3A_4 = arith.constant 1 : index
    %get3A_5 = arith.constant 0 : index
    %get3A_6 = arith.constant 0 : index
    %get3A_7 = vector.load %arg0[%get3A_4, %get3A_5, %get3A_6] : memref<2x10000x48xf32, #tpu.memory_space<vmem>>, vector<1x10000x48xf32>
    %get3A_8 = vector.shape_cast %get3A_7 : vector<1x10000x48xf32> to vector<10000x48xf32>
    %add3A = arith.addf %get3A_3, %get3A_8 : vector<10000x48xf32>
    %slice3A = vector.extract_strided_slice %add3A {offsets = [0, 32], sizes = [10000, 1], strides = [1, 1]} : vector<10000x48xf32> to vector<10000x1xf32>
    %max3A = arith.constant 1.000000e+00 : f32
    %max3A_9 = vector.broadcast %max3A : f32 to vector<10000x1xf32>
    %max3A_10 = arith.maximumf %slice3A, %max3A_9 : vector<10000x1xf32>
    %div3A = arith.constant 1.000000e+00 : f32
    %div3A_11 = vector.broadcast %div3A : f32 to vector<10000x1xf32>
    %div3A_12 = arith.divf %div3A_11, %max3A_10 : vector<10000x1xf32>
    %slice3A_13 = vector.extract_strided_slice %add3A {offsets = [0, 0], sizes = [10000, 16], strides = [1, 1]} : vector<10000x48xf32> to vector<10000x16xf32>
    %mul3A = vector.broadcast %div3A_12 : vector<10000x1xf32> to vector<10000x16xf32>
    %mul3A_14 = arith.mulf %slice3A_13, %mul3A : vector<10000x16xf32>
    %slice3A_15 = vector.extract_strided_slice %add3A {offsets = [0, 16], sizes = [10000, 16], strides = [1, 1]} : vector<10000x48xf32> to vector<10000x16xf32>
    %mul3A_16 = vector.broadcast %div3A_12 : vector<10000x1xf32> to vector<10000x16xf32>
    %mul3A_17 = arith.mulf %slice3A_15, %mul3A_16 : vector<10000x16xf32>
    %reduce_sum3A = arith.constant dense<0.000000e+00> : vector<16xf32>
    %reduce_sum3A_18 = vector.multi_reduction <add>, %mul3A_14, %reduce_sum3A [0] : vector<10000x16xf32> to vector<16xf32>
    %broadcast_in_dim3A = vector.shape_cast %reduce_sum3A_18 : vector<16xf32> to vector<1x16xf32>
    %reduce_sum3A_19 = arith.constant dense<0.000000e+00> : vector<16xf32>
    %reduce_sum3A_20 = vector.multi_reduction <add>, %mul3A_17, %reduce_sum3A_19 [0] : vector<10000x16xf32> to vector<16xf32>
    %broadcast_in_dim3A_21 = vector.shape_cast %reduce_sum3A_20 : vector<16xf32> to vector<1x16xf32>
    %add3A_22 = arith.addf %broadcast_in_dim3A, %broadcast_in_dim3A_21 : vector<1x16xf32>
    %div3A_23 = arith.constant 2.000000e+04 : f32
    %div3A_24 = vector.broadcast %div3A_23 : f32 to vector<1x16xf32>
    %div3A_25 = arith.divf %add3A_22, %div3A_24 : vector<1x16xf32>
    %mul3A_26 = arith.mulf %mul3A_14, %mul3A_14 : vector<10000x16xf32>
    %reduce_sum3A_27 = arith.constant dense<0.000000e+00> : vector<16xf32>
    %reduce_sum3A_28 = vector.multi_reduction <add>, %mul3A_26, %reduce_sum3A_27 [0] : vector<10000x16xf32> to vector<16xf32>
    %broadcast_in_dim3A_29 = vector.shape_cast %reduce_sum3A_28 : vector<16xf32> to vector<1x16xf32>
    %mul3A_30 = arith.mulf %mul3A_17, %mul3A_17 : vector<10000x16xf32>
    %reduce_sum3A_31 = arith.constant dense<0.000000e+00> : vector<16xf32>
    %reduce_sum3A_32 = vector.multi_reduction <add>, %mul3A_30, %reduce_sum3A_31 [0] : vector<10000x16xf32> to vector<16xf32>
    %broadcast_in_dim3A_33 = vector.shape_cast %reduce_sum3A_32 : vector<16xf32> to vector<1x16xf32>
    %add3A_34 = arith.addf %broadcast_in_dim3A_29, %broadcast_in_dim3A_33 : vector<1x16xf32>
    %div3A_35 = arith.constant 2.000000e+04 : f32
    %div3A_36 = vector.broadcast %div3A_35 : f32 to vector<1x16xf32>
    %div3A_37 = arith.divf %add3A_34, %div3A_36 : vector<1x16xf32>
    %mul3A_38 = arith.mulf %div3A_25, %div3A_25 : vector<1x16xf32>
    %sub3A = arith.subf %div3A_37, %mul3A_38 : vector<1x16xf32>
    %add3A_39 = arith.constant 9.99999974E-6 : f32
    %add3A_40 = vector.broadcast %add3A_39 : f32 to vector<1x16xf32>
    %add3A_41 = arith.addf %sub3A, %add3A_40 : vector<1x16xf32>
    %rsqrt3A = math.rsqrt %add3A_41 : vector<1x16xf32>
    %get3A_42 = arith.constant 0 : index
    %get3A_43 = arith.constant 0 : index
    %get3A_44 = vector.load %arg1[%get3A_42, %get3A_43] : memref<1x16xf32, #tpu.memory_space<vmem>>, vector<1x16xf32>
    %mul3A_45 = arith.mulf %rsqrt3A, %get3A_44 : vector<1x16xf32>
    %sub3A_46 = vector.broadcast %div3A_25 : vector<1x16xf32> to vector<10000x16xf32>
    %sub3A_47 = arith.subf %mul3A_14, %sub3A_46 : vector<10000x16xf32>
    %mul3A_48 = vector.broadcast %mul3A_45 : vector<1x16xf32> to vector<10000x16xf32>
    %mul3A_49 = arith.mulf %sub3A_47, %mul3A_48 : vector<10000x16xf32>
    %get3A_50 = arith.constant 0 : index
    %get3A_51 = arith.constant 0 : index
    %get3A_52 = vector.load %arg2[%get3A_50, %get3A_51] : memref<1x16xf32, #tpu.memory_space<vmem>>, vector<1x16xf32>
    %add3A_53 = vector.broadcast %get3A_52 : vector<1x16xf32> to vector<10000x16xf32>
    %add3A_54 = arith.addf %mul3A_49, %add3A_53 : vector<10000x16xf32>
    %swap3A = arith.constant 0 : index
    %swap3A_55 = arith.constant 0 : index
    %swap3A_56 = arith.constant 0 : index
    %swap3A_57 = vector.load %arg3[%swap3A, %swap3A_55, %swap3A_56] : memref<2x10000x16xf32, #tpu.memory_space<vmem>>, vector<1x10000x16xf32>
    %swap3A_58 = vector.shape_cast %swap3A_57 : vector<1x10000x16xf32> to vector<10000x16xf32>
    %swap3A_59 = vector.shape_cast %add3A_54 : vector<10000x16xf32> to vector<1x10000x16xf32>
    tpu.vector_store %arg3[%swap3A, %swap3A_55, %swap3A_56], %swap3A_59 {strides = array<i32>} : memref<2x10000x16xf32, #tpu.memory_space<vmem>>, vector<1x10000x16xf32>,
    %sub3A_60 = vector.broadcast %div3A_25 : vector<1x16xf32> to vector<10000x16xf32>
    %sub3A_61 = arith.subf %mul3A_17, %sub3A_60 : vector<10000x16xf32>
    %mul3A_62 = vector.broadcast %mul3A_45 : vector<1x16xf32> to vector<10000x16xf32>
    %mul3A_63 = arith.mulf %sub3A_61, %mul3A_62 : vector<10000x16xf32>
    %get3A_64 = arith.constant 0 : index
    %get3A_65 = arith.constant 0 : index
    %get3A_66 = vector.load %arg2[%get3A_64, %get3A_65] : memref<1x16xf32, #tpu.memory_space<vmem>>, vector<1x16xf32>
    %add3A_67 = vector.broadcast %get3A_66 : vector<1x16xf32> to vector<10000x16xf32>
    %add3A_68 = arith.addf %mul3A_63, %add3A_67 : vector<10000x16xf32>
    %swap3A_69 = arith.constant 1 : index
    %swap3A_70 = arith.constant 0 : index
    %swap3A_71 = arith.constant 0 : index
    %swap3A_72 = vector.load %arg3[%swap3A_69, %swap3A_70, %swap3A_71] : memref<2x10000x16xf32, #tpu.memory_space<vmem>>, vector<1x10000x16xf32>
    %swap3A_73 = vector.shape_cast %swap3A_72 : vector<1x10000x16xf32> to vector<10000x16xf32>
    %swap3A_74 = vector.shape_cast %add3A_68 : vector<10000x16xf32> to vector<1x10000x16xf32>
    tpu.vector_store %arg3[%swap3A_69, %swap3A_70, %swap3A_71], %swap3A_74 {strides = array<i32>} : memref<2x10000x16xf32, #tpu.memory_space<vmem>>, vector<1x10000x16xf32>,
    return
  }
}

</mosaic_0001>

<sc_bundles>
// kernel: kernel.6.cloned.1.call-start
scs
__scs_entry_jumppad:
0x0: {  	(pc) =	sbr.rel $0x88, $3  }
0x1: {  	(tag) =	ssettag $0x0;
	lr =	simm.s32 $0x1  }
0x2: {  	[smem:$0x3F96] =	sst lr;
	_ =	strace $0xD0000000  }
0x3: {  	_ = 	snop  }
0x4: {  	_ = 	snop  }
0x5: {  	_ = 	snop  }
0x6: {  	_ = 	snop  }
0x7: {  	_ = 	snop  }
__scs_overlays_trampoline_lowered:
0x8: {  	[smem:$0x3FA5] =	sst s0  }
0x9: {  	[smem:$0x3FA6] =	sst s1  }
0xa: {  	[smem:$0x3FA7] =	sst s2  }
0xb: {  	[smem:$0x3FA8] =	sst s3  }
0xc: {  	[smem:$0x3FA9] =	sst s4  }
0xd: {  	[smem:$0x3FAA] =	sst s5  }
0xe: {  	[smem:$0x3FAB] =	sst s6  }
0xf: {  	[smem:$0x3FAC] =	sst s7  }
0x10: {  	[smem:$0x3FAD] =	sst s8  }
0x11: {  	[smem:$0x3FAE] =	sst s9;
	s0 =	simm.s32 @!p0 $0x0  }
0x12: {  	s1 =	sld [smem:$0x3F94];
	s0 =	simm.s32 @p0 $0x1  }
0x13: {  	[smem:$0x3FAF] =	sst s0;
	s0 =	simm.s32 @!p1 $0x0  }
0x14: {  	s2 =	sld [smem:$0x3F93];
	s0 =	simm.s32 @p1 $0x1  }
0x15: {  	[smem:$0x3FB0] =	sst s0;
	s0 =	simm.s32 @!p2 $0x0  }
0x16: {  	s3 =	sld [smem:$0x3FDB];
	s0 =	simm.s32 @p2 $0x1  }
0x17: {  	s4 =	simm.s32 $0x1BF5;
	[smem:$0x3FB2] =	sst s0  }
0x18: {  	s0 =	sld [smem:$0x3F95];
	_ =	swait.ge [sflag:s4], $0x0  }
0x19: {  	s7 =	sld [smem:$0x3F96]  }
0x1a: {  	s8 =	sadd.s32 $0xFFFFE003, lr  }
0x1b: {  	s9 =	sadd.s32 $0xFFFFFEF7, lr;
	s5 =	simm.s32 $0xFFFFFFFF;
	p2 =	slt.u32 s8, $0xFFFFF086  }
0x1c: {  	p1 =	slt.u32 s9, $0xF7A;
	s5 =	simm.s32 @!p2 $0x0  }
0x1d: {  	s5 =	simm.s32 @p1 $0x1;
	p0 =	seq.s32 s7, s2  }
0x1e: {  	s7 =	smul.u32 @!p0 $0xF7A, s2;
	p2 =	seq.s32 @!p0 s5, $0x0  }
0x1f: {  	s9 =	smul.u32 $0xF7A, s1;
	s8 =	simm.s32 @!p0 $0x1BF5;
	p2 =	por !p2, p0  }
0x20: {  	[sflag:s8] =	ssyncset.s32 @!p0 $0xFFFFF086;
	s6 =	sadd.s32 @!p0 s3, s7;
	s7 =	simm.s32 @!p0 $0x108  }
0x21: {  	s3 =	sadd.s32 s3, s9;
	s6 =	sadd.s32 @!p0 $0x88, s6;
	s7 =	simm.s32 @p2 $0x1082  }
0x22: {  	[simem:s7], [sflag:s8] =	dma.local @!p0 [hbm:s6], $0xF7A  }
0x23: {  	s9 =	sor.u32 $0xD0000000, s2;
	s6 =	simm.s32 $0x108;
	_ =	swait.ge @!p0 [sflag:s8], $0x0  }
0x24: {  	s3 =	sadd.s32 $0x88, s3;
	s6 =	simm.s32 @!p1 $0x1082;
	[sflag:s4] =	ssyncset.s32 $0xFFFFF086  }
0x25: {  	[simem:s6], [sflag:s4] =	dma.local [hbm:s3], $0xF7A  }
0x26: {  	[smem:$0x3F96] =	sst s1;
	(tag) =	ssettag s2;
	_ =	strace s9  }
0x27: {  	s1 =	sld [smem:$0x3FA6]  }
0x28: {  	s2 =	sld [smem:$0x3FA7]  }
0x29: {  	s4 =	sld [smem:$0x3FA9]  }
0x2a: {  	p0 =	seq.s32 s5, $0x0;
	s5 =	sld [smem:$0x3FAA]  }
0x2b: {  	s6 =	sld [smem:$0x3FAB]  }
0x2c: {  	s7 =	sld [smem:$0x3FAC]  }
0x2d: {  	s3 =	simm.s32 $0x108;
	s8 =	sld [smem:$0x3FAD]  }
0x2e: {  	s3 =	simm.s32 @!p0 $0x1082;
	s9 =	sld [smem:$0x3FAE]  }
0x2f: {  	lr =	sadd.s32 s0, s3;
	s0 =	sld [smem:$0x3FA5]  }
0x30: {  	s3 =	sld [smem:$0x3FA8]  }
0x31: {  	[smem:$0x3FB1] =	sst s10  }
0x32: {  	s10 =	sld [smem:$0x3FAF];
	_ =	sdelay $0x3  }
0x33: {  	p0 =	seq.s32 s10, $0x1;
	s10 =	sld [smem:$0x3FB1];
	_ =	sdelay $0x3  }
0x34: {  	[smem:$0x3FB1] =	sst s10  }
0x35: {  	s10 =	sld [smem:$0x3FB0];
	_ =	sdelay $0x3  }
0x36: {  	p1 =	seq.s32 s10, $0x1;
	s10 =	sld [smem:$0x3FB1];
	_ =	sdelay $0x3  }
0x37: {  	[smem:$0x3FB1] =	sst s10  }
0x38: {  	s10 =	sld [smem:$0x3FB2]  }
0x39: {  	_ = 	snop;
	(pc) =	sbr.ind lr, $3  }
0x3a: {  	_ = 	snop  }
0x3b: {  	_ = 	snop  }
0x3c: {  	p2 =	seq.s32 s10, $0x1;
	s10 =	sld [smem:$0x3FB1]  }
0x3d: {  	_ =	shalt  }
0x3e: {  	_ =	shalt  }
0x3f: {  	_ =	shalt  }
0x40: {  	_ =	shalt  }
0x41: {  	_ =	shalt  }
0x42: {  	_ =	shalt  }
0x43: {  	_ =	shalt  }
0x44: {  	_ =	shalt  }
0x45: {  	_ =	shalt  }
0x46: {  	_ =	shalt  }
0x47: {  	_ =	shalt  }
0x48: {  	_ =	shalt  }
0x49: {  	_ =	shalt  }
0x4a: {  	_ =	shalt  }
0x4b: {  	_ =	shalt  }
0x4c: {  	_ =	shalt  }
0x4d: {  	_ =	shalt  }
0x4e: {  	_ =	shalt  }
0x4f: {  	_ =	shalt  }
0x50: {  	_ =	shalt  }
0x51: {  	_ =	shalt  }
0x52: {  	_ =	shalt  }
0x53: {  	_ =	shalt  }
0x54: {  	_ =	shalt  }
0x55: {  	_ =	shalt  }
0x56: {  	_ =	shalt  }
0x57: {  	_ =	shalt  }
0x58: {  	_ =	shalt  }
0x59: {  	_ =	shalt  }
0x5a: {  	_ =	shalt  }
0x5b: {  	_ =	shalt  }
0x5c: {  	_ =	shalt  }
0x5d: {  	_ =	shalt  }
0x5e: {  	_ =	shalt  }
0x5f: {  	_ =	shalt  }
0x60: {  	_ =	shalt  }
0x61: {  	_ =	shalt  }
0x62: {  	_ =	shalt  }
0x63: {  	_ =	shalt  }
0x64: {  	_ =	shalt  }
0x65: {  	_ =	shalt  }
0x66: {  	_ =	shalt  }
0x67: {  	_ =	shalt  }
0x68: {  	_ =	shalt  }
0x69: {  	_ =	shalt  }
0x6a: {  	_ =	shalt  }
0x6b: {  	_ =	shalt  }
0x6c: {  	_ =	shalt  }
0x6d: {  	_ =	shalt  }
0x6e: {  	_ =	shalt  }
0x6f: {  	_ =	shalt  }
0x70: {  	_ =	shalt  }
0x71: {  	_ =	shalt  }
0x72: {  	_ =	shalt  }
0x73: {  	_ =	shalt  }
0x74: {  	_ =	shalt  }
0x75: {  	_ =	shalt  }
0x76: {  	_ =	shalt  }
0x77: {  	_ =	shalt  }
0x78: {  	_ =	shalt  }
0x79: {  	_ =	shalt  }
0x7a: {  	_ =	shalt  }
0x7b: {  	_ =	shalt  }
0x7c: {  	_ =	shalt  }
0x7d: {  	_ =	shalt  }
0x7e: {  	_ =	shalt  }
0x7f: {  	_ =	shalt  }
0x80: {  	_ =	shalt  }
0x81: {  	_ =	shalt  }
0x82: {  	_ =	shalt  }
0x83: {  	_ =	shalt  }
0x84: {  	_ =	shalt  }
0x85: {  	_ =	shalt  }
0x86: {  	_ =	shalt  }
0x87: {  	_ =	shalt  }
.Lfunc_end0:
.L_simem_size_0:
called_computation_lowered:
.L_overlay_start_0:
0x88: {  	s2 =	sld [smem:$0x3FD9]  }
0x89: {  	s3 =	sld [smem:$0x3FFE];
	_ =	sdelay $0x1  }
0x8a: {  	s1 =	srdreg.scid  }
0x8b: {  	s0 =	sand.u32 $0x1, s1  }
0x8c: {  	s17 =	sshll.u32 s0, $0xA;
	s2 =	sadd.s32 s3, s2  }
0x8d: {  	s2 =	sadd.s32 s2, s17  }
0x8e: {  	[smem:$0x3FBD] =	sst s2  }
0x8f: {  	_ = 	snop  }
0x90: {  	s2 =	sld [smem:$0x3FD0];
	(tm) =	ssettm $0x1  }
0x91: {  	s18 =	sld [smem:$0x3FFB];
	_ =	sdelay $0x3  }
0x92: {  	_ =	strace s18  }
0x93: {  	s3 =	sld [smem:$0x3FFC];
	_ =	sdelay $0x3  }
0x94: {  	_ =	strace s3  }
0x95: {  	s3 =	sld [smem:$0x3FFD];
	_ =	sdelay $0x3  }
0x96: {  	_ =	strace s3  }
0x97: {  	_ =	strace $0x8FFFFFFF  }
0x98: {  	s19 =	sld [smem:$0x3FDB];
	_ =	sdelay $0x1  }
0x99: {  	s4 =	simm.s32 $_scs_section_size  }
0x9a: {  	s5 =	simm.s32 $_size__tile_overlayer_lowered;
	s6 =	simm.s32 $_tile_overlayer_lowered  }
0x9b: {  	s22 =	simm.s32 $0x1BFF;
	s21 =	sshll.u32 s6, $0x1;
	s3 =	sadd.s32 s4, s19  }
0x9c: {  	s7 =	simm.s32 $0x0;
	s20 =	sshll.u32 s5, $0x1;
	s5 =	sadd.s32 s21, s3  }
0x9d: {  	[timem:s7], [sflag:s22] =	dma.local [hbm:s5], s20  }
0x9e: {  	_ =	swait.ge [sflag:s22], s20  }
0x9f: {  	s4 =	ssub.s32 $0x0, s20;
	[sflag:s22] =	ssyncset.done $0x0  }
0xa0: {  	[sflag:s22] =	ssyncadd.s32 s4;
	_ =	sdelay $0x1  }
0xa1: {  	s23 =	simm.s32 $0x1B8B  }
0xa2: {  	_ =	swait.ge [sflag:s23], $0x1  }
0xa3: {  	[sflag:s23] =	ssyncset.done $0x0  }
0xa4: {  	s25 =	simm.s32 $0x1B8E;
	s24 =	sld [smem:$0x3FFE];
	[sflag:s23] =	ssyncadd.s32 $0xFFFFFFFF  }
0xa5: {  	s26 =	simm.s32 $execute0_lowered;
	[smem:$0x3FD2] =	sst s25  }
0xa6: {  	s5 =	sshll.u32 s26, $0x1;
	_ =	strace $0x80000046;
	[dreg:$0x1] =	wrdreg $0xFFFFFFFF  }
0xa7: {  	s28 =	simm.s32 $_size_execute0_lowered;
	s3 =	sadd.s32 s3, s5;
	[dreg:$0x0] =	wrdreg $0x0  }
0xa8: {  	s5 =	sshll.u32 s28, $0x1;
	[dreg:$0x2] =	wrdreg s3  }
0xa9: {  	[dreg:$0x3] =	wrdreg s5  }
0xaa: {  	[dreg:$0x4] =	wrdreg $0xC0  }
0xab: {  	_ =	task [dreg:s7], $0x5FFFF  }
0xac: {  	[dreg:$0x1] =	wrdreg $0xFFFFFFFF  }
0xad: {  	[dreg:$0x0] =	wrdreg $0x60  }
0xae: {  	[dreg:$0x2] =	wrdreg s2  }
0xaf: {  	[dreg:$0x3] =	wrdreg s24  }
0xb0: {  	[dreg:$0x4] =	wrdreg $0x9  }
0xb1: {  	_ =	task.clear_ibuf [dreg:s7], $0x5FFFF;
	_ =	strace $0x90000046  }
0xb2: {  	s29 =	simm.s32 $0x9;
	_ =	strace $0x80000048  }
0xb3: {  	_ =	swait.ge [sflag:s29], $0x1  }
0xb4: {  	[sflag:s29] =	ssyncadd.s32 $0xFFFFFFFF  }
0xb5: {  	_ =	strace $0x90000048  }
0xb6: {  	_ =	sfence  }
0xb7: {  	s30 =	sld [smem:$0x0];
	_ =	sdelay $0x2  }
0xb8: {  	s31 =	sshll.u32 s1, $0xD;
	s1 =	sshrl.u32 s1, $0x2  }
0xb9: {  	s3 =	sand.u32 $0x4000, s31;
	s1 =	sadd.s32 s1, s30  }
0xba: {  	s0 =	sor.u32 s3, s0;
	s1 =	sshll.u32 s1, $0x11  }
0xbb: {  	s0 =	sor.u32 s1, s0  }
0xbc: {  	s0 =	sadd.s32 $0x8F2B, s0  }
0xbd: {  	[sflag:s0] =	ssyncadd.remote.s32 $0x1  }
0xbe: {  	_ =	sfence.sel $0xFFFF  }
0xbf: {  	[dreg:$0x0] =	wrdreg $0xFFFFFFFF;
	(pc) =	sbr.abs _section_cstart, $3  }
0xc0: {  	[dreg:$0x1] =	wrdreg $0xFFFFFFFF  }
0xc1: {  	_ =	task.clear_ibuf [dreg:s7], $0x2FFFF;
	_ =	strace $0x9FFFFFFF  }
0xc2: {  	(tm) =	ssettm $0x7FFFFFFF  }
0xc3: {  	_ =	shalt  }
tec
execute0_lowered:
.L_overlay_start_1:
0x0: {  	(tag) =	ssettag $0x1  }
0x1: {  	s0 =	srdreg.scid  }
0x2: {  	s22 =	sand.u32 $0x1, s0  }
0x3: {  	s0 =	stileid.u32;
	s1 =	sshll.u32 s22, $0x4  }
0x4: {  	s10 =	sor.u32 s0, s1  }
0x5: {  	s2 =	rddreg [dreg:$0x0];
	s21 =	smul.u32 $0x2710, s10  }
0x6: {  	s11 =	rddreg [dreg:$0x1];
	s3 =	simm.s32 $0x0;
	s5 =	simm.s32 $0x1  }
0x7: {  	[smem:$0x7FF] =	sst s3;
	s20 =	sadd.s32 $0x7200, s11;
	s4 =	sshrl.u32 s21, $0x3  }
0x8: {  	s1 =	rddreg [dreg:$0x2];
	_ =	strace $0x80000047;
	s4 =	sadd.s32 s20, s4  }
0x9: {  	[tilespmem:s3], [sflag:$0x1] =	stream.linear.gather [hbm4b:s4+s3], $0x7D0, $0x38;
	[tilespmem:$0x109A0] =	vst v63  }
0xa: {  	_ =	swait.ge [sflag:s5], $0x7D0  }
0xb: {  	s6 =	simm.s32 $0x7D0;
	s15 =	sadd.s32 $0x7D0, s21;
	[sflag:s5] =	ssyncset.done $0x0  }
0xc: {  	s7 =	simm.s32 $0xFA0;
	s8 =	sshrl.u32 s15, $0x3;
	[sflag:s5] =	ssyncadd.s32 $0xFFFFF830  }
0xd: {  	[tilespmem:s7], [sflag:$0x3] =	stream.indirect.gather [hbm4b:s2+s6], $0x10, s3, s6, $0xb8;
	[tilespmem:$0x109A0] =	vst v63  }
0xe: {  	s9 =	simm.s32 $0x3;
	s8 =	sadd.s32 s20, s8  }
0xf: {  	[tilespmem:s6], [sflag:$0x2] =	stream.linear.gather [hbm4b:s8+s3], $0x7D0, $0x38;
	[tilespmem:$0x109A0] =	vst v63  }
0x10: {  	s10 =	smul.u32 $0x4E20, s10;
	_ =	swait.ge [sflag:s9], $0x7D00  }
0x11: {  	s23 =	sadd.s32 $0x11000, s11;
	[sflag:s9] =	ssyncset.done $0x0  }
0x12: {  	s11 =	simm.s32 $0x2;
	s10 =	sadd.s32 s23, s10;
	[sflag:s9] =	ssyncadd.s32 $0xFFFF8300  }
0x13: {  	[hbm4b:s10+s3] =	stream.linear.scatter [tilespmem:s7], [sflag:$0x5], $0x7D00, $0x38;
	[tilespmem:$0x109A0] =	vst v63  }
0x14: {  	_ =	swait.ge [sflag:s11], $0x7D0  }
0x15: {  	s18 =	sadd.s32 $0xFA0, s21;
	[sflag:s11] =	ssyncset.done $0x0  }
0x16: {  	s12 =	simm.s32 $0x8CA0;
	s13 =	sshrl.u32 s18, $0x3;
	[sflag:s11] =	ssyncadd.s32 $0xFFFFF830  }
0x17: {  	[tilespmem:s12], [sflag:$0x4] =	stream.indirect.gather [hbm4b:s2+s6], $0x10, s6, s6, $0xb8;
	[tilespmem:$0x109A0] =	vst v63  }
0x18: {  	s14 =	simm.s32 $0x4;
	s13 =	sadd.s32 s20, s13  }
0x19: {  	[tilespmem:s3], [sflag:$0x1] =	stream.linear.gather [hbm4b:s13+s3], $0x7D0, $0x38;
	[tilespmem:$0x109A0] =	vst v63  }
0x1a: {  	_ =	swait.ge [sflag:s14], $0x7D00  }
0x1b: {  	s15 =	sshll.u32 s15, $0x1;
	[sflag:s14] =	ssyncset.done $0x0  }
0x1c: {  	s15 =	sadd.s32 s23, s15;
	[sflag:s14] =	ssyncadd.s32 $0xFFFF8300  }
0x1d: {  	[hbm4b:s15+s3] =	stream.linear.scatter [tilespmem:s12], [sflag:$0x6], $0x7D00, $0x38;
	[tilespmem:$0x109A0] =	vst v63  }
0x1e: {  	_ =	swait.ge [sflag:s5], $0x7D0  }
0x1f: {  	[sflag:s5] =	ssyncset.done $0x0  }
0x20: {  	s16 =	simm.s32 $0x5;
	[sflag:s5] =	ssyncadd.s32 $0xFFFFF830  }
0x21: {  	_ =	swait.ge [sflag:s16], $0x7D00  }
0x22: {  	s24 =	sadd.s32 $0x1770, s21;
	[sflag:s16] =	ssyncset.done $0x0  }
0x23: {  	s17 =	sshrl.u32 s24, $0x3;
	[sflag:s16] =	ssyncadd.s32 $0xFFFF8300  }
0x24: {  	[tilespmem:s7], [sflag:$0x3] =	stream.indirect.gather [hbm4b:s2+s6], $0x10, s3, s6, $0xb8;
	[tilespmem:$0x109A0] =	vst v63  }
0x25: {  	s17 =	sadd.s32 s20, s17  }
0x26: {  	[tilespmem:s6], [sflag:$0x2] =	stream.linear.gather [hbm4b:s17+s3], $0x7D0, $0x38;
	[tilespmem:$0x109A0] =	vst v63  }
0x27: {  	_ =	swait.ge [sflag:s9], $0x7D00  }
0x28: {  	s18 =	sshll.u32 s18, $0x1;
	[sflag:s9] =	ssyncset.done $0x0  }
0x29: {  	s18 =	sadd.s32 s23, s18;
	[sflag:s9] =	ssyncadd.s32 $0xFFFF8300  }
0x2a: {  	[hbm4b:s18+s3] =	stream.linear.scatter [tilespmem:s7], [sflag:$0x5], $0x7D00, $0x38;
	[tilespmem:$0x109A0] =	vst v63  }
0x2b: {  	_ =	swait.ge [sflag:s11], $0x7D0  }
0x2c: {  	[sflag:s11] =	ssyncset.done $0x0  }
0x2d: {  	s19 =	simm.s32 $0x6;
	[sflag:s11] =	ssyncadd.s32 $0xFFFFF830  }
0x2e: {  	_ =	swait.ge [sflag:s19], $0x7D00  }
0x2f: {  	s25 =	sadd.s32 $0x1F40, s21;
	[sflag:s19] =	ssyncset.done $0x0  }
0x30: {  	s21 =	sshrl.u32 s25, $0x3;
	[sflag:s19] =	ssyncadd.s32 $0xFFFF8300  }
0x31: {  	[tilespmem:s12], [sflag:$0x4] =	stream.indirect.gather [hbm4b:s2+s6], $0x10, s6, s6, $0xb8;
	[tilespmem:$0x109A0] =	vst v63  }
0x32: {  	s20 =	sadd.s32 s20, s21  }
0x33: {  	[tilespmem:s3], [sflag:$0x1] =	stream.linear.gather [hbm4b:s20+s3], $0x7D0, $0x38;
	[tilespmem:$0x109A0] =	vst v63  }
0x34: {  	_ =	swait.ge [sflag:s14], $0x7D00  }
0x35: {  	s28 =	sshll.u32 s24, $0x1;
	[sflag:s14] =	ssyncset.done $0x0  }
0x36: {  	s21 =	sadd.s32 s23, s28;
	[sflag:s14] =	ssyncadd.s32 $0xFFFF8300  }
0x37: {  	[hbm4b:s21+s3] =	stream.linear.scatter [tilespmem:s12], [sflag:$0x6], $0x7D00, $0x38;
	[tilespmem:$0x109A0] =	vst v63  }
0x38: {  	_ =	swait.ge [sflag:s5], $0x7D0  }
0x39: {  	[sflag:s5] =	ssyncset.done $0x0  }
0x3a: {  	[sflag:s5] =	ssyncadd.s32 $0xFFFFF830  }
0x3b: {  	_ =	swait.ge [sflag:s16], $0x7D00  }
0x3c: {  	s30 =	ssub.s32 $0x2, s22;
	[sflag:s16] =	ssyncset.done $0x0  }
0x3d: {  	s31 =	sshrl.u32 s30, $0x1;
	s29 =	sshll.u32 s25, $0x1;
	[sflag:s16] =	ssyncadd.s32 $0xFFFF8300  }
0x3e: {  	[tilespmem:s7], [sflag:$0x3] =	stream.indirect.gather [hbm4b:s2+s6], $0x10, s3, s6, $0xb8;
	[tilespmem:$0x109A0] =	vst v63  }
0x3f: {  	s22 =	sadd.s32 s23, s29;
	s23 =	ssub.s32 s30, s31;
	_ =	swait.ge [sflag:s9], $0x7D00  }
0x40: {  	s23 =	smax.u32 s23, $0x1;
	[sflag:s9] =	ssyncset.done $0x0  }
0x41: {  	p0 =	sne.s32 s23, $0x1;
	[sflag:s9] =	ssyncadd.s32 $0xFFFF8300  }
0x42: {  	[hbm4b:s22+s3] =	stream.linear.scatter [tilespmem:s7], [sflag:$0x5], $0x7D00, $0x38;
	[tilespmem:$0x109A0] =	vst v63  }
.Ltmp0:
0x43: {  	_ =	swait.ge [sflag:s19], $0x7D00;
	(pc) =	sbr.rel @!p0 .LBB2_2-.Ltmp0, $4  }
0x44: {  	[sflag:s19] =	ssyncset.done $0x0  }
0x45: {  	[sflag:s19] =	ssyncadd.s32 $0xFFFF8300  }
0x46: {  	_ =	swait.ge [sflag:s16], $0x7D00  }
0x47: {  	s23 =	sadd.s32 $0xFFFFFFFF, s23;
	[sflag:s16] =	ssyncset.done $0x0  }
.LBB2_1:
0x48: {  	p0 =	sne.s32 s23, $0x1;
	s23 =	sadd.s32 $0xFFFFFFFF, s23;
	[sflag:s16] =	ssyncadd.s32 $0xFFFF8300  }
0x49: {  	[tilespmem:s3], [sflag:$0x1] =	stream.linear.gather [hbm4b:s4+s3], $0x7D0, $0x38;
	[tilespmem:$0x109A0] =	vst v63  }
0x4a: {  	_ =	swait.ge [sflag:s5], $0x7D0  }
0x4b: {  	[sflag:s5] =	ssyncset.done $0x0  }
0x4c: {  	[sflag:s5] =	ssyncadd.s32 $0xFFFFF830  }
0x4d: {  	[tilespmem:s7], [sflag:$0x3] =	stream.indirect.gather [hbm4b:s2+s6], $0x10, s3, s6, $0xb8;
	[tilespmem:$0x109A0] =	vst v63  }
0x4e: {  	_ = 	snop  }
0x4f: {  	[tilespmem:s6], [sflag:$0x2] =	stream.linear.gather [hbm4b:s8+s3], $0x7D0, $0x38;
	[tilespmem:$0x109A0] =	vst v63  }
0x50: {  	_ =	swait.ge [sflag:s9], $0x7D00  }
0x51: {  	[sflag:s9] =	ssyncset.done $0x0  }
0x52: {  	[sflag:s9] =	ssyncadd.s32 $0xFFFF8300  }
0x53: {  	[hbm4b:s10+s3] =	stream.linear.scatter [tilespmem:s7], [sflag:$0x5], $0x7D00, $0x38;
	[tilespmem:$0x109A0] =	vst v63  }
0x54: {  	_ =	swait.ge [sflag:s11], $0x7D0  }
0x55: {  	[sflag:s11] =	ssyncset.done $0x0  }
0x56: {  	[sflag:s11] =	ssyncadd.s32 $0xFFFFF830  }
0x57: {  	[tilespmem:s12], [sflag:$0x4] =	stream.indirect.gather [hbm4b:s2+s6], $0x10, s6, s6, $0xb8;
	[tilespmem:$0x109A0] =	vst v63  }
0x58: {  	_ = 	snop  }
0x59: {  	[tilespmem:s3], [sflag:$0x1] =	stream.linear.gather [hbm4b:s13+s3], $0x7D0, $0x38;
	[tilespmem:$0x109A0] =	vst v63  }
0x5a: {  	_ =	swait.ge [sflag:s14], $0x7D00  }
0x5b: {  	[sflag:s14] =	ssyncset.done $0x0  }
0x5c: {  	[sflag:s14] =	ssyncadd.s32 $0xFFFF8300  }
0x5d: {  	[hbm4b:s15+s3] =	stream.linear.scatter [tilespmem:s12], [sflag:$0x6], $0x7D00, $0x38;
	[tilespmem:$0x109A0] =	vst v63  }
0x5e: {  	_ =	swait.ge [sflag:s5], $0x7D0  }
0x5f: {  	[sflag:s5] =	ssyncset.done $0x0  }
0x60: {  	[sflag:s5] =	ssyncadd.s32 $0xFFFFF830  }
0x61: {  	_ =	swait.ge [sflag:s16], $0x7D00  }
0x62: {  	[sflag:s16] =	ssyncset.done $0x0  }
0x63: {  	[sflag:s16] =	ssyncadd.s32 $0xFFFF8300  }
0x64: {  	[tilespmem:s7], [sflag:$0x3] =	stream.indirect.gather [hbm4b:s2+s6], $0x10, s3, s6, $0xb8;
	[tilespmem:$0x109A0] =	vst v63  }
0x65: {  	_ = 	snop  }
0x66: {  	[tilespmem:s6], [sflag:$0x2] =	stream.linear.gather [hbm4b:s17+s3], $0x7D0, $0x38;
	[tilespmem:$0x109A0] =	vst v63  }
0x67: {  	_ =	swait.ge [sflag:s9], $0x7D00  }
0x68: {  	[sflag:s9] =	ssyncset.done $0x0  }
0x69: {  	[sflag:s9] =	ssyncadd.s32 $0xFFFF8300  }
0x6a: {  	[hbm4b:s18+s3] =	stream.linear.scatter [tilespmem:s7], [sflag:$0x5], $0x7D00, $0x38;
	[tilespmem:$0x109A0] =	vst v63  }
0x6b: {  	_ =	swait.ge [sflag:s11], $0x7D0  }
0x6c: {  	[sflag:s11] =	ssyncset.done $0x0  }
0x6d: {  	[sflag:s11] =	ssyncadd.s32 $0xFFFFF830  }
0x6e: {  	_ =	swait.ge [sflag:s19], $0x7D00  }
0x6f: {  	[sflag:s19] =	ssyncset.done $0x0  }
0x70: {  	[sflag:s19] =	ssyncadd.s32 $0xFFFF8300  }
0x71: {  	[tilespmem:s12], [sflag:$0x4] =	stream.indirect.gather [hbm4b:s2+s6], $0x10, s6, s6, $0xb8;
	[tilespmem:$0x109A0] =	vst v63  }
0x72: {  	_ = 	snop  }
0x73: {  	[tilespmem:s3], [sflag:$0x1] =	stream.linear.gather [hbm4b:s20+s3], $0x7D0, $0x38;
	[tilespmem:$0x109A0] =	vst v63  }
0x74: {  	_ =	swait.ge [sflag:s14], $0x7D00  }
0x75: {  	[sflag:s14] =	ssyncset.done $0x0  }
0x76: {  	[sflag:s14] =	ssyncadd.s32 $0xFFFF8300  }
0x77: {  	[hbm4b:s21+s3] =	stream.linear.scatter [tilespmem:s12], [sflag:$0x6], $0x7D00, $0x38;
	[tilespmem:$0x109A0] =	vst v63  }
0x78: {  	_ =	swait.ge [sflag:s5], $0x7D0  }
0x79: {  	[sflag:s5] =	ssyncset.done $0x0  }
0x7a: {  	[sflag:s5] =	ssyncadd.s32 $0xFFFFF830  }
0x7b: {  	_ =	swait.ge [sflag:s16], $0x7D00  }
0x7c: {  	[sflag:s16] =	ssyncset.done $0x0  }
0x7d: {  	[sflag:s16] =	ssyncadd.s32 $0xFFFF8300  }
0x7e: {  	[tilespmem:s7], [sflag:$0x3] =	stream.indirect.gather [hbm4b:s2+s6], $0x10, s3, s6, $0xb8;
	[tilespmem:$0x109A0] =	vst v63  }
0x7f: {  	_ =	swait.ge [sflag:s9], $0x7D00  }
0x80: {  	[sflag:s9] =	ssyncset.done $0x0  }
0x81: {  	[sflag:s9] =	ssyncadd.s32 $0xFFFF8300  }
0x82: {  	[hbm4b:s22+s3] =	stream.linear.scatter [tilespmem:s7], [sflag:$0x5], $0x7D00, $0x38;
	[tilespmem:$0x109A0] =	vst v63  }
.Ltmp1:
0x83: {  	_ =	swait.ge [sflag:s19], $0x7D00;
	(pc) =	sbr.rel @p0 .LBB2_1-.Ltmp1, $4  }
0x84: {  	[sflag:s19] =	ssyncset.done $0x0  }
0x85: {  	[sflag:s19] =	ssyncadd.s32 $0xFFFF8300  }
0x86: {  	_ =	swait.ge [sflag:s16], $0x7D00  }
0x87: {  	[sflag:s16] =	ssyncset.done $0x0  }
.LBB2_2:
0x88: {  	[sflag:s16] =	ssyncadd.s32 $0xFFFF8300  }
0x89: {  	_ =	sfence.sel $0x180000  }
0x8a: {  	[bflag:$0x0] =	sbarrier.arrive $0xFFFF  }
0x8b: {  	p0 =	sne.s32 s0, $0x0;
	_ =	strace $0x90000047  }
0x8c: {  	s0 =	sadd.s32 @!p0 $0x100000, s1;
	[bflag:$0x2] =	sbarrier.arrive $0xFFFF  }
0x8d: {  	[sflag:s0] =	ssyncadd.tile.s32 @!p0 $0x1;
	_ =	shalt  }
.Lfunc_end2:
_tile_overlayer_lowered:
.L_overlay_start_2:
0x8e: {  	(tag) =	ssettag $0x2  }
0x8f: {  	s0 =	rddreg [dreg:$0x0];
	s2 =	stileid.u32  }
0x90: {  	s1 =	rddreg [dreg:$0x1];
	p0 =	sne.s32 s2, $0x0  }
0x91: {  	s3 =	rddreg [dreg:$0x2];
	[bflag:$0x3] =	sbarrier.arrive $0xFFFF;
	s2 =	simm.s32 @!p0 $0x1C07  }
0x92: {  	[timem:s3], [sflag:s2] =	dma.local @!p0 [hbm:s0], s1  }
0x93: {  	s0 =	simm.s32 @!p0 $0x7  }
0x94: {  	_ =	swait.ge @!p0 [sflag:s0], s1  }
0x95: {  	s1 =	ssub.s32 @!p0 $0x0, s1;
	[sflag:s0] =	ssyncset.done @!p0 $0x0  }
0x96: {  	[sflag:s0] =	ssyncadd.s32 @!p0 s1  }
0x97: {  	[bflag:$0x3] =	sbarrier.arrive $0xFFFF  }
0x98: {  	_ =	shalt  }

// kernel: kernel.9.cloned.1.call-start
scs
__scs_entry_jumppad:
0x0: {  	(pc) =	sbr.rel $0x88, $3  }
0x1: {  	(tag) =	ssettag $0x0;
	lr =	simm.s32 $0x1  }
0x2: {  	[smem:$0x3F96] =	sst lr;
	_ =	strace $0xD0000000  }
0x3: {  	_ = 	snop  }
0x4: {  	_ = 	snop  }
0x5: {  	_ = 	snop  }
0x6: {  	_ = 	snop  }
0x7: {  	_ = 	snop  }
__scs_overlays_trampoline_lowered:
0x8: {  	[smem:$0x3FA5] =	sst s0  }
0x9: {  	[smem:$0x3FA6] =	sst s1  }
0xa: {  	[smem:$0x3FA7] =	sst s2  }
0xb: {  	[smem:$0x3FA8] =	sst s3  }
0xc: {  	[smem:$0x3FA9] =	sst s4  }
0xd: {  	[smem:$0x3FAA] =	sst s5  }
0xe: {  	[smem:$0x3FAB] =	sst s6  }
0xf: {  	[smem:$0x3FAC] =	sst s7  }
0x10: {  	[smem:$0x3FAD] =	sst s8  }
0x11: {  	[smem:$0x3FAE] =	sst s9;
	s0 =	simm.s32 @!p0 $0x0  }
0x12: {  	s1 =	sld [smem:$0x3F94];
	s0 =	simm.s32 @p0 $0x1  }
0x13: {  	[smem:$0x3FAF] =	sst s0;
	s0 =	simm.s32 @!p1 $0x0  }
0x14: {  	s2 =	sld [smem:$0x3F93];
	s0 =	simm.s32 @p1 $0x1  }
0x15: {  	[smem:$0x3FB0] =	sst s0;
	s0 =	simm.s32 @!p2 $0x0  }
0x16: {  	s3 =	sld [smem:$0x3FDB];
	s0 =	simm.s32 @p2 $0x1  }
0x17: {  	s4 =	simm.s32 $0x1BF5;
	[smem:$0x3FB2] =	sst s0  }
0x18: {  	s0 =	sld [smem:$0x3F95];
	_ =	swait.ge [sflag:s4], $0x0  }
0x19: {  	s7 =	sld [smem:$0x3F96]  }
0x1a: {  	s8 =	sadd.s32 $0xFFFFE003, lr  }
0x1b: {  	s9 =	sadd.s32 $0xFFFFFEF7, lr;
	s5 =	simm.s32 $0xFFFFFFFF;
	p2 =	slt.u32 s8, $0xFFFFF086  }
0x1c: {  	p1 =	slt.u32 s9, $0xF7A;
	s5 =	simm.s32 @!p2 $0x0  }
0x1d: {  	s5 =	simm.s32 @p1 $0x1;
	p0 =	seq.s32 s7, s2  }
0x1e: {  	s7 =	smul.u32 @!p0 $0xF7A, s2;
	p2 =	seq.s32 @!p0 s5, $0x0  }
0x1f: {  	s9 =	smul.u32 $0xF7A, s1;
	s8 =	simm.s32 @!p0 $0x1BF5;
	p2 =	por !p2, p0  }
0x20: {  	[sflag:s8] =	ssyncset.s32 @!p0 $0xFFFFF086;
	s6 =	sadd.s32 @!p0 s3, s7;
	s7 =	simm.s32 @!p0 $0x108  }
0x21: {  	s3 =	sadd.s32 s3, s9;
	s6 =	sadd.s32 @!p0 $0x88, s6;
	s7 =	simm.s32 @p2 $0x1082  }
0x22: {  	[simem:s7], [sflag:s8] =	dma.local @!p0 [hbm:s6], $0xF7A  }
0x23: {  	s9 =	sor.u32 $0xD0000000, s2;
	s6 =	simm.s32 $0x108;
	_ =	swait.ge @!p0 [sflag:s8], $0x0  }
0x24: {  	s3 =	sadd.s32 $0x88, s3;
	s6 =	simm.s32 @!p1 $0x1082;
	[sflag:s4] =	ssyncset.s32 $0xFFFFF086  }
0x25: {  	[simem:s6], [sflag:s4] =	dma.local [hbm:s3], $0xF7A  }
0x26: {  	[smem:$0x3F96] =	sst s1;
	(tag) =	ssettag s2;
	_ =	strace s9  }
0x27: {  	s1 =	sld [smem:$0x3FA6]  }
0x28: {  	s2 =	sld [smem:$0x3FA7]  }
0x29: {  	s4 =	sld [smem:$0x3FA9]  }
0x2a: {  	p0 =	seq.s32 s5, $0x0;
	s5 =	sld [smem:$0x3FAA]  }
0x2b: {  	s6 =	sld [smem:$0x3FAB]  }
0x2c: {  	s7 =	sld [smem:$0x3FAC]  }
0x2d: {  	s3 =	simm.s32 $0x108;
	s8 =	sld [smem:$0x3FAD]  }
0x2e: {  	s3 =	simm.s32 @!p0 $0x1082;
	s9 =	sld [smem:$0x3FAE]  }
0x2f: {  	lr =	sadd.s32 s0, s3;
	s0 =	sld [smem:$0x3FA5]  }
0x30: {  	s3 =	sld [smem:$0x3FA8]  }
0x31: {  	[smem:$0x3FB1] =	sst s10  }
0x32: {  	s10 =	sld [smem:$0x3FAF];
	_ =	sdelay $0x3  }
0x33: {  	p0 =	seq.s32 s10, $0x1;
	s10 =	sld [smem:$0x3FB1];
	_ =	sdelay $0x3  }
0x34: {  	[smem:$0x3FB1] =	sst s10  }
0x35: {  	s10 =	sld [smem:$0x3FB0];
	_ =	sdelay $0x3  }
0x36: {  	p1 =	seq.s32 s10, $0x1;
	s10 =	sld [smem:$0x3FB1];
	_ =	sdelay $0x3  }
0x37: {  	[smem:$0x3FB1] =	sst s10  }
0x38: {  	s10 =	sld [smem:$0x3FB2]  }
0x39: {  	_ = 	snop;
	(pc) =	sbr.ind lr, $3  }
0x3a: {  	_ = 	snop  }
0x3b: {  	_ = 	snop  }
0x3c: {  	p2 =	seq.s32 s10, $0x1;
	s10 =	sld [smem:$0x3FB1]  }
0x3d: {  	_ =	shalt  }
0x3e: {  	_ =	shalt  }
0x3f: {  	_ =	shalt  }
0x40: {  	_ =	shalt  }
0x41: {  	_ =	shalt  }
0x42: {  	_ =	shalt  }
0x43: {  	_ =	shalt  }
0x44: {  	_ =	shalt  }
0x45: {  	_ =	shalt  }
0x46: {  	_ =	shalt  }
0x47: {  	_ =	shalt  }
0x48: {  	_ =	shalt  }
0x49: {  	_ =	shalt  }
0x4a: {  	_ =	shalt  }
0x4b: {  	_ =	shalt  }
0x4c: {  	_ =	shalt  }
0x4d: {  	_ =	shalt  }
0x4e: {  	_ =	shalt  }
0x4f: {  	_ =	shalt  }
0x50: {  	_ =	shalt  }
0x51: {  	_ =	shalt  }
0x52: {  	_ =	shalt  }
0x53: {  	_ =	shalt  }
0x54: {  	_ =	shalt  }
0x55: {  	_ =	shalt  }
0x56: {  	_ =	shalt  }
0x57: {  	_ =	shalt  }
0x58: {  	_ =	shalt  }
0x59: {  	_ =	shalt  }
0x5a: {  	_ =	shalt  }
0x5b: {  	_ =	shalt  }
0x5c: {  	_ =	shalt  }
0x5d: {  	_ =	shalt  }
0x5e: {  	_ =	shalt  }
0x5f: {  	_ =	shalt  }
0x60: {  	_ =	shalt  }
0x61: {  	_ =	shalt  }
0x62: {  	_ =	shalt  }
0x63: {  	_ =	shalt  }
0x64: {  	_ =	shalt  }
0x65: {  	_ =	shalt  }
0x66: {  	_ =	shalt  }
0x67: {  	_ =	shalt  }
0x68: {  	_ =	shalt  }
0x69: {  	_ =	shalt  }
0x6a: {  	_ =	shalt  }
0x6b: {  	_ =	shalt  }
0x6c: {  	_ =	shalt  }
0x6d: {  	_ =	shalt  }
0x6e: {  	_ =	shalt  }
0x6f: {  	_ =	shalt  }
0x70: {  	_ =	shalt  }
0x71: {  	_ =	shalt  }
0x72: {  	_ =	shalt  }
0x73: {  	_ =	shalt  }
0x74: {  	_ =	shalt  }
0x75: {  	_ =	shalt  }
0x76: {  	_ =	shalt  }
0x77: {  	_ =	shalt  }
0x78: {  	_ =	shalt  }
0x79: {  	_ =	shalt  }
0x7a: {  	_ =	shalt  }
0x7b: {  	_ =	shalt  }
0x7c: {  	_ =	shalt  }
0x7d: {  	_ =	shalt  }
0x7e: {  	_ =	shalt  }
0x7f: {  	_ =	shalt  }
0x80: {  	_ =	shalt  }
0x81: {  	_ =	shalt  }
0x82: {  	_ =	shalt  }
0x83: {  	_ =	shalt  }
0x84: {  	_ =	shalt  }
0x85: {  	_ =	shalt  }
0x86: {  	_ =	shalt  }
0x87: {  	_ =	shalt  }
.Lfunc_end0:
.L_simem_size_0:
called_computation.1_lowered:
.L_overlay_start_0:
0x88: {  	s2 =	sld [smem:$0x3FD9]  }
0x89: {  	s3 =	sld [smem:$0x3FFE];
	_ =	sdelay $0x1  }
0x8a: {  	s1 =	srdreg.scid  }
0x8b: {  	s0 =	sand.u32 $0x1, s1  }
0x8c: {  	s16 =	sshll.u32 s0, $0xA;
	s2 =	sadd.s32 s3, s2  }
0x8d: {  	s2 =	sadd.s32 s2, s16  }
0x8e: {  	[smem:$0x3FBD] =	sst s2  }
0x8f: {  	_ = 	snop  }
0x90: {  	(tm) =	ssettm $0x1  }
0x91: {  	s17 =	sld [smem:$0x3FFB];
	_ =	sdelay $0x3  }
0x92: {  	_ =	strace s17  }
0x93: {  	s2 =	sld [smem:$0x3FFC];
	_ =	sdelay $0x3  }
0x94: {  	_ =	strace s2  }
0x95: {  	s2 =	sld [smem:$0x3FFD];
	_ =	sdelay $0x3  }
0x96: {  	_ =	strace s2  }
0x97: {  	_ =	strace $0x8FFFFFFF  }
0x98: {  	s18 =	sld [smem:$0x3FDB];
	_ =	sdelay $0x1  }
0x99: {  	s19 =	simm.s32 $_scs_section_size  }
0x9a: {  	s4 =	simm.s32 $_size__tile_overlayer_lowered;
	s5 =	simm.s32 $_tile_overlayer_lowered  }
0x9b: {  	s22 =	simm.s32 $0x1BFF;
	s21 =	sshll.u32 s5, $0x1;
	s2 =	sadd.s32 s19, s18  }
0x9c: {  	s6 =	simm.s32 $0x0;
	s20 =	sshll.u32 s4, $0x1;
	s4 =	sadd.s32 s21, s2  }
0x9d: {  	[timem:s6], [sflag:s22] =	dma.local [hbm:s4], s20  }
0x9e: {  	_ =	swait.ge [sflag:s22], s20  }
0x9f: {  	s3 =	ssub.s32 $0x0, s20;
	[sflag:s22] =	ssyncset.done $0x0  }
0xa0: {  	[sflag:s22] =	ssyncadd.s32 s3;
	_ =	sdelay $0x1  }
0xa1: {  	s23 =	simm.s32 $0x1B8B  }
0xa2: {  	_ =	swait.ge [sflag:s23], $0x1  }
0xa3: {  	[sflag:s23] =	ssyncset.done $0x0  }
0xa4: {  	s25 =	simm.s32 $0x1B8E;
	s24 =	sld [smem:$0x3FFE];
	[sflag:s23] =	ssyncadd.s32 $0xFFFFFFFF  }
0xa5: {  	s26 =	simm.s32 $execute0_lowered;
	[smem:$0x3FD2] =	sst s25  }
0xa6: {  	s4 =	sshll.u32 s26, $0x1;
	_ =	strace $0x80000049;
	[dreg:$0x1] =	wrdreg $0xFFFFFFFF  }
0xa7: {  	s28 =	simm.s32 $_size_execute0_lowered;
	s2 =	sadd.s32 s2, s4;
	[dreg:$0x0] =	wrdreg $0x0  }
0xa8: {  	s4 =	sshll.u32 s28, $0x1;
	[dreg:$0x2] =	wrdreg s2  }
0xa9: {  	[dreg:$0x3] =	wrdreg s4  }
0xaa: {  	[dreg:$0x4] =	wrdreg $0xC0  }
0xab: {  	_ =	task [dreg:s6], $0x5FFFF  }
0xac: {  	[dreg:$0x1] =	wrdreg $0xFFFFFFFF  }
0xad: {  	[dreg:$0x0] =	wrdreg $0x60  }
0xae: {  	[dreg:$0x2] =	wrdreg s24  }
0xaf: {  	[dreg:$0x3] =	wrdreg $0x87100  }
0xb0: {  	[dreg:$0x4] =	wrdreg $0x9  }
0xb1: {  	_ =	task.clear_ibuf [dreg:s6], $0x5FFFF;
	_ =	strace $0x90000049  }
0xb2: {  	s29 =	simm.s32 $0x9;
	_ =	strace $0x8000004B  }
0xb3: {  	_ =	swait.ge [sflag:s29], $0x1  }
0xb4: {  	[sflag:s29] =	ssyncadd.s32 $0xFFFFFFFF  }
0xb5: {  	_ =	strace $0x9000004B  }
0xb6: {  	_ =	sfence  }
0xb7: {  	s30 =	sld [smem:$0x0];
	_ =	sdelay $0x2  }
0xb8: {  	s31 =	sshll.u32 s1, $0xD;
	s1 =	sshrl.u32 s1, $0x2  }
0xb9: {  	s3 =	sand.u32 $0x4000, s31;
	s1 =	sadd.s32 s1, s30  }
0xba: {  	s0 =	sor.u32 s3, s0;
	s1 =	sshll.u32 s1, $0x11  }
0xbb: {  	s0 =	sor.u32 s1, s0  }
0xbc: {  	s0 =	sadd.s32 $0x8F2B, s0  }
0xbd: {  	[sflag:s0] =	ssyncadd.remote.s32 $0x1  }
0xbe: {  	_ =	sfence.sel $0xFFFF  }
0xbf: {  	[dreg:$0x0] =	wrdreg $0xFFFFFFFF;
	(pc) =	sbr.abs _section_cstart, $3  }
0xc0: {  	[dreg:$0x1] =	wrdreg $0xFFFFFFFF  }
0xc1: {  	_ =	task.clear_ibuf [dreg:s6], $0x2FFFF;
	_ =	strace $0x9FFFFFFF  }
0xc2: {  	(tm) =	ssettm $0x7FFFFFFF  }
0xc3: {  	_ =	shalt  }
tec
execute0_lowered:
.L_overlay_start_1:
0x0: {  	(tag) =	ssettag $0x1  }
0x1: {  	s0 =	rddreg [dreg:$0x0]  }
0x2: {  	s1 =	rddreg [dreg:$0x1];
	s2 =	simm.s32 $0x0;
	s3 =	srdreg.scid  }
0x3: {  	s15 =	stileid.u32;
	[smem:$0x7FF] =	sst s2  }
0x4: {  	s3 =	sand.u32 $0x1, s3;
	s5 =	sadd.s32 $0x7200, s0;
	s6 =	smul.u32 $0x1D400, s15  }
0x5: {  	s9 =	sadd.s32 $0x2200, s0;
	s10 =	smul.u32 $0x7500, s15;
	_ =	strace $0x8000004A  }
0x6: {  	s4 =	smul.u32 $0xEA60, s3;
	s13 =	sshll.u32 s3, $0x4;
	s3 =	ssub.s32 $0x2, s3  }
0x7: {  	s7 =	sor.u32 s15, s13;
	s14 =	sshrl.u32 s3, $0x1;
	s6 =	sshrl.u32 s6, $0x2  }
0x8: {  	s0 =	sadd.s32 s4, s0;
	s11 =	smul.u32 $0x1388, s7;
	s6 =	sadd.s32 s6, s1  }
0x9: {  	s3 =	ssub.s32 s3, s14;
	s12 =	smul.u32 $0x7530, s7;
	s6 =	sadd.s32 $0x3A80, s6  }
0xa: {  	s3 =	smax.u32 s3, $0x1;
	[dreg:$0x3] =	wrdreg s6;
	s8 =	sshrl.u32 s11, $0x3  }
0xb: {  	s13 =	sadd.s32 $0xC8, s11;
	s14 =	sadd.s32 $0x3E8, s11;
	s23 =	sadd.s32 $0x898, s11  }
0xc: {  	[dreg:$0x13] =	wrdreg s3;
	s7 =	sadd.s32 s9, s8;
	s8 =	sadd.s32 s5, s12  }
0xd: {  	s16 =	sshrl.u32 s13, $0x3;
	s25 =	sshrl.u32 s23, $0x3;
	s23 =	sadd.s32 $0xF1800, s0  }
0xe: {  	s19 =	sshrl.u32 s14, $0x3;
	s12 =	sadd.s32 s9, s16;
	[dreg:$0x12] =	wrdreg s23  }
0xf: {  	s22 =	sadd.s32 $0x708, s11;
	s20 =	sadd.s32 s9, s19;
	[dreg:$0x4] =	wrdreg s12  }
0x10: {  	s29 =	sadd.s32 $0xBB8, s11;
	s26 =	sadd.s32 s9, s25;
	[dreg:$0x7] =	wrdreg s20  }
0x11: {  	s24 =	sshrl.u32 s22, $0x3;
	s22 =	sadd.s32 $0x32, s7;
	[dreg:$0xa] =	wrdreg s26  }
0x12: {  	s30 =	sadd.s32 $0xD48, s11;
	s25 =	sadd.s32 $0x960, s8;
	[dreg:$0x11] =	wrdreg s22  }
0x13: {  	s14 =	sshrl.u32 s29, $0x3;
	s29 =	sadd.s32 $0x12C0, s8;
	[dreg:$0x15] =	wrdreg s25  }
0x14: {  	s16 =	sshrl.u32 s30, $0x3;
	s30 =	sadd.s32 $0x1770, s8;
	[dreg:$0x18] =	wrdreg s29  }
0x15: {  	s13 =	smul.u32 $0x6, s13;
	s3 =	sadd.s32 $0x96, s7;
	[dreg:$0x19] =	wrdreg s30  }
0x16: {  	p0 =	sne.s32 s15, $0xF;
	s15 =	sadd.s32 $0x3390, s8;
	[dreg:$0x1a] =	wrdreg s3  }
0x17: {  	s17 =	sadd.s32 $0x258, s11;
	s5 =	sadd.s32 s5, s13;
	[smem:$0x7EF] =	sst s15  }
0x18: {  	s18 =	sshrl.u32 s17, $0x3;
	s17 =	sadd.s32 s9, s16;
	[dreg:$0x5] =	wrdreg s5  }
0x19: {  	s26 =	sadd.s32 $0xE10, s8;
	[dreg:$0xd] =	wrdreg s17  }
0x1a: {  	s12 =	sadd.s32 $0x2A30, s8;
	[dreg:$0x16] =	wrdreg s26  }
0x1b: {  	s13 =	sadd.s32 $0xFA, s7;
	[dreg:$0x1f] =	wrdreg s12  }
0x1c: {  	s19 =	sadd.s32 $0x1068, s11;
	s16 =	sadd.s32 $0x12C, s7;
	[smem:$0x7ED] =	sst s13  }
0x1d: {  	s20 =	sshrl.u32 s19, $0x3;
	s19 =	sadd.s32 $0x15E, s7;
	[smem:$0x7F0] =	sst s16  }
0x1e: {  	s4 =	sadd.s32 s10, s1;
	s22 =	sadd.s32 $0x190, s7;
	[smem:$0x7F3] =	sst s19  }
0x1f: {  	s6 =	sadd.s32 $0x75000, s1;
	s25 =	sadd.s32 $0x1C2, s7;
	[smem:$0x7F6] =	sst s22  }
0x20: {  	s21 =	sadd.s32 $0x578, s11;
	s29 =	sadd.s32 $0x1F4, s7;
	[smem:$0x7F9] =	sst s25  }
0x21: {  	s28 =	sadd.s32 $0xA28, s11;
	s30 =	sadd.s32 $0x5DC0, s8;
	[smem:$0x7FC] =	sst s29  }
0x22: {  	s5 =	sadd.s32 s9, s18;
	s18 =	sadd.s32 $0xED8, s11;
	[smem:$0x7FD] =	sst s30  }
0x23: {  	s11 =	sadd.s32 $0x11F8, s11;
	s17 =	sadd.s32 $0x3840, s8;
	[dreg:$0x6] =	wrdreg s5  }
0x24: {  	s26 =	sadd.s32 $0x5460, s8;
	s5 =	sshrl.u32 s21, $0x3;
	[smem:$0x7F1] =	sst s17  }
0x25: {  	s11 =	sshrl.u32 s11, $0x3;
	[smem:$0x7FA] =	sst s26;
	s5 =	sadd.s32 s9, s5  }
0x26: {  	s31 =	sadd.s32 $0x6270, s8;
	s21 =	sadd.s32 s9, s11;
	[dreg:$0x8] =	wrdreg s5  }
0x27: {  	s3 =	sadd.s32 $0x6720, s8;
	s11 =	sadd.s32 $0x2580, s8;
	[dreg:$0x10] =	wrdreg s21  }
0x28: {  	s15 =	simm.s32 $0xC8;
	s5 =	sadd.s32 s9, s24;
	[dreg:$0x1e] =	wrdreg s11  }
0x29: {  	s24 =	sshrl.u32 s10, $0x3;
	s10 =	sadd.s32 $0xC8, s7;
	[dreg:$0x9] =	wrdreg s5  }
0x2a: {  	s12 =	simm.s32 $0x190;
	s21 =	sadd.s32 $0x4650, s8;
	[dreg:$0x1d] =	wrdreg s10  }
0x2b: {  	s13 =	simm.s32 $0x1;
	s0 =	sadd.s32 s24, s23;
	[smem:$0x7F5] =	sst s21  }
0x2c: {  	s5 =	sshrl.u32 s28, $0x3;
	s28 =	sadd.s32 $0x64, s7;
	[dreg:$0x14] =	wrdreg s0  }
0x2d: {  	s16 =	simm.s32 $0x2710;
	s23 =	sadd.s32 $0x4B00, s8;
	[dreg:$0x17] =	wrdreg s28  }
0x2e: {  	s19 =	simm.s32 $0x5;
	s24 =	sadd.s32 $0x4FB0, s8;
	[smem:$0x7F7] =	sst s23  }
0x2f: {  	s17 =	simm.s32 $0x2;
	s5 =	sadd.s32 s9, s5;
	[smem:$0x7F8] =	sst s24  }
0x30: {  	s11 =	simm.s32 $0x7;
	s28 =	sadd.s32 $0x5910, s8;
	[dreg:$0xb] =	wrdreg s5  }
0x31: {  	s10 =	simm.s32 $0x4C90;
	s5 =	sadd.s32 s9, s14;
	[smem:$0x7FB] =	sst s28  }
0x32: {  	s21 =	simm.s32 $0x0;
	s14 =	sadd.s32 $0x2EE0, s8;
	[dreg:$0xc] =	wrdreg s5  }
0x33: {  	s5 =	sshrl.u32 s18, $0x3;
	[smem:$0x7EE] =	sst s14;
	s18 =	sadd.s32 $0x3CF0, s8  }
0x34: {  	s0 =	sadd.s32 $0x226, s7;
	s5 =	sadd.s32 s9, s5;
	[smem:$0x7F2] =	sst s18  }
0x35: {  	s23 =	sadd.s32 $0x7080, s8;
	[dreg:$0xe] =	wrdreg s5;
	s5 =	sadd.s32 s9, s20  }
0x36: {  	s14 =	simm.s32 $0x3;
	s9 =	sadd.s32 $0x20D0, s8;
	[dreg:$0xf] =	wrdreg s5  }
0x37: {  	s18 =	simm.s32 $0x4;
	s20 =	sadd.s32 $0x41A0, s8;
	[dreg:$0x1c] =	wrdreg s9  }
0x38: {  	s5 =	sadd.s32 $0x1C20, s8;
	[smem:$0x7F4] =	sst s20;
	s9 =	sadd.s32 $0x258, s7  }
0x39: {  	v0 =	vimm.f32 $0.0e+00;
	s20 =	simm.s32 $0x6;
	[dreg:$0x1b] =	wrdreg s5;
	s5 =	sadd.s32 $0x6BD0, s8  }
.LBB2_1:
0x3a: {  	s22 =	smul.u32 $0xAAAB, s2;
	_ =	sdelay $0x1  }
0x3b: {  	s24 =	sshrl.u32 s22, $0x11  }
0x3c: {  	s25 =	simm.s32 $0x0;
	s22 =	simm.s32 $0x1;
	s26 =	smul.u32 $0x3, s24  }
.LBB2_2:
0x3d: {  	s28 =	smul.u32 $0xAAAB, s22  }
0x3e: {  	s29 =	smov.u32 s22;
	s24 =	smul.u32 $0xC0, s24;
	p1 =	sne.s32 s22, $0x3A7  }
.Ltmp0:
0x3f: {  	s25 =	ssub.s32 s25, s26;
	(pc) =	sbr.rel @p1 .LBB2_2-.Ltmp0, $4  }
0x40: {  	s22 =	sadd.s32 $0x1, s22;
	s25 =	sand.u32 $0xFFFF, s25  }
0x41: {  	s26 =	sshrl.u32 s24, $0x2;
	s30 =	sshll.u32 s25, $0x4;
	s25 =	smov.u32 s29  }
0x42: {  	s24 =	sshrl.u32 s28, $0x11;
	s28 =	sadd.s32 s30, s26  }
0x43: {  	s26 =	smul.u32 $0x3, s24;
	[tilespmem:s28+$0x4C90] =	vst v0  }
0x44: {  	_ = 	snop  }
0x45: {  	s24 =	smul.u32 $0xC0, s24;
	s22 =	ssub.s32 s25, s26  }
0x46: {  	s22 =	sand.u32 $0xFFFF, s22  }
0x47: {  	s24 =	sshrl.u32 s24, $0x2;
	s22 =	sshll.u32 s22, $0x4  }
0x48: {  	s22 =	sadd.s32 s22, s24  }
0x49: {  	[tilespmem:s22+$0x4C90] =	vst v0  }
0x4a: {  	[spmem:s4] =	stream.linear.scatter [tilespmem:s10], [sflag:$0x7], $0x3A80, $0x38;
	[tilespmem:$0xFC40] =	vst v63  }
0x4b: {  	_ =	swait.ge [sflag:s11], $0x3A80  }
0x4c: {  	[sflag:s11] =	ssyncset.done $0x0  }
0x4d: {  	s29 =	rddreg [dreg:$0x3];
	[sflag:s11] =	ssyncadd.s32 $0xFFFFC580  }
0x4e: {  	[spmem:s29] =	stream.linear.scatter [tilespmem:s10], [sflag:$0x7], $0x3A80, $0x38;
	[tilespmem:$0xFC40] =	vst v63  }
0x4f: {  	_ =	swait.ge [sflag:s11], $0x3A80  }
0x50: {  	[sflag:s11] =	ssyncset.done $0x0  }
0x51: {  	s22 =	simm.s32 @!p0 $0x4C90;
	[sflag:s11] =	ssyncadd.s32 $0xFFFFC580  }
0x52: {  	[spmem:s6] =	stream.linear.scatter @!p0 [tilespmem:s22], [sflag:$0x7], $0x300, $0x38;
	[tilespmem:$0xFC40] =	vst v63  }
0x53: {  	s22 =	simm.s32 @!p0 $0x7  }
0x54: {  	_ =	swait.ge @!p0 [sflag:s22], $0x300  }
0x55: {  	[sflag:s22] =	ssyncset.done @!p0 $0x0  }
0x56: {  	[sflag:s22] =	ssyncadd.s32 @!p0 $0xFFFFFD00  }
0x57: {  	[bflag:$0x0] =	sbarrier.arrive $0xFFFF  }
0x58: {  	[tilespmem:s2], [sflag:$0x1] =	stream.linear.gather [hbm4b:s7+s2], $0xC8, $0x38;
	[tilespmem:$0xFC40] =	vst v63  }
0x59: {  	_ = 	snop  }
0x5a: {  	[tilespmem:s12], [sflag:$0x3] =	stream.linear.gather [hbm4b:s8+s2], $0x2580, $0x38;
	[tilespmem:$0xFC40] =	vst v63  }
0x5b: {  	_ =	swait.ge [sflag:s13], $0xC8  }
0x5c: {  	[sflag:s13] =	ssyncset.done $0x0  }
0x5d: {  	[sflag:s13] =	ssyncadd.s32 $0xFFFFFF38  }
0x5e: {  	_ =	swait.ge [sflag:s14], $0x2580  }
0x5f: {  	[sflag:s14] =	ssyncset.done $0x0  }
0x60: {  	[sflag:s14] =	ssyncadd.s32 $0xFFFFDA80  }
0x61: {  	[spmem:s1] =	stream.indirect.scatter.add.f32 [tilespmem:s12], [sflag:$0x5], $0x30, s2, s15, $0xb8;
	[tilespmem:$0xFC40] =	vst v63  }
0x62: {  	s30 =	rddreg [dreg:$0x4]  }
0x63: {  	[tilespmem:s15], [sflag:$0x2] =	stream.linear.gather [hbm4b:s30+s2], $0xC8, $0x38;
	[tilespmem:$0xFC40] =	vst v63  }
0x64: {  	s25 =	rddreg [dreg:$0x5]  }
0x65: {  	[tilespmem:s16], [sflag:$0x4] =	stream.linear.gather [hbm4b:s25+s2], $0x2580, $0x38;
	[tilespmem:$0xFC40] =	vst v63  }
0x66: {  	_ =	swait.ge [sflag:s17], $0xC8  }
0x67: {  	[sflag:s17] =	ssyncset.done $0x0  }
0x68: {  	[sflag:s17] =	ssyncadd.s32 $0xFFFFFF38  }
0x69: {  	_ =	swait.ge [sflag:s18], $0x2580  }
0x6a: {  	[sflag:s18] =	ssyncset.done $0x0  }
0x6b: {  	[sflag:s18] =	ssyncadd.s32 $0xFFFFDA80  }
0x6c: {  	[spmem:s1] =	stream.indirect.scatter.add.f32 [tilespmem:s16], [sflag:$0x6], $0x30, s15, s15, $0xb8;
	[tilespmem:$0xFC40] =	vst v63  }
0x6d: {  	_ =	swait.ge [sflag:s19], $0x2580  }
0x6e: {  	[sflag:s19] =	ssyncset.done $0x0  }
0x6f: {  	s26 =	rddreg [dreg:$0x11];
	[sflag:s19] =	ssyncadd.s32 $0xFFFFDA80  }
0x70: {  	[tilespmem:s2], [sflag:$0x1] =	stream.linear.gather [hbm4b:s26+s2], $0xC8, $0x38;
	[tilespmem:$0xFC40] =	vst v63  }
0x71: {  	s28 =	rddreg [dreg:$0x15]  }
0x72: {  	[tilespmem:s12], [sflag:$0x3] =	stream.linear.gather [hbm4b:s28+s2], $0x2580, $0x38;
	[tilespmem:$0xFC40] =	vst v63  }
0x73: {  	_ =	swait.ge [sflag:s13], $0xC8  }
0x74: {  	[sflag:s13] =	ssyncset.done $0x0  }
0x75: {  	[sflag:s13] =	ssyncadd.s32 $0xFFFFFF38  }
0x76: {  	_ =	swait.ge [sflag:s14], $0x2580  }
0x77: {  	[sflag:s14] =	ssyncset.done $0x0  }
0x78: {  	[sflag:s14] =	ssyncadd.s32 $0xFFFFDA80  }
0x79: {  	[spmem:s1] =	stream.indirect.scatter.add.f32 [tilespmem:s12], [sflag:$0x5], $0x30, s2, s15, $0xb8;
	[tilespmem:$0xFC40] =	vst v63  }
0x7a: {  	_ =	swait.ge [sflag:s20], $0x2580  }
0x7b: {  	[sflag:s20] =	ssyncset.done $0x0  }
0x7c: {  	s29 =	rddreg [dreg:$0x6];
	[sflag:s20] =	ssyncadd.s32 $0xFFFFDA80  }
0x7d: {  	[tilespmem:s15], [sflag:$0x2] =	stream.linear.gather [hbm4b:s29+s2], $0xC8, $0x38;
	[tilespmem:$0xFC40] =	vst v63  }
0x7e: {  	s30 =	rddreg [dreg:$0x16]  }
0x7f: {  	[tilespmem:s16], [sflag:$0x4] =	stream.linear.gather [hbm4b:s30+s2], $0x2580, $0x38;
	[tilespmem:$0xFC40] =	vst v63  }
0x80: {  	_ =	swait.ge [sflag:s17], $0xC8  }
0x81: {  	[sflag:s17] =	ssyncset.done $0x0  }
0x82: {  	[sflag:s17] =	ssyncadd.s32 $0xFFFFFF38  }
0x83: {  	_ =	swait.ge [sflag:s18], $0x2580  }
0x84: {  	[sflag:s18] =	ssyncset.done $0x0  }
0x85: {  	[sflag:s18] =	ssyncadd.s32 $0xFFFFDA80  }
0x86: {  	[spmem:s1] =	stream.indirect.scatter.add.f32 [tilespmem:s16], [sflag:$0x6], $0x30, s15, s15, $0xb8;
	[tilespmem:$0xFC40] =	vst v63  }
0x87: {  	_ =	swait.ge [sflag:s19], $0x2580  }
0x88: {  	[sflag:s19] =	ssyncset.done $0x0  }
0x89: {  	s25 =	rddreg [dreg:$0x17];
	[sflag:s19] =	ssyncadd.s32 $0xFFFFDA80  }
0x8a: {  	[tilespmem:s2], [sflag:$0x1] =	stream.linear.gather [hbm4b:s25+s2], $0xC8, $0x38;
	[tilespmem:$0xFC40] =	vst v63  }
0x8b: {  	s26 =	rddreg [dreg:$0x18]  }
0x8c: {  	[tilespmem:s12], [sflag:$0x3] =	stream.linear.gather [hbm4b:s26+s2], $0x2580, $0x38;
	[tilespmem:$0xFC40] =	vst v63  }
0x8d: {  	_ =	swait.ge [sflag:s13], $0xC8  }
0x8e: {  	[sflag:s13] =	ssyncset.done $0x0  }
0x8f: {  	[sflag:s13] =	ssyncadd.s32 $0xFFFFFF38  }
0x90: {  	_ =	swait.ge [sflag:s14], $0x2580  }
0x91: {  	[sflag:s14] =	ssyncset.done $0x0  }
0x92: {  	[sflag:s14] =	ssyncadd.s32 $0xFFFFDA80  }
0x93: {  	[spmem:s1] =	stream.indirect.scatter.add.f32 [tilespmem:s12], [sflag:$0x5], $0x30, s2, s15, $0xb8;
	[tilespmem:$0xFC40] =	vst v63  }
0x94: {  	_ =	swait.ge [sflag:s20], $0x2580  }
0x95: {  	[sflag:s20] =	ssyncset.done $0x0  }
0x96: {  	s28 =	rddreg [dreg:$0x7];
	[sflag:s20] =	ssyncadd.s32 $0xFFFFDA80  }
0x97: {  	[tilespmem:s15], [sflag:$0x2] =	stream.linear.gather [hbm4b:s28+s2], $0xC8, $0x38;
	[tilespmem:$0xFC40] =	vst v63  }
0x98: {  	s29 =	rddreg [dreg:$0x19]  }
0x99: {  	[tilespmem:s16], [sflag:$0x4] =	stream.linear.gather [hbm4b:s29+s2], $0x2580, $0x38;
	[tilespmem:$0xFC40] =	vst v63  }
0x9a: {  	_ =	swait.ge [sflag:s17], $0xC8  }
0x9b: {  	[sflag:s17] =	ssyncset.done $0x0  }
0x9c: {  	[sflag:s17] =	ssyncadd.s32 $0xFFFFFF38  }
0x9d: {  	_ =	swait.ge [sflag:s18], $0x2580  }
0x9e: {  	[sflag:s18] =	ssyncset.done $0x0  }
0x9f: {  	[sflag:s18] =	ssyncadd.s32 $0xFFFFDA80  }
0xa0: {  	[spmem:s1] =	stream.indirect.scatter.add.f32 [tilespmem:s16], [sflag:$0x6], $0x30, s15, s15, $0xb8;
	[tilespmem:$0xFC40] =	vst v63  }
0xa1: {  	_ =	swait.ge [sflag:s19], $0x2580  }
0xa2: {  	[sflag:s19] =	ssyncset.done $0x0  }
0xa3: {  	s30 =	rddreg [dreg:$0x1a];
	[sflag:s19] =	ssyncadd.s32 $0xFFFFDA80  }
0xa4: {  	[tilespmem:s2], [sflag:$0x1] =	stream.linear.gather [hbm4b:s30+s2], $0xC8, $0x38;
	[tilespmem:$0xFC40] =	vst v63  }
0xa5: {  	s25 =	rddreg [dreg:$0x1b]  }
0xa6: {  	[tilespmem:s12], [sflag:$0x3] =	stream.linear.gather [hbm4b:s25+s2], $0x2580, $0x38;
	[tilespmem:$0xFC40] =	vst v63  }
0xa7: {  	_ =	swait.ge [sflag:s13], $0xC8  }
0xa8: {  	[sflag:s13] =	ssyncset.done $0x0  }
0xa9: {  	[sflag:s13] =	ssyncadd.s32 $0xFFFFFF38  }
0xaa: {  	_ =	swait.ge [sflag:s14], $0x2580  }
0xab: {  	[sflag:s14] =	ssyncset.done $0x0  }
0xac: {  	[sflag:s14] =	ssyncadd.s32 $0xFFFFDA80  }
0xad: {  	[spmem:s1] =	stream.indirect.scatter.add.f32 [tilespmem:s12], [sflag:$0x5], $0x30, s2, s15, $0xb8;
	[tilespmem:$0xFC40] =	vst v63  }
0xae: {  	_ =	swait.ge [sflag:s20], $0x2580  }
0xaf: {  	[sflag:s20] =	ssyncset.done $0x0  }
0xb0: {  	s26 =	rddreg [dreg:$0x8];
	[sflag:s20] =	ssyncadd.s32 $0xFFFFDA80  }
0xb1: {  	[tilespmem:s15], [sflag:$0x2] =	stream.linear.gather [hbm4b:s26+s2], $0xC8, $0x38;
	[tilespmem:$0xFC40] =	vst v63  }
0xb2: {  	s28 =	rddreg [dreg:$0x1c]  }
0xb3: {  	[tilespmem:s16], [sflag:$0x4] =	stream.linear.gather [hbm4b:s28+s2], $0x2580, $0x38;
	[tilespmem:$0xFC40] =	vst v63  }
0xb4: {  	_ =	swait.ge [sflag:s17], $0xC8  }
0xb5: {  	[sflag:s17] =	ssyncset.done $0x0  }
0xb6: {  	[sflag:s17] =	ssyncadd.s32 $0xFFFFFF38  }
0xb7: {  	_ =	swait.ge [sflag:s18], $0x2580  }
0xb8: {  	[sflag:s18] =	ssyncset.done $0x0  }
0xb9: {  	[sflag:s18] =	ssyncadd.s32 $0xFFFFDA80  }
0xba: {  	[spmem:s1] =	stream.indirect.scatter.add.f32 [tilespmem:s16], [sflag:$0x6], $0x30, s15, s15, $0xb8;
	[tilespmem:$0xFC40] =	vst v63  }
0xbb: {  	_ =	swait.ge [sflag:s19], $0x2580  }
0xbc: {  	[sflag:s19] =	ssyncset.done $0x0  }
0xbd: {  	s29 =	rddreg [dreg:$0x1d];
	[sflag:s19] =	ssyncadd.s32 $0xFFFFDA80  }
0xbe: {  	[tilespmem:s2], [sflag:$0x1] =	stream.linear.gather [hbm4b:s29+s2], $0xC8, $0x38;
	[tilespmem:$0xFC40] =	vst v63  }
0xbf: {  	s30 =	rddreg [dreg:$0x1e]  }
0xc0: {  	[tilespmem:s12], [sflag:$0x3] =	stream.linear.gather [hbm4b:s30+s2], $0x2580, $0x38;
	[tilespmem:$0xFC40] =	vst v63  }
0xc1: {  	_ =	swait.ge [sflag:s13], $0xC8  }
0xc2: {  	[sflag:s13] =	ssyncset.done $0x0  }
0xc3: {  	[sflag:s13] =	ssyncadd.s32 $0xFFFFFF38  }
0xc4: {  	_ =	swait.ge [sflag:s14], $0x2580  }
0xc5: {  	[sflag:s14] =	ssyncset.done $0x0  }
0xc6: {  	[sflag:s14] =	ssyncadd.s32 $0xFFFFDA80  }
0xc7: {  	[spmem:s1] =	stream.indirect.scatter.add.f32 [tilespmem:s12], [sflag:$0x5], $0x30, s2, s15, $0xb8;
	[tilespmem:$0xFC40] =	vst v63  }
0xc8: {  	_ =	swait.ge [sflag:s20], $0x2580  }
0xc9: {  	[sflag:s20] =	ssyncset.done $0x0  }
0xca: {  	s25 =	rddreg [dreg:$0x9];
	[sflag:s20] =	ssyncadd.s32 $0xFFFFDA80  }
0xcb: {  	[tilespmem:s15], [sflag:$0x2] =	stream.linear.gather [hbm4b:s25+s2], $0xC8, $0x38;
	[tilespmem:$0xFC40] =	vst v63  }
0xcc: {  	s26 =	rddreg [dreg:$0x1f]  }
0xcd: {  	[tilespmem:s16], [sflag:$0x4] =	stream.linear.gather [hbm4b:s26+s2], $0x2580, $0x38;
	[tilespmem:$0xFC40] =	vst v63  }
0xce: {  	_ =	swait.ge [sflag:s17], $0xC8  }
0xcf: {  	[sflag:s17] =	ssyncset.done $0x0  }
0xd0: {  	[sflag:s17] =	ssyncadd.s32 $0xFFFFFF38  }
0xd1: {  	_ =	swait.ge [sflag:s18], $0x2580  }
0xd2: {  	[sflag:s18] =	ssyncset.done $0x0  }
0xd3: {  	[sflag:s18] =	ssyncadd.s32 $0xFFFFDA80  }
0xd4: {  	[spmem:s1] =	stream.indirect.scatter.add.f32 [tilespmem:s16], [sflag:$0x6], $0x30, s15, s15, $0xb8;
	[tilespmem:$0xFC40] =	vst v63  }
0xd5: {  	_ =	swait.ge [sflag:s19], $0x2580  }
0xd6: {  	s28 =	sld [smem:$0x7ED]  }
0xd7: {  	[sflag:s19] =	ssyncset.done $0x0  }
0xd8: {  	s29 =	sld [smem:$0x7EE];
	[sflag:s19] =	ssyncadd.s32 $0xFFFFDA80  }
0xd9: {  	[tilespmem:s2], [sflag:$0x1] =	stream.linear.gather [hbm4b:s28+s2], $0xC8, $0x38;
	[tilespmem:$0xFC40] =	vst v63  }
0xda: {  	_ = 	snop  }
0xdb: {  	[tilespmem:s12], [sflag:$0x3] =	stream.linear.gather [hbm4b:s29+s2], $0x2580, $0x38;
	[tilespmem:$0xFC40] =	vst v63  }
0xdc: {  	_ =	swait.ge [sflag:s13], $0xC8  }
0xdd: {  	[sflag:s13] =	ssyncset.done $0x0  }
0xde: {  	[sflag:s13] =	ssyncadd.s32 $0xFFFFFF38  }
0xdf: {  	_ =	swait.ge [sflag:s14], $0x2580  }
0xe0: {  	[sflag:s14] =	ssyncset.done $0x0  }
0xe1: {  	[sflag:s14] =	ssyncadd.s32 $0xFFFFDA80  }
0xe2: {  	[spmem:s1] =	stream.indirect.scatter.add.f32 [tilespmem:s12], [sflag:$0x5], $0x30, s2, s15, $0xb8;
	[tilespmem:$0xFC40] =	vst v63  }
0xe3: {  	_ =	swait.ge [sflag:s20], $0x2580  }
0xe4: {  	[sflag:s20] =	ssyncset.done $0x0;
	s30 =	rddreg [dreg:$0xa]  }
0xe5: {  	s25 =	sld [smem:$0x7EF];
	[sflag:s20] =	ssyncadd.s32 $0xFFFFDA80  }
0xe6: {  	[tilespmem:s15], [sflag:$0x2] =	stream.linear.gather [hbm4b:s30+s2], $0xC8, $0x38;
	[tilespmem:$0xFC40] =	vst v63  }
0xe7: {  	_ = 	snop  }
0xe8: {  	[tilespmem:s16], [sflag:$0x4] =	stream.linear.gather [hbm4b:s25+s2], $0x2580, $0x38;
	[tilespmem:$0xFC40] =	vst v63  }
0xe9: {  	_ =	swait.ge [sflag:s17], $0xC8  }
0xea: {  	[sflag:s17] =	ssyncset.done $0x0  }
0xeb: {  	[sflag:s17] =	ssyncadd.s32 $0xFFFFFF38  }
0xec: {  	_ =	swait.ge [sflag:s18], $0x2580  }
0xed: {  	[sflag:s18] =	ssyncset.done $0x0  }
0xee: {  	[sflag:s18] =	ssyncadd.s32 $0xFFFFDA80  }
0xef: {  	[spmem:s1] =	stream.indirect.scatter.add.f32 [tilespmem:s16], [sflag:$0x6], $0x30, s15, s15, $0xb8;
	[tilespmem:$0xFC40] =	vst v63  }
0xf0: {  	_ =	swait.ge [sflag:s19], $0x2580  }
0xf1: {  	s26 =	sld [smem:$0x7F0]  }
0xf2: {  	[sflag:s19] =	ssyncset.done $0x0  }
0xf3: {  	s28 =	sld [smem:$0x7F1];
	[sflag:s19] =	ssyncadd.s32 $0xFFFFDA80  }
0xf4: {  	[tilespmem:s2], [sflag:$0x1] =	stream.linear.gather [hbm4b:s26+s2], $0xC8, $0x38;
	[tilespmem:$0xFC40] =	vst v63  }
0xf5: {  	_ = 	snop  }
0xf6: {  	[tilespmem:s12], [sflag:$0x3] =	stream.linear.gather [hbm4b:s28+s2], $0x2580, $0x38;
	[tilespmem:$0xFC40] =	vst v63  }
0xf7: {  	_ =	swait.ge [sflag:s13], $0xC8  }
0xf8: {  	[sflag:s13] =	ssyncset.done $0x0  }
0xf9: {  	[sflag:s13] =	ssyncadd.s32 $0xFFFFFF38  }
0xfa: {  	_ =	swait.ge [sflag:s14], $0x2580  }
0xfb: {  	[sflag:s14] =	ssyncset.done $0x0  }
0xfc: {  	[sflag:s14] =	ssyncadd.s32 $0xFFFFDA80  }
0xfd: {  	[spmem:s1] =	stream.indirect.scatter.add.f32 [tilespmem:s12], [sflag:$0x5], $0x30, s2, s15, $0xb8;
	[tilespmem:$0xFC40] =	vst v63  }
0xfe: {  	_ =	swait.ge [sflag:s20], $0x2580  }
0xff: {  	[sflag:s20] =	ssyncset.done $0x0;
	s29 =	rddreg [dreg:$0xb]  }
0x100: {  	s30 =	sld [smem:$0x7F2];
	[sflag:s20] =	ssyncadd.s32 $0xFFFFDA80  }
0x101: {  	[tilespmem:s15], [sflag:$0x2] =	stream.linear.gather [hbm4b:s29+s2], $0xC8, $0x38;
	[tilespmem:$0xFC40] =	vst v63  }
0x102: {  	_ = 	snop  }
0x103: {  	[tilespmem:s16], [sflag:$0x4] =	stream.linear.gather [hbm4b:s30+s2], $0x2580, $0x38;
	[tilespmem:$0xFC40] =	vst v63  }
0x104: {  	_ =	swait.ge [sflag:s17], $0xC8  }
0x105: {  	[sflag:s17] =	ssyncset.done $0x0  }
0x106: {  	[sflag:s17] =	ssyncadd.s32 $0xFFFFFF38  }
0x107: {  	_ =	swait.ge [sflag:s18], $0x2580  }
0x108: {  	[sflag:s18] =	ssyncset.done $0x0  }
0x109: {  	[sflag:s18] =	ssyncadd.s32 $0xFFFFDA80  }
0x10a: {  	[spmem:s1] =	stream.indirect.scatter.add.f32 [tilespmem:s16], [sflag:$0x6], $0x30, s15, s15, $0xb8;
	[tilespmem:$0xFC40] =	vst v63  }
0x10b: {  	_ =	swait.ge [sflag:s19], $0x2580  }
0x10c: {  	s25 =	sld [smem:$0x7F3]  }
0x10d: {  	[sflag:s19] =	ssyncset.done $0x0  }
0x10e: {  	s26 =	sld [smem:$0x7F4];
	[sflag:s19] =	ssyncadd.s32 $0xFFFFDA80  }
0x10f: {  	[tilespmem:s2], [sflag:$0x1] =	stream.linear.gather [hbm4b:s25+s2], $0xC8, $0x38;
	[tilespmem:$0xFC40] =	vst v63  }
0x110: {  	_ = 	snop  }
0x111: {  	[tilespmem:s12], [sflag:$0x3] =	stream.linear.gather [hbm4b:s26+s2], $0x2580, $0x38;
	[tilespmem:$0xFC40] =	vst v63  }
0x112: {  	_ =	swait.ge [sflag:s13], $0xC8  }
0x113: {  	[sflag:s13] =	ssyncset.done $0x0  }
0x114: {  	[sflag:s13] =	ssyncadd.s32 $0xFFFFFF38  }
0x115: {  	_ =	swait.ge [sflag:s14], $0x2580  }
0x116: {  	[sflag:s14] =	ssyncset.done $0x0  }
0x117: {  	[sflag:s14] =	ssyncadd.s32 $0xFFFFDA80  }
0x118: {  	[spmem:s1] =	stream.indirect.scatter.add.f32 [tilespmem:s12], [sflag:$0x5], $0x30, s2, s15, $0xb8;
	[tilespmem:$0xFC40] =	vst v63  }
0x119: {  	_ =	swait.ge [sflag:s20], $0x2580  }
0x11a: {  	[sflag:s20] =	ssyncset.done $0x0;
	s28 =	rddreg [dreg:$0xc]  }
0x11b: {  	s29 =	sld [smem:$0x7F5];
	[sflag:s20] =	ssyncadd.s32 $0xFFFFDA80  }
0x11c: {  	[tilespmem:s15], [sflag:$0x2] =	stream.linear.gather [hbm4b:s28+s2], $0xC8, $0x38;
	[tilespmem:$0xFC40] =	vst v63  }
0x11d: {  	_ = 	snop  }
0x11e: {  	[tilespmem:s16], [sflag:$0x4] =	stream.linear.gather [hbm4b:s29+s2], $0x2580, $0x38;
	[tilespmem:$0xFC40] =	vst v63  }
0x11f: {  	_ =	swait.ge [sflag:s17], $0xC8  }
0x120: {  	[sflag:s17] =	ssyncset.done $0x0  }
0x121: {  	[sflag:s17] =	ssyncadd.s32 $0xFFFFFF38  }
0x122: {  	_ =	swait.ge [sflag:s18], $0x2580  }
0x123: {  	[sflag:s18] =	ssyncset.done $0x0  }
0x124: {  	[sflag:s18] =	ssyncadd.s32 $0xFFFFDA80  }
0x125: {  	[spmem:s1] =	stream.indirect.scatter.add.f32 [tilespmem:s16], [sflag:$0x6], $0x30, s15, s15, $0xb8;
	[tilespmem:$0xFC40] =	vst v63  }
0x126: {  	_ =	swait.ge [sflag:s19], $0x2580  }
0x127: {  	s30 =	sld [smem:$0x7F6]  }
0x128: {  	[sflag:s19] =	ssyncset.done $0x0  }
0x129: {  	s25 =	sld [smem:$0x7F7];
	[sflag:s19] =	ssyncadd.s32 $0xFFFFDA80  }
0x12a: {  	[tilespmem:s2], [sflag:$0x1] =	stream.linear.gather [hbm4b:s30+s2], $0xC8, $0x38;
	[tilespmem:$0xFC40] =	vst v63  }
0x12b: {  	_ = 	snop  }
0x12c: {  	[tilespmem:s12], [sflag:$0x3] =	stream.linear.gather [hbm4b:s25+s2], $0x2580, $0x38;
	[tilespmem:$0xFC40] =	vst v63  }
0x12d: {  	_ =	swait.ge [sflag:s13], $0xC8  }
0x12e: {  	[sflag:s13] =	ssyncset.done $0x0  }
0x12f: {  	[sflag:s13] =	ssyncadd.s32 $0xFFFFFF38  }
0x130: {  	_ =	swait.ge [sflag:s14], $0x2580  }
0x131: {  	[sflag:s14] =	ssyncset.done $0x0  }
0x132: {  	[sflag:s14] =	ssyncadd.s32 $0xFFFFDA80  }
0x133: {  	[spmem:s1] =	stream.indirect.scatter.add.f32 [tilespmem:s12], [sflag:$0x5], $0x30, s2, s15, $0xb8;
	[tilespmem:$0xFC40] =	vst v63  }
0x134: {  	_ =	swait.ge [sflag:s20], $0x2580  }
0x135: {  	[sflag:s20] =	ssyncset.done $0x0;
	s26 =	rddreg [dreg:$0xd]  }
0x136: {  	s28 =	sld [smem:$0x7F8];
	[sflag:s20] =	ssyncadd.s32 $0xFFFFDA80  }
0x137: {  	[tilespmem:s15], [sflag:$0x2] =	stream.linear.gather [hbm4b:s26+s2], $0xC8, $0x38;
	[tilespmem:$0xFC40] =	vst v63  }
0x138: {  	_ = 	snop  }
0x139: {  	[tilespmem:s16], [sflag:$0x4] =	stream.linear.gather [hbm4b:s28+s2], $0x2580, $0x38;
	[tilespmem:$0xFC40] =	vst v63  }
0x13a: {  	_ =	swait.ge [sflag:s17], $0xC8  }
0x13b: {  	[sflag:s17] =	ssyncset.done $0x0  }
0x13c: {  	[sflag:s17] =	ssyncadd.s32 $0xFFFFFF38  }
0x13d: {  	_ =	swait.ge [sflag:s18], $0x2580  }
0x13e: {  	[sflag:s18] =	ssyncset.done $0x0  }
0x13f: {  	[sflag:s18] =	ssyncadd.s32 $0xFFFFDA80  }
0x140: {  	[spmem:s1] =	stream.indirect.scatter.add.f32 [tilespmem:s16], [sflag:$0x6], $0x30, s15, s15, $0xb8;
	[tilespmem:$0xFC40] =	vst v63  }
0x141: {  	_ =	swait.ge [sflag:s19], $0x2580  }
0x142: {  	s29 =	sld [smem:$0x7F9]  }
0x143: {  	[sflag:s19] =	ssyncset.done $0x0  }
0x144: {  	s30 =	sld [smem:$0x7FA];
	[sflag:s19] =	ssyncadd.s32 $0xFFFFDA80  }
0x145: {  	[tilespmem:s2], [sflag:$0x1] =	stream.linear.gather [hbm4b:s29+s2], $0xC8, $0x38;
	[tilespmem:$0xFC40] =	vst v63  }
0x146: {  	_ = 	snop  }
0x147: {  	[tilespmem:s12], [sflag:$0x3] =	stream.linear.gather [hbm4b:s30+s2], $0x2580, $0x38;
	[tilespmem:$0xFC40] =	vst v63  }
0x148: {  	_ =	swait.ge [sflag:s13], $0xC8  }
0x149: {  	[sflag:s13] =	ssyncset.done $0x0  }
0x14a: {  	[sflag:s13] =	ssyncadd.s32 $0xFFFFFF38  }
0x14b: {  	_ =	swait.ge [sflag:s14], $0x2580  }
0x14c: {  	[sflag:s14] =	ssyncset.done $0x0  }
0x14d: {  	[sflag:s14] =	ssyncadd.s32 $0xFFFFDA80  }
0x14e: {  	[spmem:s1] =	stream.indirect.scatter.add.f32 [tilespmem:s12], [sflag:$0x5], $0x30, s2, s15, $0xb8;
	[tilespmem:$0xFC40] =	vst v63  }
0x14f: {  	_ =	swait.ge [sflag:s20], $0x2580  }
0x150: {  	[sflag:s20] =	ssyncset.done $0x0;
	s25 =	rddreg [dreg:$0xe]  }
0x151: {  	s26 =	sld [smem:$0x7FB];
	[sflag:s20] =	ssyncadd.s32 $0xFFFFDA80  }
0x152: {  	[tilespmem:s15], [sflag:$0x2] =	stream.linear.gather [hbm4b:s25+s2], $0xC8, $0x38;
	[tilespmem:$0xFC40] =	vst v63  }
0x153: {  	_ = 	snop  }
0x154: {  	[tilespmem:s16], [sflag:$0x4] =	stream.linear.gather [hbm4b:s26+s2], $0x2580, $0x38;
	[tilespmem:$0xFC40] =	vst v63  }
0x155: {  	_ =	swait.ge [sflag:s17], $0xC8  }
0x156: {  	[sflag:s17] =	ssyncset.done $0x0  }
0x157: {  	[sflag:s17] =	ssyncadd.s32 $0xFFFFFF38  }
0x158: {  	_ =	swait.ge [sflag:s18], $0x2580  }
0x159: {  	[sflag:s18] =	ssyncset.done $0x0  }
0x15a: {  	[sflag:s18] =	ssyncadd.s32 $0xFFFFDA80  }
0x15b: {  	[spmem:s1] =	stream.indirect.scatter.add.f32 [tilespmem:s16], [sflag:$0x6], $0x30, s15, s15, $0xb8;
	[tilespmem:$0xFC40] =	vst v63  }
0x15c: {  	_ =	swait.ge [sflag:s19], $0x2580  }
0x15d: {  	s28 =	sld [smem:$0x7FC]  }
0x15e: {  	[sflag:s19] =	ssyncset.done $0x0  }
0x15f: {  	s29 =	sld [smem:$0x7FD];
	[sflag:s19] =	ssyncadd.s32 $0xFFFFDA80  }
0x160: {  	[tilespmem:s2], [sflag:$0x1] =	stream.linear.gather [hbm4b:s28+s2], $0xC8, $0x38;
	[tilespmem:$0xFC40] =	vst v63  }
0x161: {  	_ = 	snop  }
0x162: {  	[tilespmem:s12], [sflag:$0x3] =	stream.linear.gather [hbm4b:s29+s2], $0x2580, $0x38;
	[tilespmem:$0xFC40] =	vst v63  }
0x163: {  	_ =	swait.ge [sflag:s13], $0xC8  }
0x164: {  	[sflag:s13] =	ssyncset.done $0x0  }
0x165: {  	[sflag:s13] =	ssyncadd.s32 $0xFFFFFF38  }
0x166: {  	_ =	swait.ge [sflag:s14], $0x2580  }
0x167: {  	[sflag:s14] =	ssyncset.done $0x0  }
0x168: {  	[sflag:s14] =	ssyncadd.s32 $0xFFFFDA80  }
0x169: {  	[spmem:s1] =	stream.indirect.scatter.add.f32 [tilespmem:s12], [sflag:$0x5], $0x30, s2, s15, $0xb8;
	[tilespmem:$0xFC40] =	vst v63  }
0x16a: {  	_ =	swait.ge [sflag:s20], $0x2580  }
0x16b: {  	[sflag:s20] =	ssyncset.done $0x0  }
0x16c: {  	s30 =	rddreg [dreg:$0xf];
	[sflag:s20] =	ssyncadd.s32 $0xFFFFDA80  }
0x16d: {  	[tilespmem:s15], [sflag:$0x2] =	stream.linear.gather [hbm4b:s30+s2], $0xC8, $0x38;
	[tilespmem:$0xFC40] =	vst v63  }
0x16e: {  	_ = 	snop  }
0x16f: {  	[tilespmem:s16], [sflag:$0x4] =	stream.linear.gather [hbm4b:s31+s2], $0x2580, $0x38;
	[tilespmem:$0xFC40] =	vst v63  }
0x170: {  	_ =	swait.ge [sflag:s17], $0xC8  }
0x171: {  	[sflag:s17] =	ssyncset.done $0x0  }
0x172: {  	[sflag:s17] =	ssyncadd.s32 $0xFFFFFF38  }
0x173: {  	_ =	swait.ge [sflag:s18], $0x2580  }
0x174: {  	[sflag:s18] =	ssyncset.done $0x0  }
0x175: {  	[sflag:s18] =	ssyncadd.s32 $0xFFFFDA80  }
0x176: {  	[spmem:s1] =	stream.indirect.scatter.add.f32 [tilespmem:s16], [sflag:$0x6], $0x30, s15, s15, $0xb8;
	[tilespmem:$0xFC40] =	vst v63  }
0x177: {  	_ =	swait.ge [sflag:s19], $0x2580  }
0x178: {  	[sflag:s19] =	ssyncset.done $0x0  }
0x179: {  	[sflag:s19] =	ssyncadd.s32 $0xFFFFDA80  }
0x17a: {  	[tilespmem:s2], [sflag:$0x1] =	stream.linear.gather [hbm4b:s0+s2], $0xC8, $0x38;
	[tilespmem:$0xFC40] =	vst v63  }
0x17b: {  	_ = 	snop  }
0x17c: {  	[tilespmem:s12], [sflag:$0x3] =	stream.linear.gather [hbm4b:s3+s2], $0x2580, $0x38;
	[tilespmem:$0xFC40] =	vst v63  }
0x17d: {  	_ =	swait.ge [sflag:s13], $0xC8  }
0x17e: {  	[sflag:s13] =	ssyncset.done $0x0  }
0x17f: {  	[sflag:s13] =	ssyncadd.s32 $0xFFFFFF38  }
0x180: {  	_ =	swait.ge [sflag:s14], $0x2580  }
0x181: {  	[sflag:s14] =	ssyncset.done $0x0  }
0x182: {  	[sflag:s14] =	ssyncadd.s32 $0xFFFFDA80  }
0x183: {  	[spmem:s1] =	stream.indirect.scatter.add.f32 [tilespmem:s12], [sflag:$0x5], $0x30, s2, s15, $0xb8;
	[tilespmem:$0xFC40] =	vst v63  }
0x184: {  	_ =	swait.ge [sflag:s20], $0x2580  }
0x185: {  	[sflag:s20] =	ssyncset.done $0x0  }
0x186: {  	s25 =	rddreg [dreg:$0x10];
	[sflag:s20] =	ssyncadd.s32 $0xFFFFDA80  }
0x187: {  	[tilespmem:s15], [sflag:$0x2] =	stream.linear.gather [hbm4b:s25+s2], $0xC8, $0x38;
	[tilespmem:$0xFC40] =	vst v63  }
0x188: {  	_ = 	snop  }
0x189: {  	[tilespmem:s16], [sflag:$0x4] =	stream.linear.gather [hbm4b:s5+s2], $0x2580, $0x38;
	[tilespmem:$0xFC40] =	vst v63  }
0x18a: {  	_ =	swait.ge [sflag:s17], $0xC8  }
0x18b: {  	[sflag:s17] =	ssyncset.done $0x0  }
0x18c: {  	[sflag:s17] =	ssyncadd.s32 $0xFFFFFF38  }
0x18d: {  	_ =	swait.ge [sflag:s18], $0x2580  }
0x18e: {  	[sflag:s18] =	ssyncset.done $0x0  }
0x18f: {  	[sflag:s18] =	ssyncadd.s32 $0xFFFFDA80  }
0x190: {  	[spmem:s1] =	stream.indirect.scatter.add.f32 [tilespmem:s16], [sflag:$0x6], $0x30, s15, s15, $0xb8;
	[tilespmem:$0xFC40] =	vst v63  }
0x191: {  	_ =	swait.ge [sflag:s19], $0x2580  }
0x192: {  	[sflag:s19] =	ssyncset.done $0x0  }
0x193: {  	[sflag:s19] =	ssyncadd.s32 $0xFFFFDA80  }
0x194: {  	[tilespmem:s2], [sflag:$0x1] =	stream.linear.gather [hbm4b:s9+s2], $0xC8, $0x38;
	[tilespmem:$0xFC40] =	vst v63  }
0x195: {  	_ = 	snop  }
0x196: {  	[tilespmem:s12], [sflag:$0x3] =	stream.linear.gather [hbm4b:s23+s2], $0x2580, $0x38;
	[tilespmem:$0xFC40] =	vst v63  }
0x197: {  	_ =	swait.ge [sflag:s13], $0xC8  }
0x198: {  	[sflag:s13] =	ssyncset.done $0x0  }
0x199: {  	[sflag:s13] =	ssyncadd.s32 $0xFFFFFF38  }
0x19a: {  	_ =	swait.ge [sflag:s14], $0x2580  }
0x19b: {  	[sflag:s14] =	ssyncset.done $0x0  }
0x19c: {  	[sflag:s14] =	ssyncadd.s32 $0xFFFFDA80  }
0x19d: {  	[spmem:s1] =	stream.indirect.scatter.add.f32 [tilespmem:s12], [sflag:$0x5], $0x30, s2, s15, $0xb8;
	[tilespmem:$0xFC40] =	vst v63  }
0x19e: {  	_ =	swait.ge [sflag:s20], $0x2580  }
0x19f: {  	[sflag:s20] =	ssyncset.done $0x0  }
0x1a0: {  	[sflag:s20] =	ssyncadd.s32 $0xFFFFDA80  }
0x1a1: {  	_ =	swait.ge [sflag:s19], $0x2580  }
0x1a2: {  	[sflag:s19] =	ssyncset.done $0x0  }
0x1a3: {  	s26 =	stileid.u32;
	[sflag:s19] =	ssyncadd.s32 $0xFFFFDA80  }
0x1a4: {  	s24 =	sshll.u32 s26, $0x6;
	[bflag:$0x0] =	sbarrier.arrive $0xFFFF  }
0x1a5: {  	s24 =	sor.u32 $0x1C07, s24;
	s28 =	sshrl.u32 s4, $0x3;
	s29 =	rddreg [dreg:$0x14]  }
0x1a6: {  	[hbm:s29], [sflag:s24] =	dma.local [spmem:s28], $0xEA0  }
0x1a7: {  	_ =	swait.ge [sflag:s11], $0xEA0  }
0x1a8: {  	[sflag:s11] =	ssyncset.done $0x0;
	s25 =	rddreg [dreg:$0x12]  }
0x1a9: {  	s26 =	sshrl.u32 @!p0 s6, $0x3;
	[sflag:s11] =	ssyncadd.s32 $0xFFFFF160;
	s25 =	sadd.s32 @!p0 $0xEA00, s25  }
0x1aa: {  	[hbm:s25], [sflag:s24] =	dma.local @!p0 [spmem:s26], $0x60  }
0x1ab: {  	_ =	swait.ge @!p0 [sflag:s22], $0x60  }
0x1ac: {  	s21 =	sadd.s32 $0x1, s21;
	s30 =	rddreg [dreg:$0x13]  }
0x1ad: {  	p1 =	sne.s32 s21, s30  }
.Ltmp1:
0x1ae: {  	_ = 	snop;
	(pc) =	sbr.rel @p1 .LBB2_1-.Ltmp1, $3  }
0x1af: {  	_ =	sdelay $0x1  }
0x1b0: {  	[sflag:s22] =	ssyncset.done @!p0 $0x0  }
0x1b1: {  	[sflag:s22] =	ssyncadd.s32 @!p0 $0xFFFFFFA0  }
0x1b2: {  	_ =	sfence.sel $0x180000  }
0x1b3: {  	[bflag:$0x0] =	sbarrier.arrive $0xFFFF  }
0x1b4: {  	_ =	strace $0x9000004A  }
0x1b5: {  	s0 =	stileid.u32;
	[bflag:$0x2] =	sbarrier.arrive $0xFFFF  }
0x1b6: {  	p0 =	sne.s32 s0, $0x0;
	s0 =	rddreg [dreg:$0x2]  }
0x1b7: {  	s0 =	sadd.s32 @!p0 $0x100000, s0  }
0x1b8: {  	[sflag:s0] =	ssyncadd.tile.s32 @!p0 $0x1;
	_ =	shalt  }
.Lfunc_end2:
_tile_overlayer_lowered:
.L_overlay_start_2:
0x1b9: {  	(tag) =	ssettag $0x2  }
0x1ba: {  	s0 =	rddreg [dreg:$0x0];
	s2 =	stileid.u32  }
0x1bb: {  	s1 =	rddreg [dreg:$0x1];
	p0 =	sne.s32 s2, $0x0  }
0x1bc: {  	s3 =	rddreg [dreg:$0x2];
	[bflag:$0x3] =	sbarrier.arrive $0xFFFF;
	s2 =	simm.s32 @!p0 $0x1C07  }
0x1bd: {  	[timem:s3], [sflag:s2] =	dma.local @!p0 [hbm:s0], s1  }
0x1be: {  	s0 =	simm.s32 @!p0 $0x7  }
0x1bf: {  	_ =	swait.ge @!p0 [sflag:s0], s1  }
0x1c0: {  	s1 =	ssub.s32 @!p0 $0x0, s1;
	[sflag:s0] =	ssyncset.done @!p0 $0x0  }
0x1c1: {  	[sflag:s0] =	ssyncadd.s32 @!p0 s1  }
0x1c2: {  	[bflag:$0x3] =	sbarrier.arrive $0xFFFF  }
0x1c3: {  	_ =	shalt  }

</sc_bundles>
